<compile_context>
chip_gen: v7x
topology: tpu7x:2x2x1
jax: 0.10.2.dev20260603
libtpu: 0.0.44.dev20260713+nightly
codegen_flags: <defaults>
</compile_context>

<pallas_src>
import functools

import jax
import jax.numpy as jnp
import numpy as np
from jax import lax
from jax.experimental import pallas as pl
from jax.experimental.pallas import tpu as pltpu
from jax.experimental.pallas import tpu_sc as plsc

_NC = 19
_EPS = float(np.finfo(np.float32).eps)

_H = 512
_W = 512
_NB = 4
_TC_ROWS = 384
_TC_BLK = 128
_NW = 32
_GRP = 8


def _tc_body(x_ref, t_ref, hist_ref, acc_ref, *, num_steps, rows):
    step = pl.program_id(0)

    @pl.when(step == 0)
    def _init():
        acc_ref[...] = jnp.zeros_like(acc_ref)

    x = x_ref[0]
    t = t_ref[...]
    cls = lax.broadcasted_iota(jnp.int32, (_NC, rows, _W), 0)
    m = jnp.max(x, axis=0, keepdims=True)
    pred = jnp.min(jnp.where(x == m, cls, _NC), axis=0, keepdims=True)
    npx = rows * _W
    t2 = t.reshape(1, npx)
    p2 = pred.reshape(1, npx)
    cls2 = lax.broadcasted_iota(jnp.int32, (_NC, npx), 0)
    a = (cls2 == t2).astype(jnp.bfloat16)
    b = (cls2 == p2).astype(jnp.bfloat16)
    acc_ref[...] += lax.dot_general(
        a, b, (((1,), (1,)), ((), ())),
        preferred_element_type=jnp.float32)

    @pl.when(step == num_steps - 1)
    def _write():
        hist_ref[...] = acc_ref[...]


def _tc_partial_hist(logits, target):
    steps_per_b = _TC_ROWS // _TC_BLK
    num_steps = _NB * steps_per_b
    return pl.pallas_call(
        functools.partial(_tc_body, num_steps=num_steps, rows=_TC_BLK),
        grid=(num_steps,),
        in_specs=[
            pl.BlockSpec((1, _NC, _TC_BLK, _W),
                         lambda i: (i // steps_per_b, 0, i % steps_per_b, 0)),
            pl.BlockSpec((1, _TC_BLK, _W),
                         lambda i: (i // steps_per_b, i % steps_per_b, 0)),
        ],
        out_specs=pl.BlockSpec((_NC, _NC), lambda i: (0, 0)),
        out_shape=jax.ShapeDtypeStruct((_NC, _NC), jnp.float32),
        scratch_shapes=[pltpu.VMEM((_NC, _NC), jnp.float32)],
    )(logits, target)


def _sc_hist_kernel(logit_hbm, tgt_hbm, out_hbm, buf, tbuf, hist, sem):
    sc_rows = _H - _TC_ROWS
    n_grp = sc_rows // _GRP
    n_tasks = _NB * n_grp
    tpw = n_tasks // _NW
    cid = lax.axis_index("c")
    sid = lax.axis_index("s")
    wid = sid * 2 + cid

    zero16 = jnp.zeros((16,), jnp.float32)
    for r in range(0, _NC * 32, 16):
        hist[pl.ds(r, 16)] = zero16

    ones16 = jnp.ones((16,), jnp.float32)
    for k in range(tpw):
        task = wid * tpw + k
        b = task // n_grp
        g = task % n_grp
        r0 = _TC_ROWS + g * _GRP
        copies = []
        for c in range(_NC):
            copies.append(pltpu.async_copy(
                logit_hbm.at[b, c, pl.ds(r0, _GRP), :],
                buf.at[pl.ds(c * _GRP, _GRP), :], sem))
        tcopy = pltpu.async_copy(
            tgt_hbm.at[b, pl.ds(r0, _GRP), :], tbuf, sem)
        for cp in copies:
            cp.wait()
        tcopy.wait()

        def vec_body(i, _):
            row = i >> 5
            lane = (i & 31) * 16
            m = buf[row, pl.ds(lane, 16)]
            am = jnp.zeros((16,), jnp.int32)
            for c in range(1, _NC):
                v = buf[c * _GRP + row, pl.ds(lane, 16)]
                gt = v > m
                m = jnp.where(gt, v, m)
                am = jnp.where(gt, c, am)
            t = tbuf[row, pl.ds(lane, 16)]
            valid = (t >= 0) & (t < _NC)
            ts = jnp.where(valid, t, 0)
            plsc.addupdate_scatter(hist, [ts * 32 + am], ones16, mask=valid)
            return 0

        lax.fori_loop(0, _GRP * _W // 16, vec_body, 0)

    pltpu.sync_copy(hist, out_hbm.at[pl.ds(wid * _NC * 32, _NC * 32)])


def _sc_partial_hist(logits, target):
    mesh = plsc.VectorSubcoreMesh(core_axis_name="c", subcore_axis_name="s")
    f = functools.partial(
        pl.kernel,
        mesh=mesh,
        out_type=jax.ShapeDtypeStruct((_NW * _NC * 32,), jnp.float32),
        scratch_types=[
            pltpu.VMEM((_NC * _GRP, _W), jnp.float32),
            pltpu.VMEM((_GRP, _W), jnp.int32),
            pltpu.VMEM((_NC * 32,), jnp.float32),
            pltpu.SemaphoreType.DMA,
        ],
        compiler_params=pltpu.CompilerParams(needs_layout_passes=False),
    )(_sc_hist_kernel)
    return f(logits, target)


def _final_body(tc_ref, sc_ref, o_ref):
    hist = tc_ref[...] + jnp.sum(sc_ref[...], axis=0)[:, :_NC]
    r0 = lax.broadcasted_iota(jnp.int32, (_NC, _NC), 0)
    r1 = lax.broadcasted_iota(jnp.int32, (_NC, _NC), 1)
    diag = (r0 == r1).astype(jnp.float32)
    tp = jnp.sum(hist * diag, axis=1)
    sum1 = jnp.sum(hist, axis=1)
    sum0 = jnp.sum(hist, axis=0)
    iou = tp / (sum1 + sum0 - tp + _EPS)
    o_ref[...] = jnp.reshape(jnp.sum(iou) * (100.0 / _NC), (1, 1))


def _finalize(hist_tc, hist_sc):
    return pl.pallas_call(
        _final_body,
        out_shape=jax.ShapeDtypeStruct((1, 1), jnp.float32),
    )(hist_tc, hist_sc)


def kernel(input_img, input, target):
    del input_img
    hist_tc = _tc_partial_hist(input, target)
    hist_sc = _sc_partial_hist(input, target)
    return _finalize(hist_tc, hist_sc.reshape(_NW, _NC, 32)).reshape(1)

# --- scband reference (transcript-rebuilt; emitter-appended) ---
"""Pipeline reference for scband-segmentation-metrics-764504179445 (READ-ONLY COPY).

The authoritative reference and input builder live on the scoring server;
editing this copy changes nothing except your own understanding.
"""

import jax, jax.numpy as jnp
import numpy as np

N_CLASSES = 19


def setup_inputs(seed: int = 0) -> dict:
    key = jax.random.key(seed)
    k1, k2, k3 = jax.random.split(key, 3)
    input_img = jax.random.normal(k1, (4, 3, 512, 512), dtype=jnp.float32)
    logits = jax.random.normal(k2, (4, N_CLASSES, 512, 512), dtype=jnp.float32)
    target = jax.random.randint(k3, (4, 512, 512), 0, N_CLASSES, dtype=jnp.int32)
    return {"input_img": input_img, "input": logits, "target": target}


def reference(input_img, input, target):
    n_class = N_CLASSES
    eps = jnp.asarray(np.finfo(np.float32).eps, dtype=jnp.float32)
    # label_preds.shape[1] > 1 -> argmax over class dim (torch .max(1)[1])
    preds = jnp.argmax(input, axis=1)
    lt = target.reshape(-1)
    lp = preds.reshape(-1)
    # _fast_hist: mask invalid labels, bincount of n_class*true + pred
    mask = (lt >= 0) & (lt < n_class)
    idx = n_class * lt + lp
    idx = jnp.where(mask, idx, 0)
    hist = jnp.bincount(idx, weights=mask.astype(jnp.float32), length=n_class * n_class)
    hist = hist.reshape(n_class, n_class)
    # _get_scores (MeanIoU branch used by forward)
    tp = jnp.diag(hist)
    sum_a1 = jnp.sum(hist, axis=1)
    sum_a0 = jnp.sum(hist, axis=0)
    iou = tp / (sum_a1 + sum_a0 - tp + eps)
    mean_iou = jnp.nanmean(iou) * 100.0
    # forward returns torch.FloatTensor([MeanIoU]) -> shape (1,)
    return jnp.reshape(mean_iou, (1,)).astype(jnp.float32)

if __name__ == "__main__":
    import jax
    _d = setup_inputs()
    print(jax.jit(kernel)(*tuple(_d.values())))

</pallas_src>

<mosaic_0001>
#map = affine_map<(d0, d1) -> (0, 0, 0, 0)>
#map1 = affine_map<(d0, d1) -> (0, 0, 0)>
#map2 = affine_map<(d0, d1) -> (0)>
module attributes {stable_mosaic.version = 14 : i64} {
  func.func @_sc_hist_kernel(%arg0: i32, %arg1: i32, %arg2: memref<4x19x512x512xf32, #tpu.memory_space<hbm>>, %arg3: memref<4x512x512xi32, #tpu.memory_space<hbm>>, %arg4: memref<19456xf32, #tpu.memory_space<hbm>>, %arg5: memref<152x512xf32, #tpu.memory_space<vmem>>, %arg6: memref<8x512xi32, #tpu.memory_space<vmem>>, %arg7: memref<608xf32, #tpu.memory_space<vmem>>, %arg8: memref<!tpu.dma_semaphore, #tpu.memory_space<semaphore_mem>>) attributes {dimension_semantics = [#tpu.dimension_semantics<core_parallel>, #tpu.dimension_semantics<subcore_parallel>], iteration_bounds = array<i64: 2, 16>, scalar_prefetch = 0 : i64, scratch_operands = 4 : i64, tpu.core_type = #tpu.core_type<sc_vector_subcore>, window_params = [{transform_indices = #map}, {transform_indices = #map1}, {transform_indices = #map2}]} {
    %mul3A = arith.constant 2 : i32
    %mul3A_0 = arith.muli %arg1, %mul3A : i32
    %add3A = arith.addi %mul3A_0, %arg0 : i32
    %broadcast_in_dim3A = arith.constant 0.000000e+00 : f32
    %broadcast_in_dim3A_1 = vector.broadcast %broadcast_in_dim3A : f32 to vector<16xf32>
    %swap3A = arith.constant 0 : index
    %swap3A_2 = tpu.vector_load %arg7[%swap3A] {strides = array<i32>} : memref<608xf32, #tpu.memory_space<vmem>>, vector<16xf32>,
    tpu.vector_store %arg7[%swap3A], %broadcast_in_dim3A_1 {strides = array<i32>} : memref<608xf32, #tpu.memory_space<vmem>>, vector<16xf32>,
    %swap3A_3 = arith.constant 16 : index
    %swap3A_4 = tpu.vector_load %arg7[%swap3A_3] {strides = array<i32>} : memref<608xf32, #tpu.memory_space<vmem>>, vector<16xf32>,
    tpu.vector_store %arg7[%swap3A_3], %broadcast_in_dim3A_1 {strides = array<i32>} : memref<608xf32, #tpu.memory_space<vmem>>, vector<16xf32>,
    %swap3A_5 = arith.constant 32 : index
    %swap3A_6 = tpu.vector_load %arg7[%swap3A_5] {strides = array<i32>} : memref<608xf32, #tpu.memory_space<vmem>>, vector<16xf32>,
    tpu.vector_store %arg7[%swap3A_5], %broadcast_in_dim3A_1 {strides = array<i32>} : memref<608xf32, #tpu.memory_space<vmem>>, vector<16xf32>,
    %swap3A_7 = arith.constant 48 : index
    %swap3A_8 = tpu.vector_load %arg7[%swap3A_7] {strides = array<i32>} : memref<608xf32, #tpu.memory_space<vmem>>, vector<16xf32>,
    tpu.vector_store %arg7[%swap3A_7], %broadcast_in_dim3A_1 {strides = array<i32>} : memref<608xf32, #tpu.memory_space<vmem>>, vector<16xf32>,
    %swap3A_9 = arith.constant 64 : index
    %swap3A_10 = tpu.vector_load %arg7[%swap3A_9] {strides = array<i32>} : memref<608xf32, #tpu.memory_space<vmem>>, vector<16xf32>,
    tpu.vector_store %arg7[%swap3A_9], %broadcast_in_dim3A_1 {strides = array<i32>} : memref<608xf32, #tpu.memory_space<vmem>>, vector<16xf32>,
    %swap3A_11 = arith.constant 80 : index
    %swap3A_12 = tpu.vector_load %arg7[%swap3A_11] {strides = array<i32>} : memref<608xf32, #tpu.memory_space<vmem>>, vector<16xf32>,
    tpu.vector_store %arg7[%swap3A_11], %broadcast_in_dim3A_1 {strides = array<i32>} : memref<608xf32, #tpu.memory_space<vmem>>, vector<16xf32>,
    %swap3A_13 = arith.constant 96 : index
    %swap3A_14 = tpu.vector_load %arg7[%swap3A_13] {strides = array<i32>} : memref<608xf32, #tpu.memory_space<vmem>>, vector<16xf32>,
    tpu.vector_store %arg7[%swap3A_13], %broadcast_in_dim3A_1 {strides = array<i32>} : memref<608xf32, #tpu.memory_space<vmem>>, vector<16xf32>,
    %swap3A_15 = arith.constant 112 : index
    %swap3A_16 = tpu.vector_load %arg7[%swap3A_15] {strides = array<i32>} : memref<608xf32, #tpu.memory_space<vmem>>, vector<16xf32>,
    tpu.vector_store %arg7[%swap3A_15], %broadcast_in_dim3A_1 {strides = array<i32>} : memref<608xf32, #tpu.memory_space<vmem>>, vector<16xf32>,
    %swap3A_17 = arith.constant 128 : index
    %swap3A_18 = tpu.vector_load %arg7[%swap3A_17] {strides = array<i32>} : memref<608xf32, #tpu.memory_space<vmem>>, vector<16xf32>,
    tpu.vector_store %arg7[%swap3A_17], %broadcast_in_dim3A_1 {strides = array<i32>} : memref<608xf32, #tpu.memory_space<vmem>>, vector<16xf32>,
    %swap3A_19 = arith.constant 144 : index
    %swap3A_20 = tpu.vector_load %arg7[%swap3A_19] {strides = array<i32>} : memref<608xf32, #tpu.memory_space<vmem>>, vector<16xf32>,
    tpu.vector_store %arg7[%swap3A_19], %broadcast_in_dim3A_1 {strides = array<i32>} : memref<608xf32, #tpu.memory_space<vmem>>, vector<16xf32>,
    %swap3A_21 = arith.constant 160 : index
    %swap3A_22 = tpu.vector_load %arg7[%swap3A_21] {strides = array<i32>} : memref<608xf32, #tpu.memory_space<vmem>>, vector<16xf32>,
    tpu.vector_store %arg7[%swap3A_21], %broadcast_in_dim3A_1 {strides = array<i32>} : memref<608xf32, #tpu.memory_space<vmem>>, vector<16xf32>,
    %swap3A_23 = arith.constant 176 : index
    %swap3A_24 = tpu.vector_load %arg7[%swap3A_23] {strides = array<i32>} : memref<608xf32, #tpu.memory_space<vmem>>, vector<16xf32>,
    tpu.vector_store %arg7[%swap3A_23], %broadcast_in_dim3A_1 {strides = array<i32>} : memref<608xf32, #tpu.memory_space<vmem>>, vector<16xf32>,
    %swap3A_25 = arith.constant 192 : index
    %swap3A_26 = tpu.vector_load %arg7[%swap3A_25] {strides = array<i32>} : memref<608xf32, #tpu.memory_space<vmem>>, vector<16xf32>,
    tpu.vector_store %arg7[%swap3A_25], %broadcast_in_dim3A_1 {strides = array<i32>} : memref<608xf32, #tpu.memory_space<vmem>>, vector<16xf32>,
    %swap3A_27 = arith.constant 208 : index
    %swap3A_28 = tpu.vector_load %arg7[%swap3A_27] {strides = array<i32>} : memref<608xf32, #tpu.memory_space<vmem>>, vector<16xf32>,
    tpu.vector_store %arg7[%swap3A_27], %broadcast_in_dim3A_1 {strides = array<i32>} : memref<608xf32, #tpu.memory_space<vmem>>, vector<16xf32>,
    %swap3A_29 = arith.constant 224 : index
    %swap3A_30 = tpu.vector_load %arg7[%swap3A_29] {strides = array<i32>} : memref<608xf32, #tpu.memory_space<vmem>>, vector<16xf32>,
    tpu.vector_store %arg7[%swap3A_29], %broadcast_in_dim3A_1 {strides = array<i32>} : memref<608xf32, #tpu.memory_space<vmem>>, vector<16xf32>,
    %swap3A_31 = arith.constant 240 : index
    %swap3A_32 = tpu.vector_load %arg7[%swap3A_31] {strides = array<i32>} : memref<608xf32, #tpu.memory_space<vmem>>, vector<16xf32>,
    tpu.vector_store %arg7[%swap3A_31], %broadcast_in_dim3A_1 {strides = array<i32>} : memref<608xf32, #tpu.memory_space<vmem>>, vector<16xf32>,
    %swap3A_33 = arith.constant 256 : index
    %swap3A_34 = tpu.vector_load %arg7[%swap3A_33] {strides = array<i32>} : memref<608xf32, #tpu.memory_space<vmem>>, vector<16xf32>,
    tpu.vector_store %arg7[%swap3A_33], %broadcast_in_dim3A_1 {strides = array<i32>} : memref<608xf32, #tpu.memory_space<vmem>>, vector<16xf32>,
    %swap3A_35 = arith.constant 272 : index
    %swap3A_36 = tpu.vector_load %arg7[%swap3A_35] {strides = array<i32>} : memref<608xf32, #tpu.memory_space<vmem>>, vector<16xf32>,
    tpu.vector_store %arg7[%swap3A_35], %broadcast_in_dim3A_1 {strides = array<i32>} : memref<608xf32, #tpu.memory_space<vmem>>, vector<16xf32>,
    %swap3A_37 = arith.constant 288 : index
    %swap3A_38 = tpu.vector_load %arg7[%swap3A_37] {strides = array<i32>} : memref<608xf32, #tpu.memory_space<vmem>>, vector<16xf32>,
    tpu.vector_store %arg7[%swap3A_37], %broadcast_in_dim3A_1 {strides = array<i32>} : memref<608xf32, #tpu.memory_space<vmem>>, vector<16xf32>,
    %swap3A_39 = arith.constant 304 : index
    %swap3A_40 = tpu.vector_load %arg7[%swap3A_39] {strides = array<i32>} : memref<608xf32, #tpu.memory_space<vmem>>, vector<16xf32>,
    tpu.vector_store %arg7[%swap3A_39], %broadcast_in_dim3A_1 {strides = array<i32>} : memref<608xf32, #tpu.memory_space<vmem>>, vector<16xf32>,
    %swap3A_41 = arith.constant 320 : index
    %swap3A_42 = tpu.vector_load %arg7[%swap3A_41] {strides = array<i32>} : memref<608xf32, #tpu.memory_space<vmem>>, vector<16xf32>,
    tpu.vector_store %arg7[%swap3A_41], %broadcast_in_dim3A_1 {strides = array<i32>} : memref<608xf32, #tpu.memory_space<vmem>>, vector<16xf32>,
    %swap3A_43 = arith.constant 336 : index
    %swap3A_44 = tpu.vector_load %arg7[%swap3A_43] {strides = array<i32>} : memref<608xf32, #tpu.memory_space<vmem>>, vector<16xf32>,
    tpu.vector_store %arg7[%swap3A_43], %broadcast_in_dim3A_1 {strides = array<i32>} : memref<608xf32, #tpu.memory_space<vmem>>, vector<16xf32>,
    %swap3A_45 = arith.constant 352 : index
    %swap3A_46 = tpu.vector_load %arg7[%swap3A_45] {strides = array<i32>} : memref<608xf32, #tpu.memory_space<vmem>>, vector<16xf32>,
    tpu.vector_store %arg7[%swap3A_45], %broadcast_in_dim3A_1 {strides = array<i32>} : memref<608xf32, #tpu.memory_space<vmem>>, vector<16xf32>,
    %swap3A_47 = arith.constant 368 : index
    %swap3A_48 = tpu.vector_load %arg7[%swap3A_47] {strides = array<i32>} : memref<608xf32, #tpu.memory_space<vmem>>, vector<16xf32>,
    tpu.vector_store %arg7[%swap3A_47], %broadcast_in_dim3A_1 {strides = array<i32>} : memref<608xf32, #tpu.memory_space<vmem>>, vector<16xf32>,
    %swap3A_49 = arith.constant 384 : index
    %swap3A_50 = tpu.vector_load %arg7[%swap3A_49] {strides = array<i32>} : memref<608xf32, #tpu.memory_space<vmem>>, vector<16xf32>,
    tpu.vector_store %arg7[%swap3A_49], %broadcast_in_dim3A_1 {strides = array<i32>} : memref<608xf32, #tpu.memory_space<vmem>>, vector<16xf32>,
    %swap3A_51 = arith.constant 400 : index
    %swap3A_52 = tpu.vector_load %arg7[%swap3A_51] {strides = array<i32>} : memref<608xf32, #tpu.memory_space<vmem>>, vector<16xf32>,
    tpu.vector_store %arg7[%swap3A_51], %broadcast_in_dim3A_1 {strides = array<i32>} : memref<608xf32, #tpu.memory_space<vmem>>, vector<16xf32>,
    %swap3A_53 = arith.constant 416 : index
    %swap3A_54 = tpu.vector_load %arg7[%swap3A_53] {strides = array<i32>} : memref<608xf32, #tpu.memory_space<vmem>>, vector<16xf32>,
    tpu.vector_store %arg7[%swap3A_53], %broadcast_in_dim3A_1 {strides = array<i32>} : memref<608xf32, #tpu.memory_space<vmem>>, vector<16xf32>,
    %swap3A_55 = arith.constant 432 : index
    %swap3A_56 = tpu.vector_load %arg7[%swap3A_55] {strides = array<i32>} : memref<608xf32, #tpu.memory_space<vmem>>, vector<16xf32>,
    tpu.vector_store %arg7[%swap3A_55], %broadcast_in_dim3A_1 {strides = array<i32>} : memref<608xf32, #tpu.memory_space<vmem>>, vector<16xf32>,
    %swap3A_57 = arith.constant 448 : index
    %swap3A_58 = tpu.vector_load %arg7[%swap3A_57] {strides = array<i32>} : memref<608xf32, #tpu.memory_space<vmem>>, vector<16xf32>,
    tpu.vector_store %arg7[%swap3A_57], %broadcast_in_dim3A_1 {strides = array<i32>} : memref<608xf32, #tpu.memory_space<vmem>>, vector<16xf32>,
    %swap3A_59 = arith.constant 464 : index
    %swap3A_60 = tpu.vector_load %arg7[%swap3A_59] {strides = array<i32>} : memref<608xf32, #tpu.memory_space<vmem>>, vector<16xf32>,
    tpu.vector_store %arg7[%swap3A_59], %broadcast_in_dim3A_1 {strides = array<i32>} : memref<608xf32, #tpu.memory_space<vmem>>, vector<16xf32>,
    %swap3A_61 = arith.constant 480 : index
    %swap3A_62 = tpu.vector_load %arg7[%swap3A_61] {strides = array<i32>} : memref<608xf32, #tpu.memory_space<vmem>>, vector<16xf32>,
    tpu.vector_store %arg7[%swap3A_61], %broadcast_in_dim3A_1 {strides = array<i32>} : memref<608xf32, #tpu.memory_space<vmem>>, vector<16xf32>,
    %swap3A_63 = arith.constant 496 : index
    %swap3A_64 = tpu.vector_load %arg7[%swap3A_63] {strides = array<i32>} : memref<608xf32, #tpu.memory_space<vmem>>, vector<16xf32>,
    tpu.vector_store %arg7[%swap3A_63], %broadcast_in_dim3A_1 {strides = array<i32>} : memref<608xf32, #tpu.memory_space<vmem>>, vector<16xf32>,
    %swap3A_65 = arith.constant 512 : index
    %swap3A_66 = tpu.vector_load %arg7[%swap3A_65] {strides = array<i32>} : memref<608xf32, #tpu.memory_space<vmem>>, vector<16xf32>,
    tpu.vector_store %arg7[%swap3A_65], %broadcast_in_dim3A_1 {strides = array<i32>} : memref<608xf32, #tpu.memory_space<vmem>>, vector<16xf32>,
    %swap3A_67 = arith.constant 528 : index
    %swap3A_68 = tpu.vector_load %arg7[%swap3A_67] {strides = array<i32>} : memref<608xf32, #tpu.memory_space<vmem>>, vector<16xf32>,
    tpu.vector_store %arg7[%swap3A_67], %broadcast_in_dim3A_1 {strides = array<i32>} : memref<608xf32, #tpu.memory_space<vmem>>, vector<16xf32>,
    %swap3A_69 = arith.constant 544 : index
    %swap3A_70 = tpu.vector_load %arg7[%swap3A_69] {strides = array<i32>} : memref<608xf32, #tpu.memory_space<vmem>>, vector<16xf32>,
    tpu.vector_store %arg7[%swap3A_69], %broadcast_in_dim3A_1 {strides = array<i32>} : memref<608xf32, #tpu.memory_space<vmem>>, vector<16xf32>,
    %swap3A_71 = arith.constant 560 : index
    %swap3A_72 = tpu.vector_load %arg7[%swap3A_71] {strides = array<i32>} : memref<608xf32, #tpu.memory_space<vmem>>, vector<16xf32>,
    tpu.vector_store %arg7[%swap3A_71], %broadcast_in_dim3A_1 {strides = array<i32>} : memref<608xf32, #tpu.memory_space<vmem>>, vector<16xf32>,
    %swap3A_73 = arith.constant 576 : index
    %swap3A_74 = tpu.vector_load %arg7[%swap3A_73] {strides = array<i32>} : memref<608xf32, #tpu.memory_space<vmem>>, vector<16xf32>,
    tpu.vector_store %arg7[%swap3A_73], %broadcast_in_dim3A_1 {strides = array<i32>} : memref<608xf32, #tpu.memory_space<vmem>>, vector<16xf32>,
    %swap3A_75 = arith.constant 592 : index
    %swap3A_76 = tpu.vector_load %arg7[%swap3A_75] {strides = array<i32>} : memref<608xf32, #tpu.memory_space<vmem>>, vector<16xf32>,
    tpu.vector_store %arg7[%swap3A_75], %broadcast_in_dim3A_1 {strides = array<i32>} : memref<608xf32, #tpu.memory_space<vmem>>, vector<16xf32>,
    %broadcast_in_dim3A_77 = arith.constant 1.000000e+00 : f32
    %broadcast_in_dim3A_78 = vector.broadcast %broadcast_in_dim3A_77 : f32 to vector<16xf32>
    %mul3A_79 = arith.constant 2 : i32
    %mul3A_80 = arith.muli %add3A, %mul3A_79 : i32
    %add3A_81 = arith.constant 0 : i32
    %add3A_82 = arith.addi %mul3A_80, %add3A_81 : i32
    %jit3A = arith.constant 16 : i32
    %div3A = arith.divsi %add3A_82, %jit3A : i32
    %sign3A = arith.constant 0 : i32
    %sign3A_83 = arith.cmpi sgt, %add3A_82, %sign3A : i32
    %sign3A_84 = arith.extui %sign3A_83 : i1 to i32
    %sign3A_85 = arith.constant 0 : i32
    %sign3A_86 = arith.cmpi slt, %add3A_82, %sign3A_85 : i32
    %sign3A_87 = arith.extui %sign3A_86 : i1 to i32
    %sign3A_88 = arith.subi %sign3A_84, %sign3A_87 : i32
    %sign3A_89 = arith.constant 0 : i32
    %sign3A_90 = arith.cmpi sgt, %jit3A, %sign3A_89 : i32
    %sign3A_91 = arith.extui %sign3A_90 : i1 to i32
    %sign3A_92 = arith.constant 0 : i32
    %sign3A_93 = arith.cmpi slt, %jit3A, %sign3A_92 : i32
    %sign3A_94 = arith.extui %sign3A_93 : i1 to i32
    %sign3A_95 = arith.subi %sign3A_91, %sign3A_94 : i32
    %ne3A = arith.cmpi ne, %sign3A_88, %sign3A_95 : i32
    %rem3A = arith.remsi %add3A_82, %jit3A : i32
    %ne3A_96 = arith.constant 0 : i32
    %ne3A_97 = arith.cmpi ne, %rem3A, %ne3A_96 : i32
    %and3A = arith.andi %ne3A, %ne3A_97 : i1
    %sub3A = arith.constant 1 : i32
    %sub3A_98 = arith.subi %div3A, %sub3A : i32
    %select_n3A = arith.select %and3A, %sub3A_98, %div3A : i32
    %jit3A_99 = arith.constant 16 : i32
    %eq3A = arith.constant 0 : i32
    %eq3A_100 = arith.cmpi eq, %jit3A_99, %eq3A : i32
    %jit3A_101 = arith.constant 1 : i32
    %select_n3A_102 = arith.select %eq3A_100, %jit3A_101, %jit3A_99 : i32
    %rem3A_103 = arith.remsi %add3A_82, %select_n3A_102 : i32
    %ne3A_104 = arith.constant 0 : i32
    %ne3A_105 = arith.cmpi ne, %rem3A_103, %ne3A_104 : i32
    %lt3A = arith.constant 0 : i32
    %lt3A_106 = arith.cmpi slt, %rem3A_103, %lt3A : i32
    %lt3A_107 = arith.constant 0 : i32
    %lt3A_108 = arith.cmpi slt, %select_n3A_102, %lt3A_107 : i32
    %ne3A_109 = arith.xori %lt3A_106, %lt3A_108 : i1
    %and3A_110 = arith.andi %ne3A_109, %ne3A_105 : i1
    %add3A_111 = arith.addi %rem3A_103, %select_n3A_102 : i32
    %select_n3A_112 = arith.select %and3A_110, %add3A_111, %rem3A_103 : i32
    %mul3A_113 = arith.constant 8 : i32
    %mul3A_114 = arith.muli %select_n3A_112, %mul3A_113 : i32
    %add3A_115 = arith.constant 384 : i32
    %add3A_116 = arith.addi %add3A_115, %mul3A_114 : i32
    %dma_start3A = arith.constant 0 : i32
    %dma_start3A_117 = arith.constant 0 : i32
    %dma_start3A_118 = arith.constant 0 : i32
    %dma_start3A_119 = tpu.memref_slice %arg5[%dma_start3A_117, %dma_start3A_118] : memref<152x512xf32, #tpu.memory_space<vmem>> -> memref<8x512xf32, #tpu.memory_space<vmem>>
    %dma_start3A_120 = arith.constant 0 : i32
    %dma_start3A_121 = tpu.memref_slice %arg2[%select_n3A, %dma_start3A, %add3A_116, %dma_start3A_120] : memref<4x19x512x512xf32, #tpu.memory_space<hbm>> -> memref<1x1x8x512xf32, #tpu.memory_space<hbm>>
    %dma_start3A_122 = tpu.memref_squeeze %dma_start3A_121 : memref<1x1x8x512xf32, #tpu.memory_space<hbm>> -> memref<8x512xf32, #tpu.memory_space<hbm>>
    %dma_start3A_123 = arith.constant 0 : i32
    %dma_start3A_124 = arith.constant 0 : i32
    %dma_start3A_125 = tpu.memref_slice %arg5[%dma_start3A_123, %dma_start3A_124] : memref<152x512xf32, #tpu.memory_space<vmem>> -> memref<8x512xf32, #tpu.memory_space<vmem>>
    %dma_start3A_126 = arith.constant 0 : i32
    %dma_start3A_127 = tpu.memref_slice %arg2[%select_n3A, %dma_start3A, %add3A_116, %dma_start3A_126] : memref<4x19x512x512xf32, #tpu.memory_space<hbm>> -> memref<1x1x8x512xf32, #tpu.memory_space<hbm>>
    %dma_start3A_128 = tpu.memref_squeeze %dma_start3A_127 : memref<1x1x8x512xf32, #tpu.memory_space<hbm>> -> memref<8x512xf32, #tpu.memory_space<hbm>>
    tpu.enqueue_dma source(%dma_start3A_128 : memref<8x512xf32, #tpu.memory_space<hbm>>) target(%dma_start3A_125 : memref<8x512xf32, #tpu.memory_space<vmem>>) target_semaphore(%arg8 : memref<!tpu.dma_semaphore, #tpu.memory_space<semaphore_mem>>)
    %dma_start3A_129 = arith.constant 1 : i32
    %dma_start3A_130 = arith.constant 8 : i32
    %dma_start3A_131 = arith.constant 0 : i32
    %dma_start3A_132 = tpu.memref_slice %arg5[%dma_start3A_130, %dma_start3A_131] : memref<152x512xf32, #tpu.memory_space<vmem>> -> memref<8x512xf32, #tpu.memory_space<vmem>>
    %dma_start3A_133 = arith.constant 0 : i32
    %dma_start3A_134 = tpu.memref_slice %arg2[%select_n3A, %dma_start3A_129, %add3A_116, %dma_start3A_133] : memref<4x19x512x512xf32, #tpu.memory_space<hbm>> -> memref<1x1x8x512xf32, #tpu.memory_space<hbm>>
    %dma_start3A_135 = tpu.memref_squeeze %dma_start3A_134 : memref<1x1x8x512xf32, #tpu.memory_space<hbm>> -> memref<8x512xf32, #tpu.memory_space<hbm>>
    %dma_start3A_136 = arith.constant 8 : i32
    %dma_start3A_137 = arith.constant 0 : i32
    %dma_start3A_138 = tpu.memref_slice %arg5[%dma_start3A_136, %dma_start3A_137] : memref<152x512xf32, #tpu.memory_space<vmem>> -> memref<8x512xf32, #tpu.memory_space<vmem>>
    %dma_start3A_139 = arith.constant 0 : i32
    %dma_start3A_140 = tpu.memref_slice %arg2[%select_n3A, %dma_start3A_129, %add3A_116, %dma_start3A_139] : memref<4x19x512x512xf32, #tpu.memory_space<hbm>> -> memref<1x1x8x512xf32, #tpu.memory_space<hbm>>
    %dma_start3A_141 = tpu.memref_squeeze %dma_start3A_140 : memref<1x1x8x512xf32, #tpu.memory_space<hbm>> -> memref<8x512xf32, #tpu.memory_space<hbm>>
    tpu.enqueue_dma source(%dma_start3A_141 : memref<8x512xf32, #tpu.memory_space<hbm>>) target(%dma_start3A_138 : memref<8x512xf32, #tpu.memory_space<vmem>>) target_semaphore(%arg8 : memref<!tpu.dma_semaphore, #tpu.memory_space<semaphore_mem>>)
    %dma_start3A_142 = arith.constant 2 : i32
    %dma_start3A_143 = arith.constant 16 : i32
    %dma_start3A_144 = arith.constant 0 : i32
    %dma_start3A_145 = tpu.memref_slice %arg5[%dma_start3A_143, %dma_start3A_144] : memref<152x512xf32, #tpu.memory_space<vmem>> -> memref<8x512xf32, #tpu.memory_space<vmem>>
    %dma_start3A_146 = arith.constant 0 : i32
    %dma_start3A_147 = tpu.memref_slice %arg2[%select_n3A, %dma_start3A_142, %add3A_116, %dma_start3A_146] : memref<4x19x512x512xf32, #tpu.memory_space<hbm>> -> memref<1x1x8x512xf32, #tpu.memory_space<hbm>>
    %dma_start3A_148 = tpu.memref_squeeze %dma_start3A_147 : memref<1x1x8x512xf32, #tpu.memory_space<hbm>> -> memref<8x512xf32, #tpu.memory_space<hbm>>
    %dma_start3A_149 = arith.constant 16 : i32
    %dma_start3A_150 = arith.constant 0 : i32
    %dma_start3A_151 = tpu.memref_slice %arg5[%dma_start3A_149, %dma_start3A_150] : memref<152x512xf32, #tpu.memory_space<vmem>> -> memref<8x512xf32, #tpu.memory_space<vmem>>
    %dma_start3A_152 = arith.constant 0 : i32
    %dma_start3A_153 = tpu.memref_slice %arg2[%select_n3A, %dma_start3A_142, %add3A_116, %dma_start3A_152] : memref<4x19x512x512xf32, #tpu.memory_space<hbm>> -> memref<1x1x8x512xf32, #tpu.memory_space<hbm>>
    %dma_start3A_154 = tpu.memref_squeeze %dma_start3A_153 : memref<1x1x8x512xf32, #tpu.memory_space<hbm>> -> memref<8x512xf32, #tpu.memory_space<hbm>>
    tpu.enqueue_dma source(%dma_start3A_154 : memref<8x512xf32, #tpu.memory_space<hbm>>) target(%dma_start3A_151 : memref<8x512xf32, #tpu.memory_space<vmem>>) target_semaphore(%arg8 : memref<!tpu.dma_semaphore, #tpu.memory_space<semaphore_mem>>)
    %dma_start3A_155 = arith.constant 3 : i32
    %dma_start3A_156 = arith.constant 24 : i32
    %dma_start3A_157 = arith.constant 0 : i32
    %dma_start3A_158 = tpu.memref_slice %arg5[%dma_start3A_156, %dma_start3A_157] : memref<152x512xf32, #tpu.memory_space<vmem>> -> memref<8x512xf32, #tpu.memory_space<vmem>>
    %dma_start3A_159 = arith.constant 0 : i32
    %dma_start3A_160 = tpu.memref_slice %arg2[%select_n3A, %dma_start3A_155, %add3A_116, %dma_start3A_159] : memref<4x19x512x512xf32, #tpu.memory_space<hbm>> -> memref<1x1x8x512xf32, #tpu.memory_space<hbm>>
    %dma_start3A_161 = tpu.memref_squeeze %dma_start3A_160 : memref<1x1x8x512xf32, #tpu.memory_space<hbm>> -> memref<8x512xf32, #tpu.memory_space<hbm>>
    %dma_start3A_162 = arith.constant 24 : i32
    %dma_start3A_163 = arith.constant 0 : i32
    %dma_start3A_164 = tpu.memref_slice %arg5[%dma_start3A_162, %dma_start3A_163] : memref<152x512xf32, #tpu.memory_space<vmem>> -> memref<8x512xf32, #tpu.memory_space<vmem>>
    %dma_start3A_165 = arith.constant 0 : i32
    %dma_start3A_166 = tpu.memref_slice %arg2[%select_n3A, %dma_start3A_155, %add3A_116, %dma_start3A_165] : memref<4x19x512x512xf32, #tpu.memory_space<hbm>> -> memref<1x1x8x512xf32, #tpu.memory_space<hbm>>
    %dma_start3A_167 = tpu.memref_squeeze %dma_start3A_166 : memref<1x1x8x512xf32, #tpu.memory_space<hbm>> -> memref<8x512xf32, #tpu.memory_space<hbm>>
    tpu.enqueue_dma source(%dma_start3A_167 : memref<8x512xf32, #tpu.memory_space<hbm>>) target(%dma_start3A_164 : memref<8x512xf32, #tpu.memory_space<vmem>>) target_semaphore(%arg8 : memref<!tpu.dma_semaphore, #tpu.memory_space<semaphore_mem>>)
    %dma_start3A_168 = arith.constant 4 : i32
    %dma_start3A_169 = arith.constant 32 : i32
    %dma_start3A_170 = arith.constant 0 : i32
    %dma_start3A_171 = tpu.memref_slice %arg5[%dma_start3A_169, %dma_start3A_170] : memref<152x512xf32, #tpu.memory_space<vmem>> -> memref<8x512xf32, #tpu.memory_space<vmem>>
    %dma_start3A_172 = arith.constant 0 : i32
    %dma_start3A_173 = tpu.memref_slice %arg2[%select_n3A, %dma_start3A_168, %add3A_116, %dma_start3A_172] : memref<4x19x512x512xf32, #tpu.memory_space<hbm>> -> memref<1x1x8x512xf32, #tpu.memory_space<hbm>>
    %dma_start3A_174 = tpu.memref_squeeze %dma_start3A_173 : memref<1x1x8x512xf32, #tpu.memory_space<hbm>> -> memref<8x512xf32, #tpu.memory_space<hbm>>
    %dma_start3A_175 = arith.constant 32 : i32
    %dma_start3A_176 = arith.constant 0 : i32
    %dma_start3A_177 = tpu.memref_slice %arg5[%dma_start3A_175, %dma_start3A_176] : memref<152x512xf32, #tpu.memory_space<vmem>> -> memref<8x512xf32, #tpu.memory_space<vmem>>
    %dma_start3A_178 = arith.constant 0 : i32
    %dma_start3A_179 = tpu.memref_slice %arg2[%select_n3A, %dma_start3A_168, %add3A_116, %dma_start3A_178] : memref<4x19x512x512xf32, #tpu.memory_space<hbm>> -> memref<1x1x8x512xf32, #tpu.memory_space<hbm>>
    %dma_start3A_180 = tpu.memref_squeeze %dma_start3A_179 : memref<1x1x8x512xf32, #tpu.memory_space<hbm>> -> memref<8x512xf32, #tpu.memory_space<hbm>>
    tpu.enqueue_dma source(%dma_start3A_180 : memref<8x512xf32, #tpu.memory_space<hbm>>) target(%dma_start3A_177 : memref<8x512xf32, #tpu.memory_space<vmem>>) target_semaphore(%arg8 : memref<!tpu.dma_semaphore, #tpu.memory_space<semaphore_mem>>)
    %dma_start3A_181 = arith.constant 5 : i32
    %dma_start3A_182 = arith.constant 40 : i32
    %dma_start3A_183 = arith.constant 0 : i32
    %dma_start3A_184 = tpu.memref_slice %arg5[%dma_start3A_182, %dma_start3A_183] : memref<152x512xf32, #tpu.memory_space<vmem>> -> memref<8x512xf32, #tpu.memory_space<vmem>>
    %dma_start3A_185 = arith.constant 0 : i32
    %dma_start3A_186 = tpu.memref_slice %arg2[%select_n3A, %dma_start3A_181, %add3A_116, %dma_start3A_185] : memref<4x19x512x512xf32, #tpu.memory_space<hbm>> -> memref<1x1x8x512xf32, #tpu.memory_space<hbm>>
    %dma_start3A_187 = tpu.memref_squeeze %dma_start3A_186 : memref<1x1x8x512xf32, #tpu.memory_space<hbm>> -> memref<8x512xf32, #tpu.memory_space<hbm>>
    %dma_start3A_188 = arith.constant 40 : i32
    %dma_start3A_189 = arith.constant 0 : i32
    %dma_start3A_190 = tpu.memref_slice %arg5[%dma_start3A_188, %dma_start3A_189] : memref<152x512xf32, #tpu.memory_space<vmem>> -> memref<8x512xf32, #tpu.memory_space<vmem>>
    %dma_start3A_191 = arith.constant 0 : i32
    %dma_start3A_192 = tpu.memref_slice %arg2[%select_n3A, %dma_start3A_181, %add3A_116, %dma_start3A_191] : memref<4x19x512x512xf32, #tpu.memory_space<hbm>> -> memref<1x1x8x512xf32, #tpu.memory_space<hbm>>
    %dma_start3A_193 = tpu.memref_squeeze %dma_start3A_192 : memref<1x1x8x512xf32, #tpu.memory_space<hbm>> -> memref<8x512xf32, #tpu.memory_space<hbm>>
    tpu.enqueue_dma source(%dma_start3A_193 : memref<8x512xf32, #tpu.memory_space<hbm>>) target(%dma_start3A_190 : memref<8x512xf32, #tpu.memory_space<vmem>>) target_semaphore(%arg8 : memref<!tpu.dma_semaphore, #tpu.memory_space<semaphore_mem>>)
    %dma_start3A_194 = arith.constant 6 : i32
    %dma_start3A_195 = arith.constant 48 : i32
    %dma_start3A_196 = arith.constant 0 : i32
    %dma_start3A_197 = tpu.memref_slice %arg5[%dma_start3A_195, %dma_start3A_196] : memref<152x512xf32, #tpu.memory_space<vmem>> -> memref<8x512xf32, #tpu.memory_space<vmem>>
    %dma_start3A_198 = arith.constant 0 : i32
    %dma_start3A_199 = tpu.memref_slice %arg2[%select_n3A, %dma_start3A_194, %add3A_116, %dma_start3A_198] : memref<4x19x512x512xf32, #tpu.memory_space<hbm>> -> memref<1x1x8x512xf32, #tpu.memory_space<hbm>>
    %dma_start3A_200 = tpu.memref_squeeze %dma_start3A_199 : memref<1x1x8x512xf32, #tpu.memory_space<hbm>> -> memref<8x512xf32, #tpu.memory_space<hbm>>
    %dma_start3A_201 = arith.constant 48 : i32
    %dma_start3A_202 = arith.constant 0 : i32
    %dma_start3A_203 = tpu.memref_slice %arg5[%dma_start3A_201, %dma_start3A_202] : memref<152x512xf32, #tpu.memory_space<vmem>> -> memref<8x512xf32, #tpu.memory_space<vmem>>
    %dma_start3A_204 = arith.constant 0 : i32
    %dma_start3A_205 = tpu.memref_slice %arg2[%select_n3A, %dma_start3A_194, %add3A_116, %dma_start3A_204] : memref<4x19x512x512xf32, #tpu.memory_space<hbm>> -> memref<1x1x8x512xf32, #tpu.memory_space<hbm>>
    %dma_start3A_206 = tpu.memref_squeeze %dma_start3A_205 : memref<1x1x8x512xf32, #tpu.memory_space<hbm>> -> memref<8x512xf32, #tpu.memory_space<hbm>>
    tpu.enqueue_dma source(%dma_start3A_206 : memref<8x512xf32, #tpu.memory_space<hbm>>) target(%dma_start3A_203 : memref<8x512xf32, #tpu.memory_space<vmem>>) target_semaphore(%arg8 : memref<!tpu.dma_semaphore, #tpu.memory_space<semaphore_mem>>)
    %dma_start3A_207 = arith.constant 7 : i32
    %dma_start3A_208 = arith.constant 56 : i32
    %dma_start3A_209 = arith.constant 0 : i32
    %dma_start3A_210 = tpu.memref_slice %arg5[%dma_start3A_208, %dma_start3A_209] : memref<152x512xf32, #tpu.memory_space<vmem>> -> memref<8x512xf32, #tpu.memory_space<vmem>>
    %dma_start3A_211 = arith.constant 0 : i32
    %dma_start3A_212 = tpu.memref_slice %arg2[%select_n3A, %dma_start3A_207, %add3A_116, %dma_start3A_211] : memref<4x19x512x512xf32, #tpu.memory_space<hbm>> -> memref<1x1x8x512xf32, #tpu.memory_space<hbm>>
    %dma_start3A_213 = tpu.memref_squeeze %dma_start3A_212 : memref<1x1x8x512xf32, #tpu.memory_space<hbm>> -> memref<8x512xf32, #tpu.memory_space<hbm>>
    %dma_start3A_214 = arith.constant 56 : i32
    %dma_start3A_215 = arith.constant 0 : i32
    %dma_start3A_216 = tpu.memref_slice %arg5[%dma_start3A_214, %dma_start3A_215] : memref<152x512xf32, #tpu.memory_space<vmem>> -> memref<8x512xf32, #tpu.memory_space<vmem>>
    %dma_start3A_217 = arith.constant 0 : i32
    %dma_start3A_218 = tpu.memref_slice %arg2[%select_n3A, %dma_start3A_207, %add3A_116, %dma_start3A_217] : memref<4x19x512x512xf32, #tpu.memory_space<hbm>> -> memref<1x1x8x512xf32, #tpu.memory_space<hbm>>
    %dma_start3A_219 = tpu.memref_squeeze %dma_start3A_218 : memref<1x1x8x512xf32, #tpu.memory_space<hbm>> -> memref<8x512xf32, #tpu.memory_space<hbm>>
    tpu.enqueue_dma source(%dma_start3A_219 : memref<8x512xf32, #tpu.memory_space<hbm>>) target(%dma_start3A_216 : memref<8x512xf32, #tpu.memory_space<vmem>>) target_semaphore(%arg8 : memref<!tpu.dma_semaphore, #tpu.memory_space<semaphore_mem>>)
    %dma_start3A_220 = arith.constant 8 : i32
    %dma_start3A_221 = arith.constant 64 : i32
    %dma_start3A_222 = arith.constant 0 : i32
    %dma_start3A_223 = tpu.memref_slice %arg5[%dma_start3A_221, %dma_start3A_222] : memref<152x512xf32, #tpu.memory_space<vmem>> -> memref<8x512xf32, #tpu.memory_space<vmem>>
    %dma_start3A_224 = arith.constant 0 : i32
    %dma_start3A_225 = tpu.memref_slice %arg2[%select_n3A, %dma_start3A_220, %add3A_116, %dma_start3A_224] : memref<4x19x512x512xf32, #tpu.memory_space<hbm>> -> memref<1x1x8x512xf32, #tpu.memory_space<hbm>>
    %dma_start3A_226 = tpu.memref_squeeze %dma_start3A_225 : memref<1x1x8x512xf32, #tpu.memory_space<hbm>> -> memref<8x512xf32, #tpu.memory_space<hbm>>
    %dma_start3A_227 = arith.constant 64 : i32
    %dma_start3A_228 = arith.constant 0 : i32
    %dma_start3A_229 = tpu.memref_slice %arg5[%dma_start3A_227, %dma_start3A_228] : memref<152x512xf32, #tpu.memory_space<vmem>> -> memref<8x512xf32, #tpu.memory_space<vmem>>
    %dma_start3A_230 = arith.constant 0 : i32
    %dma_start3A_231 = tpu.memref_slice %arg2[%select_n3A, %dma_start3A_220, %add3A_116, %dma_start3A_230] : memref<4x19x512x512xf32, #tpu.memory_space<hbm>> -> memref<1x1x8x512xf32, #tpu.memory_space<hbm>>
    %dma_start3A_232 = tpu.memref_squeeze %dma_start3A_231 : memref<1x1x8x512xf32, #tpu.memory_space<hbm>> -> memref<8x512xf32, #tpu.memory_space<hbm>>
    tpu.enqueue_dma source(%dma_start3A_232 : memref<8x512xf32, #tpu.memory_space<hbm>>) target(%dma_start3A_229 : memref<8x512xf32, #tpu.memory_space<vmem>>) target_semaphore(%arg8 : memref<!tpu.dma_semaphore, #tpu.memory_space<semaphore_mem>>)
    %dma_start3A_233 = arith.constant 9 : i32
    %dma_start3A_234 = arith.constant 72 : i32
    %dma_start3A_235 = arith.constant 0 : i32
    %dma_start3A_236 = tpu.memref_slice %arg5[%dma_start3A_234, %dma_start3A_235] : memref<152x512xf32, #tpu.memory_space<vmem>> -> memref<8x512xf32, #tpu.memory_space<vmem>>
    %dma_start3A_237 = arith.constant 0 : i32
    %dma_start3A_238 = tpu.memref_slice %arg2[%select_n3A, %dma_start3A_233, %add3A_116, %dma_start3A_237] : memref<4x19x512x512xf32, #tpu.memory_space<hbm>> -> memref<1x1x8x512xf32, #tpu.memory_space<hbm>>
    %dma_start3A_239 = tpu.memref_squeeze %dma_start3A_238 : memref<1x1x8x512xf32, #tpu.memory_space<hbm>> -> memref<8x512xf32, #tpu.memory_space<hbm>>
    %dma_start3A_240 = arith.constant 72 : i32
    %dma_start3A_241 = arith.constant 0 : i32
    %dma_start3A_242 = tpu.memref_slice %arg5[%dma_start3A_240, %dma_start3A_241] : memref<152x512xf32, #tpu.memory_space<vmem>> -> memref<8x512xf32, #tpu.memory_space<vmem>>
    %dma_start3A_243 = arith.constant 0 : i32
    %dma_start3A_244 = tpu.memref_slice %arg2[%select_n3A, %dma_start3A_233, %add3A_116, %dma_start3A_243] : memref<4x19x512x512xf32, #tpu.memory_space<hbm>> -> memref<1x1x8x512xf32, #tpu.memory_space<hbm>>
    %dma_start3A_245 = tpu.memref_squeeze %dma_start3A_244 : memref<1x1x8x512xf32, #tpu.memory_space<hbm>> -> memref<8x512xf32, #tpu.memory_space<hbm>>
    tpu.enqueue_dma source(%dma_start3A_245 : memref<8x512xf32, #tpu.memory_space<hbm>>) target(%dma_start3A_242 : memref<8x512xf32, #tpu.memory_space<vmem>>) target_semaphore(%arg8 : memref<!tpu.dma_semaphore, #tpu.memory_space<semaphore_mem>>)
    %dma_start3A_246 = arith.constant 10 : i32
    %dma_start3A_247 = arith.constant 80 : i32
    %dma_start3A_248 = arith.constant 0 : i32
    %dma_start3A_249 = tpu.memref_slice %arg5[%dma_start3A_247, %dma_start3A_248] : memref<152x512xf32, #tpu.memory_space<vmem>> -> memref<8x512xf32, #tpu.memory_space<vmem>>
    %dma_start3A_250 = arith.constant 0 : i32
    %dma_start3A_251 = tpu.memref_slice %arg2[%select_n3A, %dma_start3A_246, %add3A_116, %dma_start3A_250] : memref<4x19x512x512xf32, #tpu.memory_space<hbm>> -> memref<1x1x8x512xf32, #tpu.memory_space<hbm>>
    %dma_start3A_252 = tpu.memref_squeeze %dma_start3A_251 : memref<1x1x8x512xf32, #tpu.memory_space<hbm>> -> memref<8x512xf32, #tpu.memory_space<hbm>>
    %dma_start3A_253 = arith.constant 80 : i32
    %dma_start3A_254 = arith.constant 0 : i32
    %dma_start3A_255 = tpu.memref_slice %arg5[%dma_start3A_253, %dma_start3A_254] : memref<152x512xf32, #tpu.memory_space<vmem>> -> memref<8x512xf32, #tpu.memory_space<vmem>>
    %dma_start3A_256 = arith.constant 0 : i32
    %dma_start3A_257 = tpu.memref_slice %arg2[%select_n3A, %dma_start3A_246, %add3A_116, %dma_start3A_256] : memref<4x19x512x512xf32, #tpu.memory_space<hbm>> -> memref<1x1x8x512xf32, #tpu.memory_space<hbm>>
    %dma_start3A_258 = tpu.memref_squeeze %dma_start3A_257 : memref<1x1x8x512xf32, #tpu.memory_space<hbm>> -> memref<8x512xf32, #tpu.memory_space<hbm>>
    tpu.enqueue_dma source(%dma_start3A_258 : memref<8x512xf32, #tpu.memory_space<hbm>>) target(%dma_start3A_255 : memref<8x512xf32, #tpu.memory_space<vmem>>) target_semaphore(%arg8 : memref<!tpu.dma_semaphore, #tpu.memory_space<semaphore_mem>>)
    %dma_start3A_259 = arith.constant 11 : i32
    %dma_start3A_260 = arith.constant 88 : i32
    %dma_start3A_261 = arith.constant 0 : i32
    %dma_start3A_262 = tpu.memref_slice %arg5[%dma_start3A_260, %dma_start3A_261] : memref<152x512xf32, #tpu.memory_space<vmem>> -> memref<8x512xf32, #tpu.memory_space<vmem>>
    %dma_start3A_263 = arith.constant 0 : i32
    %dma_start3A_264 = tpu.memref_slice %arg2[%select_n3A, %dma_start3A_259, %add3A_116, %dma_start3A_263] : memref<4x19x512x512xf32, #tpu.memory_space<hbm>> -> memref<1x1x8x512xf32, #tpu.memory_space<hbm>>
    %dma_start3A_265 = tpu.memref_squeeze %dma_start3A_264 : memref<1x1x8x512xf32, #tpu.memory_space<hbm>> -> memref<8x512xf32, #tpu.memory_space<hbm>>
    %dma_start3A_266 = arith.constant 88 : i32
    %dma_start3A_267 = arith.constant 0 : i32
    %dma_start3A_268 = tpu.memref_slice %arg5[%dma_start3A_266, %dma_start3A_267] : memref<152x512xf32, #tpu.memory_space<vmem>> -> memref<8x512xf32, #tpu.memory_space<vmem>>
    %dma_start3A_269 = arith.constant 0 : i32
    %dma_start3A_270 = tpu.memref_slice %arg2[%select_n3A, %dma_start3A_259, %add3A_116, %dma_start3A_269] : memref<4x19x512x512xf32, #tpu.memory_space<hbm>> -> memref<1x1x8x512xf32, #tpu.memory_space<hbm>>
    %dma_start3A_271 = tpu.memref_squeeze %dma_start3A_270 : memref<1x1x8x512xf32, #tpu.memory_space<hbm>> -> memref<8x512xf32, #tpu.memory_space<hbm>>
    tpu.enqueue_dma source(%dma_start3A_271 : memref<8x512xf32, #tpu.memory_space<hbm>>) target(%dma_start3A_268 : memref<8x512xf32, #tpu.memory_space<vmem>>) target_semaphore(%arg8 : memref<!tpu.dma_semaphore, #tpu.memory_space<semaphore_mem>>)
    %dma_start3A_272 = arith.constant 12 : i32
    %dma_start3A_273 = arith.constant 96 : i32
    %dma_start3A_274 = arith.constant 0 : i32
    %dma_start3A_275 = tpu.memref_slice %arg5[%dma_start3A_273, %dma_start3A_274] : memref<152x512xf32, #tpu.memory_space<vmem>> -> memref<8x512xf32, #tpu.memory_space<vmem>>
    %dma_start3A_276 = arith.constant 0 : i32
    %dma_start3A_277 = tpu.memref_slice %arg2[%select_n3A, %dma_start3A_272, %add3A_116, %dma_start3A_276] : memref<4x19x512x512xf32, #tpu.memory_space<hbm>> -> memref<1x1x8x512xf32, #tpu.memory_space<hbm>>
    %dma_start3A_278 = tpu.memref_squeeze %dma_start3A_277 : memref<1x1x8x512xf32, #tpu.memory_space<hbm>> -> memref<8x512xf32, #tpu.memory_space<hbm>>
    %dma_start3A_279 = arith.constant 96 : i32
    %dma_start3A_280 = arith.constant 0 : i32
    %dma_start3A_281 = tpu.memref_slice %arg5[%dma_start3A_279, %dma_start3A_280] : memref<152x512xf32, #tpu.memory_space<vmem>> -> memref<8x512xf32, #tpu.memory_space<vmem>>
    %dma_start3A_282 = arith.constant 0 : i32
    %dma_start3A_283 = tpu.memref_slice %arg2[%select_n3A, %dma_start3A_272, %add3A_116, %dma_start3A_282] : memref<4x19x512x512xf32, #tpu.memory_space<hbm>> -> memref<1x1x8x512xf32, #tpu.memory_space<hbm>>
    %dma_start3A_284 = tpu.memref_squeeze %dma_start3A_283 : memref<1x1x8x512xf32, #tpu.memory_space<hbm>> -> memref<8x512xf32, #tpu.memory_space<hbm>>
    tpu.enqueue_dma source(%dma_start3A_284 : memref<8x512xf32, #tpu.memory_space<hbm>>) target(%dma_start3A_281 : memref<8x512xf32, #tpu.memory_space<vmem>>) target_semaphore(%arg8 : memref<!tpu.dma_semaphore, #tpu.memory_space<semaphore_mem>>)
    %dma_start3A_285 = arith.constant 13 : i32
    %dma_start3A_286 = arith.constant 104 : i32
    %dma_start3A_287 = arith.constant 0 : i32
    %dma_start3A_288 = tpu.memref_slice %arg5[%dma_start3A_286, %dma_start3A_287] : memref<152x512xf32, #tpu.memory_space<vmem>> -> memref<8x512xf32, #tpu.memory_space<vmem>>
    %dma_start3A_289 = arith.constant 0 : i32
    %dma_start3A_290 = tpu.memref_slice %arg2[%select_n3A, %dma_start3A_285, %add3A_116, %dma_start3A_289] : memref<4x19x512x512xf32, #tpu.memory_space<hbm>> -> memref<1x1x8x512xf32, #tpu.memory_space<hbm>>
    %dma_start3A_291 = tpu.memref_squeeze %dma_start3A_290 : memref<1x1x8x512xf32, #tpu.memory_space<hbm>> -> memref<8x512xf32, #tpu.memory_space<hbm>>
    %dma_start3A_292 = arith.constant 104 : i32
    %dma_start3A_293 = arith.constant 0 : i32
    %dma_start3A_294 = tpu.memref_slice %arg5[%dma_start3A_292, %dma_start3A_293] : memref<152x512xf32, #tpu.memory_space<vmem>> -> memref<8x512xf32, #tpu.memory_space<vmem>>
    %dma_start3A_295 = arith.constant 0 : i32
    %dma_start3A_296 = tpu.memref_slice %arg2[%select_n3A, %dma_start3A_285, %add3A_116, %dma_start3A_295] : memref<4x19x512x512xf32, #tpu.memory_space<hbm>> -> memref<1x1x8x512xf32, #tpu.memory_space<hbm>>
    %dma_start3A_297 = tpu.memref_squeeze %dma_start3A_296 : memref<1x1x8x512xf32, #tpu.memory_space<hbm>> -> memref<8x512xf32, #tpu.memory_space<hbm>>
    tpu.enqueue_dma source(%dma_start3A_297 : memref<8x512xf32, #tpu.memory_space<hbm>>) target(%dma_start3A_294 : memref<8x512xf32, #tpu.memory_space<vmem>>) target_semaphore(%arg8 : memref<!tpu.dma_semaphore, #tpu.memory_space<semaphore_mem>>)
    %dma_start3A_298 = arith.constant 14 : i32
    %dma_start3A_299 = arith.constant 112 : i32
    %dma_start3A_300 = arith.constant 0 : i32
    %dma_start3A_301 = tpu.memref_slice %arg5[%dma_start3A_299, %dma_start3A_300] : memref<152x512xf32, #tpu.memory_space<vmem>> -> memref<8x512xf32, #tpu.memory_space<vmem>>
    %dma_start3A_302 = arith.constant 0 : i32
    %dma_start3A_303 = tpu.memref_slice %arg2[%select_n3A, %dma_start3A_298, %add3A_116, %dma_start3A_302] : memref<4x19x512x512xf32, #tpu.memory_space<hbm>> -> memref<1x1x8x512xf32, #tpu.memory_space<hbm>>
    %dma_start3A_304 = tpu.memref_squeeze %dma_start3A_303 : memref<1x1x8x512xf32, #tpu.memory_space<hbm>> -> memref<8x512xf32, #tpu.memory_space<hbm>>
    %dma_start3A_305 = arith.constant 112 : i32
    %dma_start3A_306 = arith.constant 0 : i32
    %dma_start3A_307 = tpu.memref_slice %arg5[%dma_start3A_305, %dma_start3A_306] : memref<152x512xf32, #tpu.memory_space<vmem>> -> memref<8x512xf32, #tpu.memory_space<vmem>>
    %dma_start3A_308 = arith.constant 0 : i32
    %dma_start3A_309 = tpu.memref_slice %arg2[%select_n3A, %dma_start3A_298, %add3A_116, %dma_start3A_308] : memref<4x19x512x512xf32, #tpu.memory_space<hbm>> -> memref<1x1x8x512xf32, #tpu.memory_space<hbm>>
    %dma_start3A_310 = tpu.memref_squeeze %dma_start3A_309 : memref<1x1x8x512xf32, #tpu.memory_space<hbm>> -> memref<8x512xf32, #tpu.memory_space<hbm>>
    tpu.enqueue_dma source(%dma_start3A_310 : memref<8x512xf32, #tpu.memory_space<hbm>>) target(%dma_start3A_307 : memref<8x512xf32, #tpu.memory_space<vmem>>) target_semaphore(%arg8 : memref<!tpu.dma_semaphore, #tpu.memory_space<semaphore_mem>>)
    %dma_start3A_311 = arith.constant 15 : i32
    %dma_start3A_312 = arith.constant 120 : i32
    %dma_start3A_313 = arith.constant 0 : i32
    %dma_start3A_314 = tpu.memref_slice %arg5[%dma_start3A_312, %dma_start3A_313] : memref<152x512xf32, #tpu.memory_space<vmem>> -> memref<8x512xf32, #tpu.memory_space<vmem>>
    %dma_start3A_315 = arith.constant 0 : i32
    %dma_start3A_316 = tpu.memref_slice %arg2[%select_n3A, %dma_start3A_311, %add3A_116, %dma_start3A_315] : memref<4x19x512x512xf32, #tpu.memory_space<hbm>> -> memref<1x1x8x512xf32, #tpu.memory_space<hbm>>
    %dma_start3A_317 = tpu.memref_squeeze %dma_start3A_316 : memref<1x1x8x512xf32, #tpu.memory_space<hbm>> -> memref<8x512xf32, #tpu.memory_space<hbm>>
    %dma_start3A_318 = arith.constant 120 : i32
    %dma_start3A_319 = arith.constant 0 : i32
    %dma_start3A_320 = tpu.memref_slice %arg5[%dma_start3A_318, %dma_start3A_319] : memref<152x512xf32, #tpu.memory_space<vmem>> -> memref<8x512xf32, #tpu.memory_space<vmem>>
    %dma_start3A_321 = arith.constant 0 : i32
    %dma_start3A_322 = tpu.memref_slice %arg2[%select_n3A, %dma_start3A_311, %add3A_116, %dma_start3A_321] : memref<4x19x512x512xf32, #tpu.memory_space<hbm>> -> memref<1x1x8x512xf32, #tpu.memory_space<hbm>>
    %dma_start3A_323 = tpu.memref_squeeze %dma_start3A_322 : memref<1x1x8x512xf32, #tpu.memory_space<hbm>> -> memref<8x512xf32, #tpu.memory_space<hbm>>
    tpu.enqueue_dma source(%dma_start3A_323 : memref<8x512xf32, #tpu.memory_space<hbm>>) target(%dma_start3A_320 : memref<8x512xf32, #tpu.memory_space<vmem>>) target_semaphore(%arg8 : memref<!tpu.dma_semaphore, #tpu.memory_space<semaphore_mem>>)
    %dma_start3A_324 = arith.constant 16 : i32
    %dma_start3A_325 = arith.constant 128 : i32
    %dma_start3A_326 = arith.constant 0 : i32
    %dma_start3A_327 = tpu.memref_slice %arg5[%dma_start3A_325, %dma_start3A_326] : memref<152x512xf32, #tpu.memory_space<vmem>> -> memref<8x512xf32, #tpu.memory_space<vmem>>
    %dma_start3A_328 = arith.constant 0 : i32
    %dma_start3A_329 = tpu.memref_slice %arg2[%select_n3A, %dma_start3A_324, %add3A_116, %dma_start3A_328] : memref<4x19x512x512xf32, #tpu.memory_space<hbm>> -> memref<1x1x8x512xf32, #tpu.memory_space<hbm>>
    %dma_start3A_330 = tpu.memref_squeeze %dma_start3A_329 : memref<1x1x8x512xf32, #tpu.memory_space<hbm>> -> memref<8x512xf32, #tpu.memory_space<hbm>>
    %dma_start3A_331 = arith.constant 128 : i32
    %dma_start3A_332 = arith.constant 0 : i32
    %dma_start3A_333 = tpu.memref_slice %arg5[%dma_start3A_331, %dma_start3A_332] : memref<152x512xf32, #tpu.memory_space<vmem>> -> memref<8x512xf32, #tpu.memory_space<vmem>>
    %dma_start3A_334 = arith.constant 0 : i32
    %dma_start3A_335 = tpu.memref_slice %arg2[%select_n3A, %dma_start3A_324, %add3A_116, %dma_start3A_334] : memref<4x19x512x512xf32, #tpu.memory_space<hbm>> -> memref<1x1x8x512xf32, #tpu.memory_space<hbm>>
    %dma_start3A_336 = tpu.memref_squeeze %dma_start3A_335 : memref<1x1x8x512xf32, #tpu.memory_space<hbm>> -> memref<8x512xf32, #tpu.memory_space<hbm>>
    tpu.enqueue_dma source(%dma_start3A_336 : memref<8x512xf32, #tpu.memory_space<hbm>>) target(%dma_start3A_333 : memref<8x512xf32, #tpu.memory_space<vmem>>) target_semaphore(%arg8 : memref<!tpu.dma_semaphore, #tpu.memory_space<semaphore_mem>>)
    %dma_start3A_337 = arith.constant 17 : i32
    %dma_start3A_338 = arith.constant 136 : i32
    %dma_start3A_339 = arith.constant 0 : i32
    %dma_start3A_340 = tpu.memref_slice %arg5[%dma_start3A_338, %dma_start3A_339] : memref<152x512xf32, #tpu.memory_space<vmem>> -> memref<8x512xf32, #tpu.memory_space<vmem>>
    %dma_start3A_341 = arith.constant 0 : i32
    %dma_start3A_342 = tpu.memref_slice %arg2[%select_n3A, %dma_start3A_337, %add3A_116, %dma_start3A_341] : memref<4x19x512x512xf32, #tpu.memory_space<hbm>> -> memref<1x1x8x512xf32, #tpu.memory_space<hbm>>
    %dma_start3A_343 = tpu.memref_squeeze %dma_start3A_342 : memref<1x1x8x512xf32, #tpu.memory_space<hbm>> -> memref<8x512xf32, #tpu.memory_space<hbm>>
    %dma_start3A_344 = arith.constant 136 : i32
    %dma_start3A_345 = arith.constant 0 : i32
    %dma_start3A_346 = tpu.memref_slice %arg5[%dma_start3A_344, %dma_start3A_345] : memref<152x512xf32, #tpu.memory_space<vmem>> -> memref<8x512xf32, #tpu.memory_space<vmem>>
    %dma_start3A_347 = arith.constant 0 : i32
    %dma_start3A_348 = tpu.memref_slice %arg2[%select_n3A, %dma_start3A_337, %add3A_116, %dma_start3A_347] : memref<4x19x512x512xf32, #tpu.memory_space<hbm>> -> memref<1x1x8x512xf32, #tpu.memory_space<hbm>>
    %dma_start3A_349 = tpu.memref_squeeze %dma_start3A_348 : memref<1x1x8x512xf32, #tpu.memory_space<hbm>> -> memref<8x512xf32, #tpu.memory_space<hbm>>
    tpu.enqueue_dma source(%dma_start3A_349 : memref<8x512xf32, #tpu.memory_space<hbm>>) target(%dma_start3A_346 : memref<8x512xf32, #tpu.memory_space<vmem>>) target_semaphore(%arg8 : memref<!tpu.dma_semaphore, #tpu.memory_space<semaphore_mem>>)
    %dma_start3A_350 = arith.constant 18 : i32
    %dma_start3A_351 = arith.constant 144 : i32
    %dma_start3A_352 = arith.constant 0 : i32
    %dma_start3A_353 = tpu.memref_slice %arg5[%dma_start3A_351, %dma_start3A_352] : memref<152x512xf32, #tpu.memory_space<vmem>> -> memref<8x512xf32, #tpu.memory_space<vmem>>
    %dma_start3A_354 = arith.constant 0 : i32
    %dma_start3A_355 = tpu.memref_slice %arg2[%select_n3A, %dma_start3A_350, %add3A_116, %dma_start3A_354] : memref<4x19x512x512xf32, #tpu.memory_space<hbm>> -> memref<1x1x8x512xf32, #tpu.memory_space<hbm>>
    %dma_start3A_356 = tpu.memref_squeeze %dma_start3A_355 : memref<1x1x8x512xf32, #tpu.memory_space<hbm>> -> memref<8x512xf32, #tpu.memory_space<hbm>>
    %dma_start3A_357 = arith.constant 144 : i32
    %dma_start3A_358 = arith.constant 0 : i32
    %dma_start3A_359 = tpu.memref_slice %arg5[%dma_start3A_357, %dma_start3A_358] : memref<152x512xf32, #tpu.memory_space<vmem>> -> memref<8x512xf32, #tpu.memory_space<vmem>>
    %dma_start3A_360 = arith.constant 0 : i32
    %dma_start3A_361 = tpu.memref_slice %arg2[%select_n3A, %dma_start3A_350, %add3A_116, %dma_start3A_360] : memref<4x19x512x512xf32, #tpu.memory_space<hbm>> -> memref<1x1x8x512xf32, #tpu.memory_space<hbm>>
    %dma_start3A_362 = tpu.memref_squeeze %dma_start3A_361 : memref<1x1x8x512xf32, #tpu.memory_space<hbm>> -> memref<8x512xf32, #tpu.memory_space<hbm>>
    tpu.enqueue_dma source(%dma_start3A_362 : memref<8x512xf32, #tpu.memory_space<hbm>>) target(%dma_start3A_359 : memref<8x512xf32, #tpu.memory_space<vmem>>) target_semaphore(%arg8 : memref<!tpu.dma_semaphore, #tpu.memory_space<semaphore_mem>>)
    %dma_start3A_363 = arith.constant 0 : i32
    %dma_start3A_364 = tpu.memref_slice %arg3[%select_n3A, %add3A_116, %dma_start3A_363] : memref<4x512x512xi32, #tpu.memory_space<hbm>> -> memref<1x8x512xi32, #tpu.memory_space<hbm>>
    %dma_start3A_365 = tpu.memref_squeeze %dma_start3A_364 : memref<1x8x512xi32, #tpu.memory_space<hbm>> -> memref<8x512xi32, #tpu.memory_space<hbm>>
    %dma_start3A_366 = arith.constant 0 : i32
    %dma_start3A_367 = tpu.memref_slice %arg3[%select_n3A, %add3A_116, %dma_start3A_366] : memref<4x512x512xi32, #tpu.memory_space<hbm>> -> memref<1x8x512xi32, #tpu.memory_space<hbm>>
    %dma_start3A_368 = tpu.memref_squeeze %dma_start3A_367 : memref<1x8x512xi32, #tpu.memory_space<hbm>> -> memref<8x512xi32, #tpu.memory_space<hbm>>
    tpu.enqueue_dma source(%dma_start3A_368 : memref<8x512xi32, #tpu.memory_space<hbm>>) target(%arg6 : memref<8x512xi32, #tpu.memory_space<vmem>>) target_semaphore(%arg8 : memref<!tpu.dma_semaphore, #tpu.memory_space<semaphore_mem>>)
    %dma_wait3A = arith.constant 0 : i32
    %dma_wait3A_369 = arith.constant 0 : i32
    %dma_wait3A_370 = arith.constant 0 : i32
    %dma_wait3A_371 = tpu.memref_slice %arg5[%dma_wait3A_369, %dma_wait3A_370] : memref<152x512xf32, #tpu.memory_space<vmem>> -> memref<8x512xf32, #tpu.memory_space<vmem>>
    %dma_wait3A_372 = arith.constant 0 : i32
    %dma_wait3A_373 = tpu.memref_slice %arg2[%select_n3A, %dma_wait3A, %add3A_116, %dma_wait3A_372] : memref<4x19x512x512xf32, #tpu.memory_space<hbm>> -> memref<1x1x8x512xf32, #tpu.memory_space<hbm>>
    %dma_wait3A_374 = tpu.memref_squeeze %dma_wait3A_373 : memref<1x1x8x512xf32, #tpu.memory_space<hbm>> -> memref<8x512xf32, #tpu.memory_space<hbm>>
    %dma_wait3A_375 = arith.constant 0 : i32
    %dma_wait3A_376 = arith.constant 0 : i32
    %dma_wait3A_377 = tpu.memref_slice %arg5[%dma_wait3A_375, %dma_wait3A_376] : memref<152x512xf32, #tpu.memory_space<vmem>> -> memref<8x512xf32, #tpu.memory_space<vmem>>
    %dma_wait3A_378 = arith.constant 0 : i32
    %dma_wait3A_379 = tpu.memref_slice %arg2[%select_n3A, %dma_wait3A, %add3A_116, %dma_wait3A_378] : memref<4x19x512x512xf32, #tpu.memory_space<hbm>> -> memref<1x1x8x512xf32, #tpu.memory_space<hbm>>
    %dma_wait3A_380 = tpu.memref_squeeze %dma_wait3A_379 : memref<1x1x8x512xf32, #tpu.memory_space<hbm>> -> memref<8x512xf32, #tpu.memory_space<hbm>>
    tpu.wait_dma2 semaphore(%arg8 : memref<!tpu.dma_semaphore, #tpu.memory_space<semaphore_mem>>) src(%dma_wait3A_380 : memref<8x512xf32, #tpu.memory_space<hbm>>) dst(%dma_wait3A_377 : memref<8x512xf32, #tpu.memory_space<vmem>>)
    %dma_wait3A_381 = arith.constant 1 : i32
    %dma_wait3A_382 = arith.constant 8 : i32
    %dma_wait3A_383 = arith.constant 0 : i32
    %dma_wait3A_384 = tpu.memref_slice %arg5[%dma_wait3A_382, %dma_wait3A_383] : memref<152x512xf32, #tpu.memory_space<vmem>> -> memref<8x512xf32, #tpu.memory_space<vmem>>
    %dma_wait3A_385 = arith.constant 0 : i32
    %dma_wait3A_386 = tpu.memref_slice %arg2[%select_n3A, %dma_wait3A_381, %add3A_116, %dma_wait3A_385] : memref<4x19x512x512xf32, #tpu.memory_space<hbm>> -> memref<1x1x8x512xf32, #tpu.memory_space<hbm>>
    %dma_wait3A_387 = tpu.memref_squeeze %dma_wait3A_386 : memref<1x1x8x512xf32, #tpu.memory_space<hbm>> -> memref<8x512xf32, #tpu.memory_space<hbm>>
    %dma_wait3A_388 = arith.constant 8 : i32
    %dma_wait3A_389 = arith.constant 0 : i32
    %dma_wait3A_390 = tpu.memref_slice %arg5[%dma_wait3A_388, %dma_wait3A_389] : memref<152x512xf32, #tpu.memory_space<vmem>> -> memref<8x512xf32, #tpu.memory_space<vmem>>
    %dma_wait3A_391 = arith.constant 0 : i32
    %dma_wait3A_392 = tpu.memref_slice %arg2[%select_n3A, %dma_wait3A_381, %add3A_116, %dma_wait3A_391] : memref<4x19x512x512xf32, #tpu.memory_space<hbm>> -> memref<1x1x8x512xf32, #tpu.memory_space<hbm>>
    %dma_wait3A_393 = tpu.memref_squeeze %dma_wait3A_392 : memref<1x1x8x512xf32, #tpu.memory_space<hbm>> -> memref<8x512xf32, #tpu.memory_space<hbm>>
    tpu.wait_dma2 semaphore(%arg8 : memref<!tpu.dma_semaphore, #tpu.memory_space<semaphore_mem>>) src(%dma_wait3A_393 : memref<8x512xf32, #tpu.memory_space<hbm>>) dst(%dma_wait3A_390 : memref<8x512xf32, #tpu.memory_space<vmem>>)
    %dma_wait3A_394 = arith.constant 2 : i32
    %dma_wait3A_395 = arith.constant 16 : i32
    %dma_wait3A_396 = arith.constant 0 : i32
    %dma_wait3A_397 = tpu.memref_slice %arg5[%dma_wait3A_395, %dma_wait3A_396] : memref<152x512xf32, #tpu.memory_space<vmem>> -> memref<8x512xf32, #tpu.memory_space<vmem>>
    %dma_wait3A_398 = arith.constant 0 : i32
    %dma_wait3A_399 = tpu.memref_slice %arg2[%select_n3A, %dma_wait3A_394, %add3A_116, %dma_wait3A_398] : memref<4x19x512x512xf32, #tpu.memory_space<hbm>> -> memref<1x1x8x512xf32, #tpu.memory_space<hbm>>
    %dma_wait3A_400 = tpu.memref_squeeze %dma_wait3A_399 : memref<1x1x8x512xf32, #tpu.memory_space<hbm>> -> memref<8x512xf32, #tpu.memory_space<hbm>>
    %dma_wait3A_401 = arith.constant 16 : i32
    %dma_wait3A_402 = arith.constant 0 : i32
    %dma_wait3A_403 = tpu.memref_slice %arg5[%dma_wait3A_401, %dma_wait3A_402] : memref<152x512xf32, #tpu.memory_space<vmem>> -> memref<8x512xf32, #tpu.memory_space<vmem>>
    %dma_wait3A_404 = arith.constant 0 : i32
    %dma_wait3A_405 = tpu.memref_slice %arg2[%select_n3A, %dma_wait3A_394, %add3A_116, %dma_wait3A_404] : memref<4x19x512x512xf32, #tpu.memory_space<hbm>> -> memref<1x1x8x512xf32, #tpu.memory_space<hbm>>
    %dma_wait3A_406 = tpu.memref_squeeze %dma_wait3A_405 : memref<1x1x8x512xf32, #tpu.memory_space<hbm>> -> memref<8x512xf32, #tpu.memory_space<hbm>>
    tpu.wait_dma2 semaphore(%arg8 : memref<!tpu.dma_semaphore, #tpu.memory_space<semaphore_mem>>) src(%dma_wait3A_406 : memref<8x512xf32, #tpu.memory_space<hbm>>) dst(%dma_wait3A_403 : memref<8x512xf32, #tpu.memory_space<vmem>>)
    %dma_wait3A_407 = arith.constant 3 : i32
    %dma_wait3A_408 = arith.constant 24 : i32
    %dma_wait3A_409 = arith.constant 0 : i32
    %dma_wait3A_410 = tpu.memref_slice %arg5[%dma_wait3A_408, %dma_wait3A_409] : memref<152x512xf32, #tpu.memory_space<vmem>> -> memref<8x512xf32, #tpu.memory_space<vmem>>
    %dma_wait3A_411 = arith.constant 0 : i32
    %dma_wait3A_412 = tpu.memref_slice %arg2[%select_n3A, %dma_wait3A_407, %add3A_116, %dma_wait3A_411] : memref<4x19x512x512xf32, #tpu.memory_space<hbm>> -> memref<1x1x8x512xf32, #tpu.memory_space<hbm>>
    %dma_wait3A_413 = tpu.memref_squeeze %dma_wait3A_412 : memref<1x1x8x512xf32, #tpu.memory_space<hbm>> -> memref<8x512xf32, #tpu.memory_space<hbm>>
    %dma_wait3A_414 = arith.constant 24 : i32
    %dma_wait3A_415 = arith.constant 0 : i32
    %dma_wait3A_416 = tpu.memref_slice %arg5[%dma_wait3A_414, %dma_wait3A_415] : memref<152x512xf32, #tpu.memory_space<vmem>> -> memref<8x512xf32, #tpu.memory_space<vmem>>
    %dma_wait3A_417 = arith.constant 0 : i32
    %dma_wait3A_418 = tpu.memref_slice %arg2[%select_n3A, %dma_wait3A_407, %add3A_116, %dma_wait3A_417] : memref<4x19x512x512xf32, #tpu.memory_space<hbm>> -> memref<1x1x8x512xf32, #tpu.memory_space<hbm>>
    %dma_wait3A_419 = tpu.memref_squeeze %dma_wait3A_418 : memref<1x1x8x512xf32, #tpu.memory_space<hbm>> -> memref<8x512xf32, #tpu.memory_space<hbm>>
    tpu.wait_dma2 semaphore(%arg8 : memref<!tpu.dma_semaphore, #tpu.memory_space<semaphore_mem>>) src(%dma_wait3A_419 : memref<8x512xf32, #tpu.memory_space<hbm>>) dst(%dma_wait3A_416 : memref<8x512xf32, #tpu.memory_space<vmem>>)
    %dma_wait3A_420 = arith.constant 4 : i32
    %dma_wait3A_421 = arith.constant 32 : i32
    %dma_wait3A_422 = arith.constant 0 : i32
    %dma_wait3A_423 = tpu.memref_slice %arg5[%dma_wait3A_421, %dma_wait3A_422] : memref<152x512xf32, #tpu.memory_space<vmem>> -> memref<8x512xf32, #tpu.memory_space<vmem>>
    %dma_wait3A_424 = arith.constant 0 : i32
    %dma_wait3A_425 = tpu.memref_slice %arg2[%select_n3A, %dma_wait3A_420, %add3A_116, %dma_wait3A_424] : memref<4x19x512x512xf32, #tpu.memory_space<hbm>> -> memref<1x1x8x512xf32, #tpu.memory_space<hbm>>
    %dma_wait3A_426 = tpu.memref_squeeze %dma_wait3A_425 : memref<1x1x8x512xf32, #tpu.memory_space<hbm>> -> memref<8x512xf32, #tpu.memory_space<hbm>>
    %dma_wait3A_427 = arith.constant 32 : i32
    %dma_wait3A_428 = arith.constant 0 : i32
    %dma_wait3A_429 = tpu.memref_slice %arg5[%dma_wait3A_427, %dma_wait3A_428] : memref<152x512xf32, #tpu.memory_space<vmem>> -> memref<8x512xf32, #tpu.memory_space<vmem>>
    %dma_wait3A_430 = arith.constant 0 : i32
    %dma_wait3A_431 = tpu.memref_slice %arg2[%select_n3A, %dma_wait3A_420, %add3A_116, %dma_wait3A_430] : memref<4x19x512x512xf32, #tpu.memory_space<hbm>> -> memref<1x1x8x512xf32, #tpu.memory_space<hbm>>
    %dma_wait3A_432 = tpu.memref_squeeze %dma_wait3A_431 : memref<1x1x8x512xf32, #tpu.memory_space<hbm>> -> memref<8x512xf32, #tpu.memory_space<hbm>>
    tpu.wait_dma2 semaphore(%arg8 : memref<!tpu.dma_semaphore, #tpu.memory_space<semaphore_mem>>) src(%dma_wait3A_432 : memref<8x512xf32, #tpu.memory_space<hbm>>) dst(%dma_wait3A_429 : memref<8x512xf32, #tpu.memory_space<vmem>>)
    %dma_wait3A_433 = arith.constant 5 : i32
    %dma_wait3A_434 = arith.constant 40 : i32
    %dma_wait3A_435 = arith.constant 0 : i32
    %dma_wait3A_436 = tpu.memref_slice %arg5[%dma_wait3A_434, %dma_wait3A_435] : memref<152x512xf32, #tpu.memory_space<vmem>> -> memref<8x512xf32, #tpu.memory_space<vmem>>
    %dma_wait3A_437 = arith.constant 0 : i32
    %dma_wait3A_438 = tpu.memref_slice %arg2[%select_n3A, %dma_wait3A_433, %add3A_116, %dma_wait3A_437] : memref<4x19x512x512xf32, #tpu.memory_space<hbm>> -> memref<1x1x8x512xf32, #tpu.memory_space<hbm>>
    %dma_wait3A_439 = tpu.memref_squeeze %dma_wait3A_438 : memref<1x1x8x512xf32, #tpu.memory_space<hbm>> -> memref<8x512xf32, #tpu.memory_space<hbm>>
    %dma_wait3A_440 = arith.constant 40 : i32
    %dma_wait3A_441 = arith.constant 0 : i32
    %dma_wait3A_442 = tpu.memref_slice %arg5[%dma_wait3A_440, %dma_wait3A_441] : memref<152x512xf32, #tpu.memory_space<vmem>> -> memref<8x512xf32, #tpu.memory_space<vmem>>
    %dma_wait3A_443 = arith.constant 0 : i32
    %dma_wait3A_444 = tpu.memref_slice %arg2[%select_n3A, %dma_wait3A_433, %add3A_116, %dma_wait3A_443] : memref<4x19x512x512xf32, #tpu.memory_space<hbm>> -> memref<1x1x8x512xf32, #tpu.memory_space<hbm>>
    %dma_wait3A_445 = tpu.memref_squeeze %dma_wait3A_444 : memref<1x1x8x512xf32, #tpu.memory_space<hbm>> -> memref<8x512xf32, #tpu.memory_space<hbm>>
    tpu.wait_dma2 semaphore(%arg8 : memref<!tpu.dma_semaphore, #tpu.memory_space<semaphore_mem>>) src(%dma_wait3A_445 : memref<8x512xf32, #tpu.memory_space<hbm>>) dst(%dma_wait3A_442 : memref<8x512xf32, #tpu.memory_space<vmem>>)
    %dma_wait3A_446 = arith.constant 6 : i32
    %dma_wait3A_447 = arith.constant 48 : i32
    %dma_wait3A_448 = arith.constant 0 : i32
    %dma_wait3A_449 = tpu.memref_slice %arg5[%dma_wait3A_447, %dma_wait3A_448] : memref<152x512xf32, #tpu.memory_space<vmem>> -> memref<8x512xf32, #tpu.memory_space<vmem>>
    %dma_wait3A_450 = arith.constant 0 : i32
    %dma_wait3A_451 = tpu.memref_slice %arg2[%select_n3A, %dma_wait3A_446, %add3A_116, %dma_wait3A_450] : memref<4x19x512x512xf32, #tpu.memory_space<hbm>> -> memref<1x1x8x512xf32, #tpu.memory_space<hbm>>
    %dma_wait3A_452 = tpu.memref_squeeze %dma_wait3A_451 : memref<1x1x8x512xf32, #tpu.memory_space<hbm>> -> memref<8x512xf32, #tpu.memory_space<hbm>>
    %dma_wait3A_453 = arith.constant 48 : i32
    %dma_wait3A_454 = arith.constant 0 : i32
    %dma_wait3A_455 = tpu.memref_slice %arg5[%dma_wait3A_453, %dma_wait3A_454] : memref<152x512xf32, #tpu.memory_space<vmem>> -> memref<8x512xf32, #tpu.memory_space<vmem>>
    %dma_wait3A_456 = arith.constant 0 : i32
    %dma_wait3A_457 = tpu.memref_slice %arg2[%select_n3A, %dma_wait3A_446, %add3A_116, %dma_wait3A_456] : memref<4x19x512x512xf32, #tpu.memory_space<hbm>> -> memref<1x1x8x512xf32, #tpu.memory_space<hbm>>
    %dma_wait3A_458 = tpu.memref_squeeze %dma_wait3A_457 : memref<1x1x8x512xf32, #tpu.memory_space<hbm>> -> memref<8x512xf32, #tpu.memory_space<hbm>>
    tpu.wait_dma2 semaphore(%arg8 : memref<!tpu.dma_semaphore, #tpu.memory_space<semaphore_mem>>) src(%dma_wait3A_458 : memref<8x512xf32, #tpu.memory_space<hbm>>) dst(%dma_wait3A_455 : memref<8x512xf32, #tpu.memory_space<vmem>>)
    %dma_wait3A_459 = arith.constant 7 : i32
    %dma_wait3A_460 = arith.constant 56 : i32
    %dma_wait3A_461 = arith.constant 0 : i32
    %dma_wait3A_462 = tpu.memref_slice %arg5[%dma_wait3A_460, %dma_wait3A_461] : memref<152x512xf32, #tpu.memory_space<vmem>> -> memref<8x512xf32, #tpu.memory_space<vmem>>
    %dma_wait3A_463 = arith.constant 0 : i32
    %dma_wait3A_464 = tpu.memref_slice %arg2[%select_n3A, %dma_wait3A_459, %add3A_116, %dma_wait3A_463] : memref<4x19x512x512xf32, #tpu.memory_space<hbm>> -> memref<1x1x8x512xf32, #tpu.memory_space<hbm>>
    %dma_wait3A_465 = tpu.memref_squeeze %dma_wait3A_464 : memref<1x1x8x512xf32, #tpu.memory_space<hbm>> -> memref<8x512xf32, #tpu.memory_space<hbm>>
    %dma_wait3A_466 = arith.constant 56 : i32
    %dma_wait3A_467 = arith.constant 0 : i32
    %dma_wait3A_468 = tpu.memref_slice %arg5[%dma_wait3A_466, %dma_wait3A_467] : memref<152x512xf32, #tpu.memory_space<vmem>> -> memref<8x512xf32, #tpu.memory_space<vmem>>
    %dma_wait3A_469 = arith.constant 0 : i32
    %dma_wait3A_470 = tpu.memref_slice %arg2[%select_n3A, %dma_wait3A_459, %add3A_116, %dma_wait3A_469] : memref<4x19x512x512xf32, #tpu.memory_space<hbm>> -> memref<1x1x8x512xf32, #tpu.memory_space<hbm>>
    %dma_wait3A_471 = tpu.memref_squeeze %dma_wait3A_470 : memref<1x1x8x512xf32, #tpu.memory_space<hbm>> -> memref<8x512xf32, #tpu.memory_space<hbm>>
    tpu.wait_dma2 semaphore(%arg8 : memref<!tpu.dma_semaphore, #tpu.memory_space<semaphore_mem>>) src(%dma_wait3A_471 : memref<8x512xf32, #tpu.memory_space<hbm>>) dst(%dma_wait3A_468 : memref<8x512xf32, #tpu.memory_space<vmem>>)
    %dma_wait3A_472 = arith.constant 8 : i32
    %dma_wait3A_473 = arith.constant 64 : i32
    %dma_wait3A_474 = arith.constant 0 : i32
    %dma_wait3A_475 = tpu.memref_slice %arg5[%dma_wait3A_473, %dma_wait3A_474] : memref<152x512xf32, #tpu.memory_space<vmem>> -> memref<8x512xf32, #tpu.memory_space<vmem>>
    %dma_wait3A_476 = arith.constant 0 : i32
    %dma_wait3A_477 = tpu.memref_slice %arg2[%select_n3A, %dma_wait3A_472, %add3A_116, %dma_wait3A_476] : memref<4x19x512x512xf32, #tpu.memory_space<hbm>> -> memref<1x1x8x512xf32, #tpu.memory_space<hbm>>
    %dma_wait3A_478 = tpu.memref_squeeze %dma_wait3A_477 : memref<1x1x8x512xf32, #tpu.memory_space<hbm>> -> memref<8x512xf32, #tpu.memory_space<hbm>>
    %dma_wait3A_479 = arith.constant 64 : i32
    %dma_wait3A_480 = arith.constant 0 : i32
    %dma_wait3A_481 = tpu.memref_slice %arg5[%dma_wait3A_479, %dma_wait3A_480] : memref<152x512xf32, #tpu.memory_space<vmem>> -> memref<8x512xf32, #tpu.memory_space<vmem>>
    %dma_wait3A_482 = arith.constant 0 : i32
    %dma_wait3A_483 = tpu.memref_slice %arg2[%select_n3A, %dma_wait3A_472, %add3A_116, %dma_wait3A_482] : memref<4x19x512x512xf32, #tpu.memory_space<hbm>> -> memref<1x1x8x512xf32, #tpu.memory_space<hbm>>
    %dma_wait3A_484 = tpu.memref_squeeze %dma_wait3A_483 : memref<1x1x8x512xf32, #tpu.memory_space<hbm>> -> memref<8x512xf32, #tpu.memory_space<hbm>>
    tpu.wait_dma2 semaphore(%arg8 : memref<!tpu.dma_semaphore, #tpu.memory_space<semaphore_mem>>) src(%dma_wait3A_484 : memref<8x512xf32, #tpu.memory_space<hbm>>) dst(%dma_wait3A_481 : memref<8x512xf32, #tpu.memory_space<vmem>>)
    %dma_wait3A_485 = arith.constant 9 : i32
    %dma_wait3A_486 = arith.constant 72 : i32
    %dma_wait3A_487 = arith.constant 0 : i32
    %dma_wait3A_488 = tpu.memref_slice %arg5[%dma_wait3A_486, %dma_wait3A_487] : memref<152x512xf32, #tpu.memory_space<vmem>> -> memref<8x512xf32, #tpu.memory_space<vmem>>
    %dma_wait3A_489 = arith.constant 0 : i32
    %dma_wait3A_490 = tpu.memref_slice %arg2[%select_n3A, %dma_wait3A_485, %add3A_116, %dma_wait3A_489] : memref<4x19x512x512xf32, #tpu.memory_space<hbm>> -> memref<1x1x8x512xf32, #tpu.memory_space<hbm>>
    %dma_wait3A_491 = tpu.memref_squeeze %dma_wait3A_490 : memref<1x1x8x512xf32, #tpu.memory_space<hbm>> -> memref<8x512xf32, #tpu.memory_space<hbm>>
    %dma_wait3A_492 = arith.constant 72 : i32
    %dma_wait3A_493 = arith.constant 0 : i32
    %dma_wait3A_494 = tpu.memref_slice %arg5[%dma_wait3A_492, %dma_wait3A_493] : memref<152x512xf32, #tpu.memory_space<vmem>> -> memref<8x512xf32, #tpu.memory_space<vmem>>
    %dma_wait3A_495 = arith.constant 0 : i32
    %dma_wait3A_496 = tpu.memref_slice %arg2[%select_n3A, %dma_wait3A_485, %add3A_116, %dma_wait3A_495] : memref<4x19x512x512xf32, #tpu.memory_space<hbm>> -> memref<1x1x8x512xf32, #tpu.memory_space<hbm>>
    %dma_wait3A_497 = tpu.memref_squeeze %dma_wait3A_496 : memref<1x1x8x512xf32, #tpu.memory_space<hbm>> -> memref<8x512xf32, #tpu.memory_space<hbm>>
    tpu.wait_dma2 semaphore(%arg8 : memref<!tpu.dma_semaphore, #tpu.memory_space<semaphore_mem>>) src(%dma_wait3A_497 : memref<8x512xf32, #tpu.memory_space<hbm>>) dst(%dma_wait3A_494 : memref<8x512xf32, #tpu.memory_space<vmem>>)
    %dma_wait3A_498 = arith.constant 10 : i32
    %dma_wait3A_499 = arith.constant 80 : i32
    %dma_wait3A_500 = arith.constant 0 : i32
    %dma_wait3A_501 = tpu.memref_slice %arg5[%dma_wait3A_499, %dma_wait3A_500] : memref<152x512xf32, #tpu.memory_space<vmem>> -> memref<8x512xf32, #tpu.memory_space<vmem>>
    %dma_wait3A_502 = arith.constant 0 : i32
    %dma_wait3A_503 = tpu.memref_slice %arg2[%select_n3A, %dma_wait3A_498, %add3A_116, %dma_wait3A_502] : memref<4x19x512x512xf32, #tpu.memory_space<hbm>> -> memref<1x1x8x512xf32, #tpu.memory_space<hbm>>
    %dma_wait3A_504 = tpu.memref_squeeze %dma_wait3A_503 : memref<1x1x8x512xf32, #tpu.memory_space<hbm>> -> memref<8x512xf32, #tpu.memory_space<hbm>>
    %dma_wait3A_505 = arith.constant 80 : i32
    %dma_wait3A_506 = arith.constant 0 : i32
    %dma_wait3A_507 = tpu.memref_slice %arg5[%dma_wait3A_505, %dma_wait3A_506] : memref<152x512xf32, #tpu.memory_space<vmem>> -> memref<8x512xf32, #tpu.memory_space<vmem>>
    %dma_wait3A_508 = arith.constant 0 : i32
    %dma_wait3A_509 = tpu.memref_slice %arg2[%select_n3A, %dma_wait3A_498, %add3A_116, %dma_wait3A_508] : memref<4x19x512x512xf32, #tpu.memory_space<hbm>> -> memref<1x1x8x512xf32, #tpu.memory_space<hbm>>
    %dma_wait3A_510 = tpu.memref_squeeze %dma_wait3A_509 : memref<1x1x8x512xf32, #tpu.memory_space<hbm>> -> memref<8x512xf32, #tpu.memory_space<hbm>>
    tpu.wait_dma2 semaphore(%arg8 : memref<!tpu.dma_semaphore, #tpu.memory_space<semaphore_mem>>) src(%dma_wait3A_510 : memref<8x512xf32, #tpu.memory_space<hbm>>) dst(%dma_wait3A_507 : memref<8x512xf32, #tpu.memory_space<vmem>>)
    %dma_wait3A_511 = arith.constant 11 : i32
    %dma_wait3A_512 = arith.constant 88 : i32
    %dma_wait3A_513 = arith.constant 0 : i32
    %dma_wait3A_514 = tpu.memref_slice %arg5[%dma_wait3A_512, %dma_wait3A_513] : memref<152x512xf32, #tpu.memory_space<vmem>> -> memref<8x512xf32, #tpu.memory_space<vmem>>
    %dma_wait3A_515 = arith.constant 0 : i32
    %dma_wait3A_516 = tpu.memref_slice %arg2[%select_n3A, %dma_wait3A_511, %add3A_116, %dma_wait3A_515] : memref<4x19x512x512xf32, #tpu.memory_space<hbm>> -> memref<1x1x8x512xf32, #tpu.memory_space<hbm>>
    %dma_wait3A_517 = tpu.memref_squeeze %dma_wait3A_516 : memref<1x1x8x512xf32, #tpu.memory_space<hbm>> -> memref<8x512xf32, #tpu.memory_space<hbm>>
    %dma_wait3A_518 = arith.constant 88 : i32
    %dma_wait3A_519 = arith.constant 0 : i32
    %dma_wait3A_520 = tpu.memref_slice %arg5[%dma_wait3A_518, %dma_wait3A_519] : memref<152x512xf32, #tpu.memory_space<vmem>> -> memref<8x512xf32, #tpu.memory_space<vmem>>
    %dma_wait3A_521 = arith.constant 0 : i32
    %dma_wait3A_522 = tpu.memref_slice %arg2[%select_n3A, %dma_wait3A_511, %add3A_116, %dma_wait3A_521] : memref<4x19x512x512xf32, #tpu.memory_space<hbm>> -> memref<1x1x8x512xf32, #tpu.memory_space<hbm>>
    %dma_wait3A_523 = tpu.memref_squeeze %dma_wait3A_522 : memref<1x1x8x512xf32, #tpu.memory_space<hbm>> -> memref<8x512xf32, #tpu.memory_space<hbm>>
    tpu.wait_dma2 semaphore(%arg8 : memref<!tpu.dma_semaphore, #tpu.memory_space<semaphore_mem>>) src(%dma_wait3A_523 : memref<8x512xf32, #tpu.memory_space<hbm>>) dst(%dma_wait3A_520 : memref<8x512xf32, #tpu.memory_space<vmem>>)
    %dma_wait3A_524 = arith.constant 12 : i32
    %dma_wait3A_525 = arith.constant 96 : i32
    %dma_wait3A_526 = arith.constant 0 : i32
    %dma_wait3A_527 = tpu.memref_slice %arg5[%dma_wait3A_525, %dma_wait3A_526] : memref<152x512xf32, #tpu.memory_space<vmem>> -> memref<8x512xf32, #tpu.memory_space<vmem>>
    %dma_wait3A_528 = arith.constant 0 : i32
    %dma_wait3A_529 = tpu.memref_slice %arg2[%select_n3A, %dma_wait3A_524, %add3A_116, %dma_wait3A_528] : memref<4x19x512x512xf32, #tpu.memory_space<hbm>> -> memref<1x1x8x512xf32, #tpu.memory_space<hbm>>
    %dma_wait3A_530 = tpu.memref_squeeze %dma_wait3A_529 : memref<1x1x8x512xf32, #tpu.memory_space<hbm>> -> memref<8x512xf32, #tpu.memory_space<hbm>>
    %dma_wait3A_531 = arith.constant 96 : i32
    %dma_wait3A_532 = arith.constant 0 : i32
    %dma_wait3A_533 = tpu.memref_slice %arg5[%dma_wait3A_531, %dma_wait3A_532] : memref<152x512xf32, #tpu.memory_space<vmem>> -> memref<8x512xf32, #tpu.memory_space<vmem>>
    %dma_wait3A_534 = arith.constant 0 : i32
    %dma_wait3A_535 = tpu.memref_slice %arg2[%select_n3A, %dma_wait3A_524, %add3A_116, %dma_wait3A_534] : memref<4x19x512x512xf32, #tpu.memory_space<hbm>> -> memref<1x1x8x512xf32, #tpu.memory_space<hbm>>
    %dma_wait3A_536 = tpu.memref_squeeze %dma_wait3A_535 : memref<1x1x8x512xf32, #tpu.memory_space<hbm>> -> memref<8x512xf32, #tpu.memory_space<hbm>>
    tpu.wait_dma2 semaphore(%arg8 : memref<!tpu.dma_semaphore, #tpu.memory_space<semaphore_mem>>) src(%dma_wait3A_536 : memref<8x512xf32, #tpu.memory_space<hbm>>) dst(%dma_wait3A_533 : memref<8x512xf32, #tpu.memory_space<vmem>>)
    %dma_wait3A_537 = arith.constant 13 : i32
    %dma_wait3A_538 = arith.constant 104 : i32
    %dma_wait3A_539 = arith.constant 0 : i32
    %dma_wait3A_540 = tpu.memref_slice %arg5[%dma_wait3A_538, %dma_wait3A_539] : memref<152x512xf32, #tpu.memory_space<vmem>> -> memref<8x512xf32, #tpu.memory_space<vmem>>
    %dma_wait3A_541 = arith.constant 0 : i32
    %dma_wait3A_542 = tpu.memref_slice %arg2[%select_n3A, %dma_wait3A_537, %add3A_116, %dma_wait3A_541] : memref<4x19x512x512xf32, #tpu.memory_space<hbm>> -> memref<1x1x8x512xf32, #tpu.memory_space<hbm>>
    %dma_wait3A_543 = tpu.memref_squeeze %dma_wait3A_542 : memref<1x1x8x512xf32, #tpu.memory_space<hbm>> -> memref<8x512xf32, #tpu.memory_space<hbm>>
    %dma_wait3A_544 = arith.constant 104 : i32
    %dma_wait3A_545 = arith.constant 0 : i32
    %dma_wait3A_546 = tpu.memref_slice %arg5[%dma_wait3A_544, %dma_wait3A_545] : memref<152x512xf32, #tpu.memory_space<vmem>> -> memref<8x512xf32, #tpu.memory_space<vmem>>
    %dma_wait3A_547 = arith.constant 0 : i32
    %dma_wait3A_548 = tpu.memref_slice %arg2[%select_n3A, %dma_wait3A_537, %add3A_116, %dma_wait3A_547] : memref<4x19x512x512xf32, #tpu.memory_space<hbm>> -> memref<1x1x8x512xf32, #tpu.memory_space<hbm>>
    %dma_wait3A_549 = tpu.memref_squeeze %dma_wait3A_548 : memref<1x1x8x512xf32, #tpu.memory_space<hbm>> -> memref<8x512xf32, #tpu.memory_space<hbm>>
    tpu.wait_dma2 semaphore(%arg8 : memref<!tpu.dma_semaphore, #tpu.memory_space<semaphore_mem>>) src(%dma_wait3A_549 : memref<8x512xf32, #tpu.memory_space<hbm>>) dst(%dma_wait3A_546 : memref<8x512xf32, #tpu.memory_space<vmem>>)
    %dma_wait3A_550 = arith.constant 14 : i32
    %dma_wait3A_551 = arith.constant 112 : i32
    %dma_wait3A_552 = arith.constant 0 : i32
    %dma_wait3A_553 = tpu.memref_slice %arg5[%dma_wait3A_551, %dma_wait3A_552] : memref<152x512xf32, #tpu.memory_space<vmem>> -> memref<8x512xf32, #tpu.memory_space<vmem>>
    %dma_wait3A_554 = arith.constant 0 : i32
    %dma_wait3A_555 = tpu.memref_slice %arg2[%select_n3A, %dma_wait3A_550, %add3A_116, %dma_wait3A_554] : memref<4x19x512x512xf32, #tpu.memory_space<hbm>> -> memref<1x1x8x512xf32, #tpu.memory_space<hbm>>
    %dma_wait3A_556 = tpu.memref_squeeze %dma_wait3A_555 : memref<1x1x8x512xf32, #tpu.memory_space<hbm>> -> memref<8x512xf32, #tpu.memory_space<hbm>>
    %dma_wait3A_557 = arith.constant 112 : i32
    %dma_wait3A_558 = arith.constant 0 : i32
    %dma_wait3A_559 = tpu.memref_slice %arg5[%dma_wait3A_557, %dma_wait3A_558] : memref<152x512xf32, #tpu.memory_space<vmem>> -> memref<8x512xf32, #tpu.memory_space<vmem>>
    %dma_wait3A_560 = arith.constant 0 : i32
    %dma_wait3A_561 = tpu.memref_slice %arg2[%select_n3A, %dma_wait3A_550, %add3A_116, %dma_wait3A_560] : memref<4x19x512x512xf32, #tpu.memory_space<hbm>> -> memref<1x1x8x512xf32, #tpu.memory_space<hbm>>
    %dma_wait3A_562 = tpu.memref_squeeze %dma_wait3A_561 : memref<1x1x8x512xf32, #tpu.memory_space<hbm>> -> memref<8x512xf32, #tpu.memory_space<hbm>>
    tpu.wait_dma2 semaphore(%arg8 : memref<!tpu.dma_semaphore, #tpu.memory_space<semaphore_mem>>) src(%dma_wait3A_562 : memref<8x512xf32, #tpu.memory_space<hbm>>) dst(%dma_wait3A_559 : memref<8x512xf32, #tpu.memory_space<vmem>>)
    %dma_wait3A_563 = arith.constant 15 : i32
    %dma_wait3A_564 = arith.constant 120 : i32
    %dma_wait3A_565 = arith.constant 0 : i32
    %dma_wait3A_566 = tpu.memref_slice %arg5[%dma_wait3A_564, %dma_wait3A_565] : memref<152x512xf32, #tpu.memory_space<vmem>> -> memref<8x512xf32, #tpu.memory_space<vmem>>
    %dma_wait3A_567 = arith.constant 0 : i32
    %dma_wait3A_568 = tpu.memref_slice %arg2[%select_n3A, %dma_wait3A_563, %add3A_116, %dma_wait3A_567] : memref<4x19x512x512xf32, #tpu.memory_space<hbm>> -> memref<1x1x8x512xf32, #tpu.memory_space<hbm>>
    %dma_wait3A_569 = tpu.memref_squeeze %dma_wait3A_568 : memref<1x1x8x512xf32, #tpu.memory_space<hbm>> -> memref<8x512xf32, #tpu.memory_space<hbm>>
    %dma_wait3A_570 = arith.constant 120 : i32
    %dma_wait3A_571 = arith.constant 0 : i32
    %dma_wait3A_572 = tpu.memref_slice %arg5[%dma_wait3A_570, %dma_wait3A_571] : memref<152x512xf32, #tpu.memory_space<vmem>> -> memref<8x512xf32, #tpu.memory_space<vmem>>
    %dma_wait3A_573 = arith.constant 0 : i32
    %dma_wait3A_574 = tpu.memref_slice %arg2[%select_n3A, %dma_wait3A_563, %add3A_116, %dma_wait3A_573] : memref<4x19x512x512xf32, #tpu.memory_space<hbm>> -> memref<1x1x8x512xf32, #tpu.memory_space<hbm>>
    %dma_wait3A_575 = tpu.memref_squeeze %dma_wait3A_574 : memref<1x1x8x512xf32, #tpu.memory_space<hbm>> -> memref<8x512xf32, #tpu.memory_space<hbm>>
    tpu.wait_dma2 semaphore(%arg8 : memref<!tpu.dma_semaphore, #tpu.memory_space<semaphore_mem>>) src(%dma_wait3A_575 : memref<8x512xf32, #tpu.memory_space<hbm>>) dst(%dma_wait3A_572 : memref<8x512xf32, #tpu.memory_space<vmem>>)
    %dma_wait3A_576 = arith.constant 16 : i32
    %dma_wait3A_577 = arith.constant 128 : i32
    %dma_wait3A_578 = arith.constant 0 : i32
    %dma_wait3A_579 = tpu.memref_slice %arg5[%dma_wait3A_577, %dma_wait3A_578] : memref<152x512xf32, #tpu.memory_space<vmem>> -> memref<8x512xf32, #tpu.memory_space<vmem>>
    %dma_wait3A_580 = arith.constant 0 : i32
    %dma_wait3A_581 = tpu.memref_slice %arg2[%select_n3A, %dma_wait3A_576, %add3A_116, %dma_wait3A_580] : memref<4x19x512x512xf32, #tpu.memory_space<hbm>> -> memref<1x1x8x512xf32, #tpu.memory_space<hbm>>
    %dma_wait3A_582 = tpu.memref_squeeze %dma_wait3A_581 : memref<1x1x8x512xf32, #tpu.memory_space<hbm>> -> memref<8x512xf32, #tpu.memory_space<hbm>>
    %dma_wait3A_583 = arith.constant 128 : i32
    %dma_wait3A_584 = arith.constant 0 : i32
    %dma_wait3A_585 = tpu.memref_slice %arg5[%dma_wait3A_583, %dma_wait3A_584] : memref<152x512xf32, #tpu.memory_space<vmem>> -> memref<8x512xf32, #tpu.memory_space<vmem>>
    %dma_wait3A_586 = arith.constant 0 : i32
    %dma_wait3A_587 = tpu.memref_slice %arg2[%select_n3A, %dma_wait3A_576, %add3A_116, %dma_wait3A_586] : memref<4x19x512x512xf32, #tpu.memory_space<hbm>> -> memref<1x1x8x512xf32, #tpu.memory_space<hbm>>
    %dma_wait3A_588 = tpu.memref_squeeze %dma_wait3A_587 : memref<1x1x8x512xf32, #tpu.memory_space<hbm>> -> memref<8x512xf32, #tpu.memory_space<hbm>>
    tpu.wait_dma2 semaphore(%arg8 : memref<!tpu.dma_semaphore, #tpu.memory_space<semaphore_mem>>) src(%dma_wait3A_588 : memref<8x512xf32, #tpu.memory_space<hbm>>) dst(%dma_wait3A_585 : memref<8x512xf32, #tpu.memory_space<vmem>>)
    %dma_wait3A_589 = arith.constant 17 : i32
    %dma_wait3A_590 = arith.constant 136 : i32
    %dma_wait3A_591 = arith.constant 0 : i32
    %dma_wait3A_592 = tpu.memref_slice %arg5[%dma_wait3A_590, %dma_wait3A_591] : memref<152x512xf32, #tpu.memory_space<vmem>> -> memref<8x512xf32, #tpu.memory_space<vmem>>
    %dma_wait3A_593 = arith.constant 0 : i32
    %dma_wait3A_594 = tpu.memref_slice %arg2[%select_n3A, %dma_wait3A_589, %add3A_116, %dma_wait3A_593] : memref<4x19x512x512xf32, #tpu.memory_space<hbm>> -> memref<1x1x8x512xf32, #tpu.memory_space<hbm>>
    %dma_wait3A_595 = tpu.memref_squeeze %dma_wait3A_594 : memref<1x1x8x512xf32, #tpu.memory_space<hbm>> -> memref<8x512xf32, #tpu.memory_space<hbm>>
    %dma_wait3A_596 = arith.constant 136 : i32
    %dma_wait3A_597 = arith.constant 0 : i32
    %dma_wait3A_598 = tpu.memref_slice %arg5[%dma_wait3A_596, %dma_wait3A_597] : memref<152x512xf32, #tpu.memory_space<vmem>> -> memref<8x512xf32, #tpu.memory_space<vmem>>
    %dma_wait3A_599 = arith.constant 0 : i32
    %dma_wait3A_600 = tpu.memref_slice %arg2[%select_n3A, %dma_wait3A_589, %add3A_116, %dma_wait3A_599] : memref<4x19x512x512xf32, #tpu.memory_space<hbm>> -> memref<1x1x8x512xf32, #tpu.memory_space<hbm>>
    %dma_wait3A_601 = tpu.memref_squeeze %dma_wait3A_600 : memref<1x1x8x512xf32, #tpu.memory_space<hbm>> -> memref<8x512xf32, #tpu.memory_space<hbm>>
    tpu.wait_dma2 semaphore(%arg8 : memref<!tpu.dma_semaphore, #tpu.memory_space<semaphore_mem>>) src(%dma_wait3A_601 : memref<8x512xf32, #tpu.memory_space<hbm>>) dst(%dma_wait3A_598 : memref<8x512xf32, #tpu.memory_space<vmem>>)
    %dma_wait3A_602 = arith.constant 18 : i32
    %dma_wait3A_603 = arith.constant 144 : i32
    %dma_wait3A_604 = arith.constant 0 : i32
    %dma_wait3A_605 = tpu.memref_slice %arg5[%dma_wait3A_603, %dma_wait3A_604] : memref<152x512xf32, #tpu.memory_space<vmem>> -> memref<8x512xf32, #tpu.memory_space<vmem>>
    %dma_wait3A_606 = arith.constant 0 : i32
    %dma_wait3A_607 = tpu.memref_slice %arg2[%select_n3A, %dma_wait3A_602, %add3A_116, %dma_wait3A_606] : memref<4x19x512x512xf32, #tpu.memory_space<hbm>> -> memref<1x1x8x512xf32, #tpu.memory_space<hbm>>
    %dma_wait3A_608 = tpu.memref_squeeze %dma_wait3A_607 : memref<1x1x8x512xf32, #tpu.memory_space<hbm>> -> memref<8x512xf32, #tpu.memory_space<hbm>>
    %dma_wait3A_609 = arith.constant 144 : i32
    %dma_wait3A_610 = arith.constant 0 : i32
    %dma_wait3A_611 = tpu.memref_slice %arg5[%dma_wait3A_609, %dma_wait3A_610] : memref<152x512xf32, #tpu.memory_space<vmem>> -> memref<8x512xf32, #tpu.memory_space<vmem>>
    %dma_wait3A_612 = arith.constant 0 : i32
    %dma_wait3A_613 = tpu.memref_slice %arg2[%select_n3A, %dma_wait3A_602, %add3A_116, %dma_wait3A_612] : memref<4x19x512x512xf32, #tpu.memory_space<hbm>> -> memref<1x1x8x512xf32, #tpu.memory_space<hbm>>
    %dma_wait3A_614 = tpu.memref_squeeze %dma_wait3A_613 : memref<1x1x8x512xf32, #tpu.memory_space<hbm>> -> memref<8x512xf32, #tpu.memory_space<hbm>>
    tpu.wait_dma2 semaphore(%arg8 : memref<!tpu.dma_semaphore, #tpu.memory_space<semaphore_mem>>) src(%dma_wait3A_614 : memref<8x512xf32, #tpu.memory_space<hbm>>) dst(%dma_wait3A_611 : memref<8x512xf32, #tpu.memory_space<vmem>>)
    %dma_wait3A_615 = arith.constant 0 : i32
    %dma_wait3A_616 = tpu.memref_slice %arg3[%select_n3A, %add3A_116, %dma_wait3A_615] : memref<4x512x512xi32, #tpu.memory_space<hbm>> -> memref<1x8x512xi32, #tpu.memory_space<hbm>>
    %dma_wait3A_617 = tpu.memref_squeeze %dma_wait3A_616 : memref<1x8x512xi32, #tpu.memory_space<hbm>> -> memref<8x512xi32, #tpu.memory_space<hbm>>
    %dma_wait3A_618 = arith.constant 0 : i32
    %dma_wait3A_619 = tpu.memref_slice %arg3[%select_n3A, %add3A_116, %dma_wait3A_618] : memref<4x512x512xi32, #tpu.memory_space<hbm>> -> memref<1x8x512xi32, #tpu.memory_space<hbm>>
    %dma_wait3A_620 = tpu.memref_squeeze %dma_wait3A_619 : memref<1x8x512xi32, #tpu.memory_space<hbm>> -> memref<8x512xi32, #tpu.memory_space<hbm>>
    tpu.wait_dma2 semaphore(%arg8 : memref<!tpu.dma_semaphore, #tpu.memory_space<semaphore_mem>>) src(%dma_wait3A_620 : memref<8x512xi32, #tpu.memory_space<hbm>>) dst(%arg6 : memref<8x512xi32, #tpu.memory_space<vmem>>)
    %scan3A = arith.constant 0 : i32
    %scan3A_621 = arith.constant 0 : i32
    %scan3A_622 = arith.constant 256 : i32
    %scan3A_623 = arith.addi %scan3A_621, %scan3A_622 : i32
    %scan3A_624 = arith.constant 1 : i32
    %scan3A_625 = scf.for %scan3A_1192 = %scan3A_621 to %scan3A_623 step %scan3A_624 iter_args(%scan3A_1193 = %scan3A) -> (i32)  : i32 {
      %shift_right_arithmetic3A = arith.constant 5 : i32
      %shift_right_arithmetic3A_1194 = arith.shrsi %scan3A_1192, %shift_right_arithmetic3A : i32
      %and3A_1195 = arith.constant 31 : i32
      %and3A_1196 = arith.andi %scan3A_1192, %and3A_1195 : i32
      %mul3A_1197 = arith.constant 16 : i32
      %mul3A_1198 = arith.muli %and3A_1196, %mul3A_1197 : i32
      %get3A = arith.index_cast %shift_right_arithmetic3A_1194 : i32 to index
      %get3A_1199 = arith.index_cast %mul3A_1198 : i32 to index
      %get3A_1200 = tpu.vector_load %arg5[%get3A, %get3A_1199] {strides = array<i32>} : memref<152x512xf32, #tpu.memory_space<vmem>>, vector<16xf32>,
      %broadcast_in_dim3A_1201 = arith.constant 0 : i32
      %broadcast_in_dim3A_1202 = vector.broadcast %broadcast_in_dim3A_1201 : i32 to vector<16xi32>
      %add3A_1203 = arith.constant 8 : i32
      %add3A_1204 = arith.addi %add3A_1203, %shift_right_arithmetic3A_1194 : i32
      %get3A_1205 = arith.index_cast %add3A_1204 : i32 to index
      %get3A_1206 = arith.index_cast %mul3A_1198 : i32 to index
      %get3A_1207 = tpu.vector_load %arg5[%get3A_1205, %get3A_1206] {strides = array<i32>} : memref<152x512xf32, #tpu.memory_space<vmem>>, vector<16xf32>,
      %gt3A = arith.cmpf ogt, %get3A_1207, %get3A_1200 : vector<16xf32>
      %select_n3A_1208 = arith.select %gt3A, %get3A_1207, %get3A_1200 : vector<16xi1>, vector<16xf32>
      %jit3A_1209 = arith.constant 1 : i32
      %broadcast_in_dim3A_1210 = vector.broadcast %jit3A_1209 : i32 to vector<16xi32>
      %select_n3A_1211 = arith.select %gt3A, %broadcast_in_dim3A_1210, %broadcast_in_dim3A_1202 : vector<16xi1>, vector<16xi32>
      %add3A_1212 = arith.constant 16 : i32
      %add3A_1213 = arith.addi %add3A_1212, %shift_right_arithmetic3A_1194 : i32
      %get3A_1214 = arith.index_cast %add3A_1213 : i32 to index
      %get3A_1215 = arith.index_cast %mul3A_1198 : i32 to index
      %get3A_1216 = tpu.vector_load %arg5[%get3A_1214, %get3A_1215] {strides = array<i32>} : memref<152x512xf32, #tpu.memory_space<vmem>>, vector<16xf32>,
      %gt3A_1217 = arith.cmpf ogt, %get3A_1216, %select_n3A_1208 : vector<16xf32>
      %select_n3A_1218 = arith.select %gt3A_1217, %get3A_1216, %select_n3A_1208 : vector<16xi1>, vector<16xf32>
      %jit3A_1219 = arith.constant 2 : i32
      %broadcast_in_dim3A_1220 = vector.broadcast %jit3A_1219 : i32 to vector<16xi32>
      %select_n3A_1221 = arith.select %gt3A_1217, %broadcast_in_dim3A_1220, %select_n3A_1211 : vector<16xi1>, vector<16xi32>
      %add3A_1222 = arith.constant 24 : i32
      %add3A_1223 = arith.addi %add3A_1222, %shift_right_arithmetic3A_1194 : i32
      %get3A_1224 = arith.index_cast %add3A_1223 : i32 to index
      %get3A_1225 = arith.index_cast %mul3A_1198 : i32 to index
      %get3A_1226 = tpu.vector_load %arg5[%get3A_1224, %get3A_1225] {strides = array<i32>} : memref<152x512xf32, #tpu.memory_space<vmem>>, vector<16xf32>,
      %gt3A_1227 = arith.cmpf ogt, %get3A_1226, %select_n3A_1218 : vector<16xf32>
      %select_n3A_1228 = arith.select %gt3A_1227, %get3A_1226, %select_n3A_1218 : vector<16xi1>, vector<16xf32>
      %jit3A_1229 = arith.constant 3 : i32
      %broadcast_in_dim3A_1230 = vector.broadcast %jit3A_1229 : i32 to vector<16xi32>
      %select_n3A_1231 = arith.select %gt3A_1227, %broadcast_in_dim3A_1230, %select_n3A_1221 : vector<16xi1>, vector<16xi32>
      %add3A_1232 = arith.constant 32 : i32
      %add3A_1233 = arith.addi %add3A_1232, %shift_right_arithmetic3A_1194 : i32
      %get3A_1234 = arith.index_cast %add3A_1233 : i32 to index
      %get3A_1235 = arith.index_cast %mul3A_1198 : i32 to index
      %get3A_1236 = tpu.vector_load %arg5[%get3A_1234, %get3A_1235] {strides = array<i32>} : memref<152x512xf32, #tpu.memory_space<vmem>>, vector<16xf32>,
      %gt3A_1237 = arith.cmpf ogt, %get3A_1236, %select_n3A_1228 : vector<16xf32>
      %select_n3A_1238 = arith.select %gt3A_1237, %get3A_1236, %select_n3A_1228 : vector<16xi1>, vector<16xf32>
      %jit3A_1239 = arith.constant 4 : i32
      %broadcast_in_dim3A_1240 = vector.broadcast %jit3A_1239 : i32 to vector<16xi32>
      %select_n3A_1241 = arith.select %gt3A_1237, %broadcast_in_dim3A_1240, %select_n3A_1231 : vector<16xi1>, vector<16xi32>
      %add3A_1242 = arith.constant 40 : i32
      %add3A_1243 = arith.addi %add3A_1242, %shift_right_arithmetic3A_1194 : i32
      %get3A_1244 = arith.index_cast %add3A_1243 : i32 to index
      %get3A_1245 = arith.index_cast %mul3A_1198 : i32 to index
      %get3A_1246 = tpu.vector_load %arg5[%get3A_1244, %get3A_1245] {strides = array<i32>} : memref<152x512xf32, #tpu.memory_space<vmem>>, vector<16xf32>,
      %gt3A_1247 = arith.cmpf ogt, %get3A_1246, %select_n3A_1238 : vector<16xf32>
      %select_n3A_1248 = arith.select %gt3A_1247, %get3A_1246, %select_n3A_1238 : vector<16xi1>, vector<16xf32>
      %jit3A_1249 = arith.constant 5 : i32
      %broadcast_in_dim3A_1250 = vector.broadcast %jit3A_1249 : i32 to vector<16xi32>
      %select_n3A_1251 = arith.select %gt3A_1247, %broadcast_in_dim3A_1250, %select_n3A_1241 : vector<16xi1>, vector<16xi32>
      %add3A_1252 = arith.constant 48 : i32
      %add3A_1253 = arith.addi %add3A_1252, %shift_right_arithmetic3A_1194 : i32
      %get3A_1254 = arith.index_cast %add3A_1253 : i32 to index
      %get3A_1255 = arith.index_cast %mul3A_1198 : i32 to index
      %get3A_1256 = tpu.vector_load %arg5[%get3A_1254, %get3A_1255] {strides = array<i32>} : memref<152x512xf32, #tpu.memory_space<vmem>>, vector<16xf32>,
      %gt3A_1257 = arith.cmpf ogt, %get3A_1256, %select_n3A_1248 : vector<16xf32>
      %select_n3A_1258 = arith.select %gt3A_1257, %get3A_1256, %select_n3A_1248 : vector<16xi1>, vector<16xf32>
      %jit3A_1259 = arith.constant 6 : i32
      %broadcast_in_dim3A_1260 = vector.broadcast %jit3A_1259 : i32 to vector<16xi32>
      %select_n3A_1261 = arith.select %gt3A_1257, %broadcast_in_dim3A_1260, %select_n3A_1251 : vector<16xi1>, vector<16xi32>
      %add3A_1262 = arith.constant 56 : i32
      %add3A_1263 = arith.addi %add3A_1262, %shift_right_arithmetic3A_1194 : i32
      %get3A_1264 = arith.index_cast %add3A_1263 : i32 to index
      %get3A_1265 = arith.index_cast %mul3A_1198 : i32 to index
      %get3A_1266 = tpu.vector_load %arg5[%get3A_1264, %get3A_1265] {strides = array<i32>} : memref<152x512xf32, #tpu.memory_space<vmem>>, vector<16xf32>,
      %gt3A_1267 = arith.cmpf ogt, %get3A_1266, %select_n3A_1258 : vector<16xf32>
      %select_n3A_1268 = arith.select %gt3A_1267, %get3A_1266, %select_n3A_1258 : vector<16xi1>, vector<16xf32>
      %jit3A_1269 = arith.constant 7 : i32
      %broadcast_in_dim3A_1270 = vector.broadcast %jit3A_1269 : i32 to vector<16xi32>
      %select_n3A_1271 = arith.select %gt3A_1267, %broadcast_in_dim3A_1270, %select_n3A_1261 : vector<16xi1>, vector<16xi32>
      %add3A_1272 = arith.constant 64 : i32
      %add3A_1273 = arith.addi %add3A_1272, %shift_right_arithmetic3A_1194 : i32
      %get3A_1274 = arith.index_cast %add3A_1273 : i32 to index
      %get3A_1275 = arith.index_cast %mul3A_1198 : i32 to index
      %get3A_1276 = tpu.vector_load %arg5[%get3A_1274, %get3A_1275] {strides = array<i32>} : memref<152x512xf32, #tpu.memory_space<vmem>>, vector<16xf32>,
      %gt3A_1277 = arith.cmpf ogt, %get3A_1276, %select_n3A_1268 : vector<16xf32>
      %select_n3A_1278 = arith.select %gt3A_1277, %get3A_1276, %select_n3A_1268 : vector<16xi1>, vector<16xf32>
      %jit3A_1279 = arith.constant 8 : i32
      %broadcast_in_dim3A_1280 = vector.broadcast %jit3A_1279 : i32 to vector<16xi32>
      %select_n3A_1281 = arith.select %gt3A_1277, %broadcast_in_dim3A_1280, %select_n3A_1271 : vector<16xi1>, vector<16xi32>
      %add3A_1282 = arith.constant 72 : i32
      %add3A_1283 = arith.addi %add3A_1282, %shift_right_arithmetic3A_1194 : i32
      %get3A_1284 = arith.index_cast %add3A_1283 : i32 to index
      %get3A_1285 = arith.index_cast %mul3A_1198 : i32 to index
      %get3A_1286 = tpu.vector_load %arg5[%get3A_1284, %get3A_1285] {strides = array<i32>} : memref<152x512xf32, #tpu.memory_space<vmem>>, vector<16xf32>,
      %gt3A_1287 = arith.cmpf ogt, %get3A_1286, %select_n3A_1278 : vector<16xf32>
      %select_n3A_1288 = arith.select %gt3A_1287, %get3A_1286, %select_n3A_1278 : vector<16xi1>, vector<16xf32>
      %jit3A_1289 = arith.constant 9 : i32
      %broadcast_in_dim3A_1290 = vector.broadcast %jit3A_1289 : i32 to vector<16xi32>
      %select_n3A_1291 = arith.select %gt3A_1287, %broadcast_in_dim3A_1290, %select_n3A_1281 : vector<16xi1>, vector<16xi32>
      %add3A_1292 = arith.constant 80 : i32
      %add3A_1293 = arith.addi %add3A_1292, %shift_right_arithmetic3A_1194 : i32
      %get3A_1294 = arith.index_cast %add3A_1293 : i32 to index
      %get3A_1295 = arith.index_cast %mul3A_1198 : i32 to index
      %get3A_1296 = tpu.vector_load %arg5[%get3A_1294, %get3A_1295] {strides = array<i32>} : memref<152x512xf32, #tpu.memory_space<vmem>>, vector<16xf32>,
      %gt3A_1297 = arith.cmpf ogt, %get3A_1296, %select_n3A_1288 : vector<16xf32>
      %select_n3A_1298 = arith.select %gt3A_1297, %get3A_1296, %select_n3A_1288 : vector<16xi1>, vector<16xf32>
      %jit3A_1299 = arith.constant 10 : i32
      %broadcast_in_dim3A_1300 = vector.broadcast %jit3A_1299 : i32 to vector<16xi32>
      %select_n3A_1301 = arith.select %gt3A_1297, %broadcast_in_dim3A_1300, %select_n3A_1291 : vector<16xi1>, vector<16xi32>
      %add3A_1302 = arith.constant 88 : i32
      %add3A_1303 = arith.addi %add3A_1302, %shift_right_arithmetic3A_1194 : i32
      %get3A_1304 = arith.index_cast %add3A_1303 : i32 to index
      %get3A_1305 = arith.index_cast %mul3A_1198 : i32 to index
      %get3A_1306 = tpu.vector_load %arg5[%get3A_1304, %get3A_1305] {strides = array<i32>} : memref<152x512xf32, #tpu.memory_space<vmem>>, vector<16xf32>,
      %gt3A_1307 = arith.cmpf ogt, %get3A_1306, %select_n3A_1298 : vector<16xf32>
      %select_n3A_1308 = arith.select %gt3A_1307, %get3A_1306, %select_n3A_1298 : vector<16xi1>, vector<16xf32>
      %jit3A_1309 = arith.constant 11 : i32
      %broadcast_in_dim3A_1310 = vector.broadcast %jit3A_1309 : i32 to vector<16xi32>
      %select_n3A_1311 = arith.select %gt3A_1307, %broadcast_in_dim3A_1310, %select_n3A_1301 : vector<16xi1>, vector<16xi32>
      %add3A_1312 = arith.constant 96 : i32
      %add3A_1313 = arith.addi %add3A_1312, %shift_right_arithmetic3A_1194 : i32
      %get3A_1314 = arith.index_cast %add3A_1313 : i32 to index
      %get3A_1315 = arith.index_cast %mul3A_1198 : i32 to index
      %get3A_1316 = tpu.vector_load %arg5[%get3A_1314, %get3A_1315] {strides = array<i32>} : memref<152x512xf32, #tpu.memory_space<vmem>>, vector<16xf32>,
      %gt3A_1317 = arith.cmpf ogt, %get3A_1316, %select_n3A_1308 : vector<16xf32>
      %select_n3A_1318 = arith.select %gt3A_1317, %get3A_1316, %select_n3A_1308 : vector<16xi1>, vector<16xf32>
      %jit3A_1319 = arith.constant 12 : i32
      %broadcast_in_dim3A_1320 = vector.broadcast %jit3A_1319 : i32 to vector<16xi32>
      %select_n3A_1321 = arith.select %gt3A_1317, %broadcast_in_dim3A_1320, %select_n3A_1311 : vector<16xi1>, vector<16xi32>
      %add3A_1322 = arith.constant 104 : i32
      %add3A_1323 = arith.addi %add3A_1322, %shift_right_arithmetic3A_1194 : i32
      %get3A_1324 = arith.index_cast %add3A_1323 : i32 to index
      %get3A_1325 = arith.index_cast %mul3A_1198 : i32 to index
      %get3A_1326 = tpu.vector_load %arg5[%get3A_1324, %get3A_1325] {strides = array<i32>} : memref<152x512xf32, #tpu.memory_space<vmem>>, vector<16xf32>,
      %gt3A_1327 = arith.cmpf ogt, %get3A_1326, %select_n3A_1318 : vector<16xf32>
      %select_n3A_1328 = arith.select %gt3A_1327, %get3A_1326, %select_n3A_1318 : vector<16xi1>, vector<16xf32>
      %jit3A_1329 = arith.constant 13 : i32
      %broadcast_in_dim3A_1330 = vector.broadcast %jit3A_1329 : i32 to vector<16xi32>
      %select_n3A_1331 = arith.select %gt3A_1327, %broadcast_in_dim3A_1330, %select_n3A_1321 : vector<16xi1>, vector<16xi32>
      %add3A_1332 = arith.constant 112 : i32
      %add3A_1333 = arith.addi %add3A_1332, %shift_right_arithmetic3A_1194 : i32
      %get3A_1334 = arith.index_cast %add3A_1333 : i32 to index
      %get3A_1335 = arith.index_cast %mul3A_1198 : i32 to index
      %get3A_1336 = tpu.vector_load %arg5[%get3A_1334, %get3A_1335] {strides = array<i32>} : memref<152x512xf32, #tpu.memory_space<vmem>>, vector<16xf32>,
      %gt3A_1337 = arith.cmpf ogt, %get3A_1336, %select_n3A_1328 : vector<16xf32>
      %select_n3A_1338 = arith.select %gt3A_1337, %get3A_1336, %select_n3A_1328 : vector<16xi1>, vector<16xf32>
      %jit3A_1339 = arith.constant 14 : i32
      %broadcast_in_dim3A_1340 = vector.broadcast %jit3A_1339 : i32 to vector<16xi32>
      %select_n3A_1341 = arith.select %gt3A_1337, %broadcast_in_dim3A_1340, %select_n3A_1331 : vector<16xi1>, vector<16xi32>
      %add3A_1342 = arith.constant 120 : i32
      %add3A_1343 = arith.addi %add3A_1342, %shift_right_arithmetic3A_1194 : i32
      %get3A_1344 = arith.index_cast %add3A_1343 : i32 to index
      %get3A_1345 = arith.index_cast %mul3A_1198 : i32 to index
      %get3A_1346 = tpu.vector_load %arg5[%get3A_1344, %get3A_1345] {strides = array<i32>} : memref<152x512xf32, #tpu.memory_space<vmem>>, vector<16xf32>,
      %gt3A_1347 = arith.cmpf ogt, %get3A_1346, %select_n3A_1338 : vector<16xf32>
      %select_n3A_1348 = arith.select %gt3A_1347, %get3A_1346, %select_n3A_1338 : vector<16xi1>, vector<16xf32>
      %jit3A_1349 = arith.constant 15 : i32
      %broadcast_in_dim3A_1350 = vector.broadcast %jit3A_1349 : i32 to vector<16xi32>
      %select_n3A_1351 = arith.select %gt3A_1347, %broadcast_in_dim3A_1350, %select_n3A_1341 : vector<16xi1>, vector<16xi32>
      %add3A_1352 = arith.constant 128 : i32
      %add3A_1353 = arith.addi %add3A_1352, %shift_right_arithmetic3A_1194 : i32
      %get3A_1354 = arith.index_cast %add3A_1353 : i32 to index
      %get3A_1355 = arith.index_cast %mul3A_1198 : i32 to index
      %get3A_1356 = tpu.vector_load %arg5[%get3A_1354, %get3A_1355] {strides = array<i32>} : memref<152x512xf32, #tpu.memory_space<vmem>>, vector<16xf32>,
      %gt3A_1357 = arith.cmpf ogt, %get3A_1356, %select_n3A_1348 : vector<16xf32>
      %select_n3A_1358 = arith.select %gt3A_1357, %get3A_1356, %select_n3A_1348 : vector<16xi1>, vector<16xf32>
      %jit3A_1359 = arith.constant 16 : i32
      %broadcast_in_dim3A_1360 = vector.broadcast %jit3A_1359 : i32 to vector<16xi32>
      %select_n3A_1361 = arith.select %gt3A_1357, %broadcast_in_dim3A_1360, %select_n3A_1351 : vector<16xi1>, vector<16xi32>
      %add3A_1362 = arith.constant 136 : i32
      %add3A_1363 = arith.addi %add3A_1362, %shift_right_arithmetic3A_1194 : i32
      %get3A_1364 = arith.index_cast %add3A_1363 : i32 to index
      %get3A_1365 = arith.index_cast %mul3A_1198 : i32 to index
      %get3A_1366 = tpu.vector_load %arg5[%get3A_1364, %get3A_1365] {strides = array<i32>} : memref<152x512xf32, #tpu.memory_space<vmem>>, vector<16xf32>,
      %gt3A_1367 = arith.cmpf ogt, %get3A_1366, %select_n3A_1358 : vector<16xf32>
      %select_n3A_1368 = arith.select %gt3A_1367, %get3A_1366, %select_n3A_1358 : vector<16xi1>, vector<16xf32>
      %jit3A_1369 = arith.constant 17 : i32
      %broadcast_in_dim3A_1370 = vector.broadcast %jit3A_1369 : i32 to vector<16xi32>
      %select_n3A_1371 = arith.select %gt3A_1367, %broadcast_in_dim3A_1370, %select_n3A_1361 : vector<16xi1>, vector<16xi32>
      %add3A_1372 = arith.constant 144 : i32
      %add3A_1373 = arith.addi %add3A_1372, %shift_right_arithmetic3A_1194 : i32
      %get3A_1374 = arith.index_cast %add3A_1373 : i32 to index
      %get3A_1375 = arith.index_cast %mul3A_1198 : i32 to index
      %get3A_1376 = tpu.vector_load %arg5[%get3A_1374, %get3A_1375] {strides = array<i32>} : memref<152x512xf32, #tpu.memory_space<vmem>>, vector<16xf32>,
      %gt3A_1377 = arith.cmpf ogt, %get3A_1376, %select_n3A_1368 : vector<16xf32>
      %select_n3A_1378 = arith.select %gt3A_1377, %get3A_1376, %select_n3A_1368 : vector<16xi1>, vector<16xf32>
      %jit3A_1379 = arith.constant 18 : i32
      %broadcast_in_dim3A_1380 = vector.broadcast %jit3A_1379 : i32 to vector<16xi32>
      %select_n3A_1381 = arith.select %gt3A_1377, %broadcast_in_dim3A_1380, %select_n3A_1371 : vector<16xi1>, vector<16xi32>
      %get3A_1382 = arith.index_cast %shift_right_arithmetic3A_1194 : i32 to index
      %get3A_1383 = arith.index_cast %mul3A_1198 : i32 to index
      %get3A_1384 = tpu.vector_load %arg6[%get3A_1382, %get3A_1383] {strides = array<i32>} : memref<8x512xi32, #tpu.memory_space<vmem>>, vector<16xi32>,
      %ge3A = arith.constant 0 : i32
      %ge3A_1385 = vector.broadcast %ge3A : i32 to vector<16xi32>
      %ge3A_1386 = arith.cmpi sge, %get3A_1384, %ge3A_1385 : vector<16xi32>
      %lt3A_1387 = arith.constant 19 : i32
      %lt3A_1388 = vector.broadcast %lt3A_1387 : i32 to vector<16xi32>
      %lt3A_1389 = arith.cmpi slt, %get3A_1384, %lt3A_1388 : vector<16xi32>
      %and3A_1390 = arith.andi %ge3A_1386, %lt3A_1389 : vector<16xi1>
      %jit3A_1391 = arith.constant 0 : i32
      %broadcast_in_dim3A_1392 = vector.broadcast %jit3A_1391 : i32 to vector<16xi32>
      %select_n3A_1393 = arith.select %and3A_1390, %get3A_1384, %broadcast_in_dim3A_1392 : vector<16xi1>, vector<16xi32>
      %mul3A_1394 = arith.constant 32 : i32
      %mul3A_1395 = vector.broadcast %mul3A_1394 : i32 to vector<16xi32>
      %mul3A_1396 = arith.muli %select_n3A_1393, %mul3A_1395 : vector<16xi32>
      %add3A_1397 = arith.addi %mul3A_1396, %select_n3A_1381 : vector<16xi32>
      tpu.vector_store_idx %arg7[%add3A_1397], %broadcast_in_dim3A_78 masked %and3A_1390 {add = true} : memref<608xf32, #tpu.memory_space<vmem>>[vector<16xi32>], vector<16xf32>, vector<16xi1>
      %scan3A_1398 = arith.constant 0 : i32
      scf.yield %scan3A_1398 : i32
    }
    %scan3A_626 = arith.constant 256 : i32
    %mul3A_627 = arith.constant 2 : i32
    %mul3A_628 = arith.muli %add3A, %mul3A_627 : i32
    %add3A_629 = arith.constant 1 : i32
    %add3A_630 = arith.addi %mul3A_628, %add3A_629 : i32
    %jit3A_631 = arith.constant 16 : i32
    %div3A_632 = arith.divsi %add3A_630, %jit3A_631 : i32
    %sign3A_633 = arith.constant 0 : i32
    %sign3A_634 = arith.cmpi sgt, %add3A_630, %sign3A_633 : i32
    %sign3A_635 = arith.extui %sign3A_634 : i1 to i32
    %sign3A_636 = arith.constant 0 : i32
    %sign3A_637 = arith.cmpi slt, %add3A_630, %sign3A_636 : i32
    %sign3A_638 = arith.extui %sign3A_637 : i1 to i32
    %sign3A_639 = arith.subi %sign3A_635, %sign3A_638 : i32
    %sign3A_640 = arith.constant 0 : i32
    %sign3A_641 = arith.cmpi sgt, %jit3A_631, %sign3A_640 : i32
    %sign3A_642 = arith.extui %sign3A_641 : i1 to i32
    %sign3A_643 = arith.constant 0 : i32
    %sign3A_644 = arith.cmpi slt, %jit3A_631, %sign3A_643 : i32
    %sign3A_645 = arith.extui %sign3A_644 : i1 to i32
    %sign3A_646 = arith.subi %sign3A_642, %sign3A_645 : i32
    %ne3A_647 = arith.cmpi ne, %sign3A_639, %sign3A_646 : i32
    %rem3A_648 = arith.remsi %add3A_630, %jit3A_631 : i32
    %ne3A_649 = arith.constant 0 : i32
    %ne3A_650 = arith.cmpi ne, %rem3A_648, %ne3A_649 : i32
    %and3A_651 = arith.andi %ne3A_647, %ne3A_650 : i1
    %sub3A_652 = arith.constant 1 : i32
    %sub3A_653 = arith.subi %div3A_632, %sub3A_652 : i32
    %select_n3A_654 = arith.select %and3A_651, %sub3A_653, %div3A_632 : i32
    %jit3A_655 = arith.constant 16 : i32
    %eq3A_656 = arith.constant 0 : i32
    %eq3A_657 = arith.cmpi eq, %jit3A_655, %eq3A_656 : i32
    %jit3A_658 = arith.constant 1 : i32
    %select_n3A_659 = arith.select %eq3A_657, %jit3A_658, %jit3A_655 : i32
    %rem3A_660 = arith.remsi %add3A_630, %select_n3A_659 : i32
    %ne3A_661 = arith.constant 0 : i32
    %ne3A_662 = arith.cmpi ne, %rem3A_660, %ne3A_661 : i32
    %lt3A_663 = arith.constant 0 : i32
    %lt3A_664 = arith.cmpi slt, %rem3A_660, %lt3A_663 : i32
    %lt3A_665 = arith.constant 0 : i32
    %lt3A_666 = arith.cmpi slt, %select_n3A_659, %lt3A_665 : i32
    %ne3A_667 = arith.xori %lt3A_664, %lt3A_666 : i1
    %and3A_668 = arith.andi %ne3A_667, %ne3A_662 : i1
    %add3A_669 = arith.addi %rem3A_660, %select_n3A_659 : i32
    %select_n3A_670 = arith.select %and3A_668, %add3A_669, %rem3A_660 : i32
    %mul3A_671 = arith.constant 8 : i32
    %mul3A_672 = arith.muli %select_n3A_670, %mul3A_671 : i32
    %add3A_673 = arith.constant 384 : i32
    %add3A_674 = arith.addi %add3A_673, %mul3A_672 : i32
    %dma_start3A_675 = arith.constant 0 : i32
    %dma_start3A_676 = arith.constant 0 : i32
    %dma_start3A_677 = arith.constant 0 : i32
    %dma_start3A_678 = tpu.memref_slice %arg5[%dma_start3A_676, %dma_start3A_677] : memref<152x512xf32, #tpu.memory_space<vmem>> -> memref<8x512xf32, #tpu.memory_space<vmem>>
    %dma_start3A_679 = arith.constant 0 : i32
    %dma_start3A_680 = tpu.memref_slice %arg2[%select_n3A_654, %dma_start3A_675, %add3A_674, %dma_start3A_679] : memref<4x19x512x512xf32, #tpu.memory_space<hbm>> -> memref<1x1x8x512xf32, #tpu.memory_space<hbm>>
    %dma_start3A_681 = tpu.memref_squeeze %dma_start3A_680 : memref<1x1x8x512xf32, #tpu.memory_space<hbm>> -> memref<8x512xf32, #tpu.memory_space<hbm>>
    %dma_start3A_682 = arith.constant 0 : i32
    %dma_start3A_683 = arith.constant 0 : i32
    %dma_start3A_684 = tpu.memref_slice %arg5[%dma_start3A_682, %dma_start3A_683] : memref<152x512xf32, #tpu.memory_space<vmem>> -> memref<8x512xf32, #tpu.memory_space<vmem>>
    %dma_start3A_685 = arith.constant 0 : i32
    %dma_start3A_686 = tpu.memref_slice %arg2[%select_n3A_654, %dma_start3A_675, %add3A_674, %dma_start3A_685] : memref<4x19x512x512xf32, #tpu.memory_space<hbm>> -> memref<1x1x8x512xf32, #tpu.memory_space<hbm>>
    %dma_start3A_687 = tpu.memref_squeeze %dma_start3A_686 : memref<1x1x8x512xf32, #tpu.memory_space<hbm>> -> memref<8x512xf32, #tpu.memory_space<hbm>>
    tpu.enqueue_dma source(%dma_start3A_687 : memref<8x512xf32, #tpu.memory_space<hbm>>) target(%dma_start3A_684 : memref<8x512xf32, #tpu.memory_space<vmem>>) target_semaphore(%arg8 : memref<!tpu.dma_semaphore, #tpu.memory_space<semaphore_mem>>)
    %dma_start3A_688 = arith.constant 1 : i32
    %dma_start3A_689 = arith.constant 8 : i32
    %dma_start3A_690 = arith.constant 0 : i32
    %dma_start3A_691 = tpu.memref_slice %arg5[%dma_start3A_689, %dma_start3A_690] : memref<152x512xf32, #tpu.memory_space<vmem>> -> memref<8x512xf32, #tpu.memory_space<vmem>>
    %dma_start3A_692 = arith.constant 0 : i32
    %dma_start3A_693 = tpu.memref_slice %arg2[%select_n3A_654, %dma_start3A_688, %add3A_674, %dma_start3A_692] : memref<4x19x512x512xf32, #tpu.memory_space<hbm>> -> memref<1x1x8x512xf32, #tpu.memory_space<hbm>>
    %dma_start3A_694 = tpu.memref_squeeze %dma_start3A_693 : memref<1x1x8x512xf32, #tpu.memory_space<hbm>> -> memref<8x512xf32, #tpu.memory_space<hbm>>
    %dma_start3A_695 = arith.constant 8 : i32
    %dma_start3A_696 = arith.constant 0 : i32
    %dma_start3A_697 = tpu.memref_slice %arg5[%dma_start3A_695, %dma_start3A_696] : memref<152x512xf32, #tpu.memory_space<vmem>> -> memref<8x512xf32, #tpu.memory_space<vmem>>
    %dma_start3A_698 = arith.constant 0 : i32
    %dma_start3A_699 = tpu.memref_slice %arg2[%select_n3A_654, %dma_start3A_688, %add3A_674, %dma_start3A_698] : memref<4x19x512x512xf32, #tpu.memory_space<hbm>> -> memref<1x1x8x512xf32, #tpu.memory_space<hbm>>
    %dma_start3A_700 = tpu.memref_squeeze %dma_start3A_699 : memref<1x1x8x512xf32, #tpu.memory_space<hbm>> -> memref<8x512xf32, #tpu.memory_space<hbm>>
    tpu.enqueue_dma source(%dma_start3A_700 : memref<8x512xf32, #tpu.memory_space<hbm>>) target(%dma_start3A_697 : memref<8x512xf32, #tpu.memory_space<vmem>>) target_semaphore(%arg8 : memref<!tpu.dma_semaphore, #tpu.memory_space<semaphore_mem>>)
    %dma_start3A_701 = arith.constant 2 : i32
    %dma_start3A_702 = arith.constant 16 : i32
    %dma_start3A_703 = arith.constant 0 : i32
    %dma_start3A_704 = tpu.memref_slice %arg5[%dma_start3A_702, %dma_start3A_703] : memref<152x512xf32, #tpu.memory_space<vmem>> -> memref<8x512xf32, #tpu.memory_space<vmem>>
    %dma_start3A_705 = arith.constant 0 : i32
    %dma_start3A_706 = tpu.memref_slice %arg2[%select_n3A_654, %dma_start3A_701, %add3A_674, %dma_start3A_705] : memref<4x19x512x512xf32, #tpu.memory_space<hbm>> -> memref<1x1x8x512xf32, #tpu.memory_space<hbm>>
    %dma_start3A_707 = tpu.memref_squeeze %dma_start3A_706 : memref<1x1x8x512xf32, #tpu.memory_space<hbm>> -> memref<8x512xf32, #tpu.memory_space<hbm>>
    %dma_start3A_708 = arith.constant 16 : i32
    %dma_start3A_709 = arith.constant 0 : i32
    %dma_start3A_710 = tpu.memref_slice %arg5[%dma_start3A_708, %dma_start3A_709] : memref<152x512xf32, #tpu.memory_space<vmem>> -> memref<8x512xf32, #tpu.memory_space<vmem>>
    %dma_start3A_711 = arith.constant 0 : i32
    %dma_start3A_712 = tpu.memref_slice %arg2[%select_n3A_654, %dma_start3A_701, %add3A_674, %dma_start3A_711] : memref<4x19x512x512xf32, #tpu.memory_space<hbm>> -> memref<1x1x8x512xf32, #tpu.memory_space<hbm>>
    %dma_start3A_713 = tpu.memref_squeeze %dma_start3A_712 : memref<1x1x8x512xf32, #tpu.memory_space<hbm>> -> memref<8x512xf32, #tpu.memory_space<hbm>>
    tpu.enqueue_dma source(%dma_start3A_713 : memref<8x512xf32, #tpu.memory_space<hbm>>) target(%dma_start3A_710 : memref<8x512xf32, #tpu.memory_space<vmem>>) target_semaphore(%arg8 : memref<!tpu.dma_semaphore, #tpu.memory_space<semaphore_mem>>)
    %dma_start3A_714 = arith.constant 3 : i32
    %dma_start3A_715 = arith.constant 24 : i32
    %dma_start3A_716 = arith.constant 0 : i32
    %dma_start3A_717 = tpu.memref_slice %arg5[%dma_start3A_715, %dma_start3A_716] : memref<152x512xf32, #tpu.memory_space<vmem>> -> memref<8x512xf32, #tpu.memory_space<vmem>>
    %dma_start3A_718 = arith.constant 0 : i32
    %dma_start3A_719 = tpu.memref_slice %arg2[%select_n3A_654, %dma_start3A_714, %add3A_674, %dma_start3A_718] : memref<4x19x512x512xf32, #tpu.memory_space<hbm>> -> memref<1x1x8x512xf32, #tpu.memory_space<hbm>>
    %dma_start3A_720 = tpu.memref_squeeze %dma_start3A_719 : memref<1x1x8x512xf32, #tpu.memory_space<hbm>> -> memref<8x512xf32, #tpu.memory_space<hbm>>
    %dma_start3A_721 = arith.constant 24 : i32
    %dma_start3A_722 = arith.constant 0 : i32
    %dma_start3A_723 = tpu.memref_slice %arg5[%dma_start3A_721, %dma_start3A_722] : memref<152x512xf32, #tpu.memory_space<vmem>> -> memref<8x512xf32, #tpu.memory_space<vmem>>
    %dma_start3A_724 = arith.constant 0 : i32
    %dma_start3A_725 = tpu.memref_slice %arg2[%select_n3A_654, %dma_start3A_714, %add3A_674, %dma_start3A_724] : memref<4x19x512x512xf32, #tpu.memory_space<hbm>> -> memref<1x1x8x512xf32, #tpu.memory_space<hbm>>
    %dma_start3A_726 = tpu.memref_squeeze %dma_start3A_725 : memref<1x1x8x512xf32, #tpu.memory_space<hbm>> -> memref<8x512xf32, #tpu.memory_space<hbm>>
    tpu.enqueue_dma source(%dma_start3A_726 : memref<8x512xf32, #tpu.memory_space<hbm>>) target(%dma_start3A_723 : memref<8x512xf32, #tpu.memory_space<vmem>>) target_semaphore(%arg8 : memref<!tpu.dma_semaphore, #tpu.memory_space<semaphore_mem>>)
    %dma_start3A_727 = arith.constant 4 : i32
    %dma_start3A_728 = arith.constant 32 : i32
    %dma_start3A_729 = arith.constant 0 : i32
    %dma_start3A_730 = tpu.memref_slice %arg5[%dma_start3A_728, %dma_start3A_729] : memref<152x512xf32, #tpu.memory_space<vmem>> -> memref<8x512xf32, #tpu.memory_space<vmem>>
    %dma_start3A_731 = arith.constant 0 : i32
    %dma_start3A_732 = tpu.memref_slice %arg2[%select_n3A_654, %dma_start3A_727, %add3A_674, %dma_start3A_731] : memref<4x19x512x512xf32, #tpu.memory_space<hbm>> -> memref<1x1x8x512xf32, #tpu.memory_space<hbm>>
    %dma_start3A_733 = tpu.memref_squeeze %dma_start3A_732 : memref<1x1x8x512xf32, #tpu.memory_space<hbm>> -> memref<8x512xf32, #tpu.memory_space<hbm>>
    %dma_start3A_734 = arith.constant 32 : i32
    %dma_start3A_735 = arith.constant 0 : i32
    %dma_start3A_736 = tpu.memref_slice %arg5[%dma_start3A_734, %dma_start3A_735] : memref<152x512xf32, #tpu.memory_space<vmem>> -> memref<8x512xf32, #tpu.memory_space<vmem>>
    %dma_start3A_737 = arith.constant 0 : i32
    %dma_start3A_738 = tpu.memref_slice %arg2[%select_n3A_654, %dma_start3A_727, %add3A_674, %dma_start3A_737] : memref<4x19x512x512xf32, #tpu.memory_space<hbm>> -> memref<1x1x8x512xf32, #tpu.memory_space<hbm>>
    %dma_start3A_739 = tpu.memref_squeeze %dma_start3A_738 : memref<1x1x8x512xf32, #tpu.memory_space<hbm>> -> memref<8x512xf32, #tpu.memory_space<hbm>>
    tpu.enqueue_dma source(%dma_start3A_739 : memref<8x512xf32, #tpu.memory_space<hbm>>) target(%dma_start3A_736 : memref<8x512xf32, #tpu.memory_space<vmem>>) target_semaphore(%arg8 : memref<!tpu.dma_semaphore, #tpu.memory_space<semaphore_mem>>)
    %dma_start3A_740 = arith.constant 5 : i32
    %dma_start3A_741 = arith.constant 40 : i32
    %dma_start3A_742 = arith.constant 0 : i32
    %dma_start3A_743 = tpu.memref_slice %arg5[%dma_start3A_741, %dma_start3A_742] : memref<152x512xf32, #tpu.memory_space<vmem>> -> memref<8x512xf32, #tpu.memory_space<vmem>>
    %dma_start3A_744 = arith.constant 0 : i32
    %dma_start3A_745 = tpu.memref_slice %arg2[%select_n3A_654, %dma_start3A_740, %add3A_674, %dma_start3A_744] : memref<4x19x512x512xf32, #tpu.memory_space<hbm>> -> memref<1x1x8x512xf32, #tpu.memory_space<hbm>>
    %dma_start3A_746 = tpu.memref_squeeze %dma_start3A_745 : memref<1x1x8x512xf32, #tpu.memory_space<hbm>> -> memref<8x512xf32, #tpu.memory_space<hbm>>
    %dma_start3A_747 = arith.constant 40 : i32
    %dma_start3A_748 = arith.constant 0 : i32
    %dma_start3A_749 = tpu.memref_slice %arg5[%dma_start3A_747, %dma_start3A_748] : memref<152x512xf32, #tpu.memory_space<vmem>> -> memref<8x512xf32, #tpu.memory_space<vmem>>
    %dma_start3A_750 = arith.constant 0 : i32
    %dma_start3A_751 = tpu.memref_slice %arg2[%select_n3A_654, %dma_start3A_740, %add3A_674, %dma_start3A_750] : memref<4x19x512x512xf32, #tpu.memory_space<hbm>> -> memref<1x1x8x512xf32, #tpu.memory_space<hbm>>
    %dma_start3A_752 = tpu.memref_squeeze %dma_start3A_751 : memref<1x1x8x512xf32, #tpu.memory_space<hbm>> -> memref<8x512xf32, #tpu.memory_space<hbm>>
    tpu.enqueue_dma source(%dma_start3A_752 : memref<8x512xf32, #tpu.memory_space<hbm>>) target(%dma_start3A_749 : memref<8x512xf32, #tpu.memory_space<vmem>>) target_semaphore(%arg8 : memref<!tpu.dma_semaphore, #tpu.memory_space<semaphore_mem>>)
    %dma_start3A_753 = arith.constant 6 : i32
    %dma_start3A_754 = arith.constant 48 : i32
    %dma_start3A_755 = arith.constant 0 : i32
    %dma_start3A_756 = tpu.memref_slice %arg5[%dma_start3A_754, %dma_start3A_755] : memref<152x512xf32, #tpu.memory_space<vmem>> -> memref<8x512xf32, #tpu.memory_space<vmem>>
    %dma_start3A_757 = arith.constant 0 : i32
    %dma_start3A_758 = tpu.memref_slice %arg2[%select_n3A_654, %dma_start3A_753, %add3A_674, %dma_start3A_757] : memref<4x19x512x512xf32, #tpu.memory_space<hbm>> -> memref<1x1x8x512xf32, #tpu.memory_space<hbm>>
    %dma_start3A_759 = tpu.memref_squeeze %dma_start3A_758 : memref<1x1x8x512xf32, #tpu.memory_space<hbm>> -> memref<8x512xf32, #tpu.memory_space<hbm>>
    %dma_start3A_760 = arith.constant 48 : i32
    %dma_start3A_761 = arith.constant 0 : i32
    %dma_start3A_762 = tpu.memref_slice %arg5[%dma_start3A_760, %dma_start3A_761] : memref<152x512xf32, #tpu.memory_space<vmem>> -> memref<8x512xf32, #tpu.memory_space<vmem>>
    %dma_start3A_763 = arith.constant 0 : i32
    %dma_start3A_764 = tpu.memref_slice %arg2[%select_n3A_654, %dma_start3A_753, %add3A_674, %dma_start3A_763] : memref<4x19x512x512xf32, #tpu.memory_space<hbm>> -> memref<1x1x8x512xf32, #tpu.memory_space<hbm>>
    %dma_start3A_765 = tpu.memref_squeeze %dma_start3A_764 : memref<1x1x8x512xf32, #tpu.memory_space<hbm>> -> memref<8x512xf32, #tpu.memory_space<hbm>>
    tpu.enqueue_dma source(%dma_start3A_765 : memref<8x512xf32, #tpu.memory_space<hbm>>) target(%dma_start3A_762 : memref<8x512xf32, #tpu.memory_space<vmem>>) target_semaphore(%arg8 : memref<!tpu.dma_semaphore, #tpu.memory_space<semaphore_mem>>)
    %dma_start3A_766 = arith.constant 7 : i32
    %dma_start3A_767 = arith.constant 56 : i32
    %dma_start3A_768 = arith.constant 0 : i32
    %dma_start3A_769 = tpu.memref_slice %arg5[%dma_start3A_767, %dma_start3A_768] : memref<152x512xf32, #tpu.memory_space<vmem>> -> memref<8x512xf32, #tpu.memory_space<vmem>>
    %dma_start3A_770 = arith.constant 0 : i32
    %dma_start3A_771 = tpu.memref_slice %arg2[%select_n3A_654, %dma_start3A_766, %add3A_674, %dma_start3A_770] : memref<4x19x512x512xf32, #tpu.memory_space<hbm>> -> memref<1x1x8x512xf32, #tpu.memory_space<hbm>>
    %dma_start3A_772 = tpu.memref_squeeze %dma_start3A_771 : memref<1x1x8x512xf32, #tpu.memory_space<hbm>> -> memref<8x512xf32, #tpu.memory_space<hbm>>
    %dma_start3A_773 = arith.constant 56 : i32
    %dma_start3A_774 = arith.constant 0 : i32
    %dma_start3A_775 = tpu.memref_slice %arg5[%dma_start3A_773, %dma_start3A_774] : memref<152x512xf32, #tpu.memory_space<vmem>> -> memref<8x512xf32, #tpu.memory_space<vmem>>
    %dma_start3A_776 = arith.constant 0 : i32
    %dma_start3A_777 = tpu.memref_slice %arg2[%select_n3A_654, %dma_start3A_766, %add3A_674, %dma_start3A_776] : memref<4x19x512x512xf32, #tpu.memory_space<hbm>> -> memref<1x1x8x512xf32, #tpu.memory_space<hbm>>
    %dma_start3A_778 = tpu.memref_squeeze %dma_start3A_777 : memref<1x1x8x512xf32, #tpu.memory_space<hbm>> -> memref<8x512xf32, #tpu.memory_space<hbm>>
    tpu.enqueue_dma source(%dma_start3A_778 : memref<8x512xf32, #tpu.memory_space<hbm>>) target(%dma_start3A_775 : memref<8x512xf32, #tpu.memory_space<vmem>>) target_semaphore(%arg8 : memref<!tpu.dma_semaphore, #tpu.memory_space<semaphore_mem>>)
    %dma_start3A_779 = arith.constant 8 : i32
    %dma_start3A_780 = arith.constant 64 : i32
    %dma_start3A_781 = arith.constant 0 : i32
    %dma_start3A_782 = tpu.memref_slice %arg5[%dma_start3A_780, %dma_start3A_781] : memref<152x512xf32, #tpu.memory_space<vmem>> -> memref<8x512xf32, #tpu.memory_space<vmem>>
    %dma_start3A_783 = arith.constant 0 : i32
    %dma_start3A_784 = tpu.memref_slice %arg2[%select_n3A_654, %dma_start3A_779, %add3A_674, %dma_start3A_783] : memref<4x19x512x512xf32, #tpu.memory_space<hbm>> -> memref<1x1x8x512xf32, #tpu.memory_space<hbm>>
    %dma_start3A_785 = tpu.memref_squeeze %dma_start3A_784 : memref<1x1x8x512xf32, #tpu.memory_space<hbm>> -> memref<8x512xf32, #tpu.memory_space<hbm>>
    %dma_start3A_786 = arith.constant 64 : i32
    %dma_start3A_787 = arith.constant 0 : i32
    %dma_start3A_788 = tpu.memref_slice %arg5[%dma_start3A_786, %dma_start3A_787] : memref<152x512xf32, #tpu.memory_space<vmem>> -> memref<8x512xf32, #tpu.memory_space<vmem>>
    %dma_start3A_789 = arith.constant 0 : i32
    %dma_start3A_790 = tpu.memref_slice %arg2[%select_n3A_654, %dma_start3A_779, %add3A_674, %dma_start3A_789] : memref<4x19x512x512xf32, #tpu.memory_space<hbm>> -> memref<1x1x8x512xf32, #tpu.memory_space<hbm>>
    %dma_start3A_791 = tpu.memref_squeeze %dma_start3A_790 : memref<1x1x8x512xf32, #tpu.memory_space<hbm>> -> memref<8x512xf32, #tpu.memory_space<hbm>>
    tpu.enqueue_dma source(%dma_start3A_791 : memref<8x512xf32, #tpu.memory_space<hbm>>) target(%dma_start3A_788 : memref<8x512xf32, #tpu.memory_space<vmem>>) target_semaphore(%arg8 : memref<!tpu.dma_semaphore, #tpu.memory_space<semaphore_mem>>)
    %dma_start3A_792 = arith.constant 9 : i32
    %dma_start3A_793 = arith.constant 72 : i32
    %dma_start3A_794 = arith.constant 0 : i32
    %dma_start3A_795 = tpu.memref_slice %arg5[%dma_start3A_793, %dma_start3A_794] : memref<152x512xf32, #tpu.memory_space<vmem>> -> memref<8x512xf32, #tpu.memory_space<vmem>>
    %dma_start3A_796 = arith.constant 0 : i32
    %dma_start3A_797 = tpu.memref_slice %arg2[%select_n3A_654, %dma_start3A_792, %add3A_674, %dma_start3A_796] : memref<4x19x512x512xf32, #tpu.memory_space<hbm>> -> memref<1x1x8x512xf32, #tpu.memory_space<hbm>>
    %dma_start3A_798 = tpu.memref_squeeze %dma_start3A_797 : memref<1x1x8x512xf32, #tpu.memory_space<hbm>> -> memref<8x512xf32, #tpu.memory_space<hbm>>
    %dma_start3A_799 = arith.constant 72 : i32
    %dma_start3A_800 = arith.constant 0 : i32
    %dma_start3A_801 = tpu.memref_slice %arg5[%dma_start3A_799, %dma_start3A_800] : memref<152x512xf32, #tpu.memory_space<vmem>> -> memref<8x512xf32, #tpu.memory_space<vmem>>
    %dma_start3A_802 = arith.constant 0 : i32
    %dma_start3A_803 = tpu.memref_slice %arg2[%select_n3A_654, %dma_start3A_792, %add3A_674, %dma_start3A_802] : memref<4x19x512x512xf32, #tpu.memory_space<hbm>> -> memref<1x1x8x512xf32, #tpu.memory_space<hbm>>
    %dma_start3A_804 = tpu.memref_squeeze %dma_start3A_803 : memref<1x1x8x512xf32, #tpu.memory_space<hbm>> -> memref<8x512xf32, #tpu.memory_space<hbm>>
    tpu.enqueue_dma source(%dma_start3A_804 : memref<8x512xf32, #tpu.memory_space<hbm>>) target(%dma_start3A_801 : memref<8x512xf32, #tpu.memory_space<vmem>>) target_semaphore(%arg8 : memref<!tpu.dma_semaphore, #tpu.memory_space<semaphore_mem>>)
    %dma_start3A_805 = arith.constant 10 : i32
    %dma_start3A_806 = arith.constant 80 : i32
    %dma_start3A_807 = arith.constant 0 : i32
    %dma_start3A_808 = tpu.memref_slice %arg5[%dma_start3A_806, %dma_start3A_807] : memref<152x512xf32, #tpu.memory_space<vmem>> -> memref<8x512xf32, #tpu.memory_space<vmem>>
    %dma_start3A_809 = arith.constant 0 : i32
    %dma_start3A_810 = tpu.memref_slice %arg2[%select_n3A_654, %dma_start3A_805, %add3A_674, %dma_start3A_809] : memref<4x19x512x512xf32, #tpu.memory_space<hbm>> -> memref<1x1x8x512xf32, #tpu.memory_space<hbm>>
    %dma_start3A_811 = tpu.memref_squeeze %dma_start3A_810 : memref<1x1x8x512xf32, #tpu.memory_space<hbm>> -> memref<8x512xf32, #tpu.memory_space<hbm>>
    %dma_start3A_812 = arith.constant 80 : i32
    %dma_start3A_813 = arith.constant 0 : i32
    %dma_start3A_814 = tpu.memref_slice %arg5[%dma_start3A_812, %dma_start3A_813] : memref<152x512xf32, #tpu.memory_space<vmem>> -> memref<8x512xf32, #tpu.memory_space<vmem>>
    %dma_start3A_815 = arith.constant 0 : i32
    %dma_start3A_816 = tpu.memref_slice %arg2[%select_n3A_654, %dma_start3A_805, %add3A_674, %dma_start3A_815] : memref<4x19x512x512xf32, #tpu.memory_space<hbm>> -> memref<1x1x8x512xf32, #tpu.memory_space<hbm>>
    %dma_start3A_817 = tpu.memref_squeeze %dma_start3A_816 : memref<1x1x8x512xf32, #tpu.memory_space<hbm>> -> memref<8x512xf32, #tpu.memory_space<hbm>>
    tpu.enqueue_dma source(%dma_start3A_817 : memref<8x512xf32, #tpu.memory_space<hbm>>) target(%dma_start3A_814 : memref<8x512xf32, #tpu.memory_space<vmem>>) target_semaphore(%arg8 : memref<!tpu.dma_semaphore, #tpu.memory_space<semaphore_mem>>)
    %dma_start3A_818 = arith.constant 11 : i32
    %dma_start3A_819 = arith.constant 88 : i32
    %dma_start3A_820 = arith.constant 0 : i32
    %dma_start3A_821 = tpu.memref_slice %arg5[%dma_start3A_819, %dma_start3A_820] : memref<152x512xf32, #tpu.memory_space<vmem>> -> memref<8x512xf32, #tpu.memory_space<vmem>>
    %dma_start3A_822 = arith.constant 0 : i32
    %dma_start3A_823 = tpu.memref_slice %arg2[%select_n3A_654, %dma_start3A_818, %add3A_674, %dma_start3A_822] : memref<4x19x512x512xf32, #tpu.memory_space<hbm>> -> memref<1x1x8x512xf32, #tpu.memory_space<hbm>>
    %dma_start3A_824 = tpu.memref_squeeze %dma_start3A_823 : memref<1x1x8x512xf32, #tpu.memory_space<hbm>> -> memref<8x512xf32, #tpu.memory_space<hbm>>
    %dma_start3A_825 = arith.constant 88 : i32
    %dma_start3A_826 = arith.constant 0 : i32
    %dma_start3A_827 = tpu.memref_slice %arg5[%dma_start3A_825, %dma_start3A_826] : memref<152x512xf32, #tpu.memory_space<vmem>> -> memref<8x512xf32, #tpu.memory_space<vmem>>
    %dma_start3A_828 = arith.constant 0 : i32
    %dma_start3A_829 = tpu.memref_slice %arg2[%select_n3A_654, %dma_start3A_818, %add3A_674, %dma_start3A_828] : memref<4x19x512x512xf32, #tpu.memory_space<hbm>> -> memref<1x1x8x512xf32, #tpu.memory_space<hbm>>
    %dma_start3A_830 = tpu.memref_squeeze %dma_start3A_829 : memref<1x1x8x512xf32, #tpu.memory_space<hbm>> -> memref<8x512xf32, #tpu.memory_space<hbm>>
    tpu.enqueue_dma source(%dma_start3A_830 : memref<8x512xf32, #tpu.memory_space<hbm>>) target(%dma_start3A_827 : memref<8x512xf32, #tpu.memory_space<vmem>>) target_semaphore(%arg8 : memref<!tpu.dma_semaphore, #tpu.memory_space<semaphore_mem>>)
    %dma_start3A_831 = arith.constant 12 : i32
    %dma_start3A_832 = arith.constant 96 : i32
    %dma_start3A_833 = arith.constant 0 : i32
    %dma_start3A_834 = tpu.memref_slice %arg5[%dma_start3A_832, %dma_start3A_833] : memref<152x512xf32, #tpu.memory_space<vmem>> -> memref<8x512xf32, #tpu.memory_space<vmem>>
    %dma_start3A_835 = arith.constant 0 : i32
    %dma_start3A_836 = tpu.memref_slice %arg2[%select_n3A_654, %dma_start3A_831, %add3A_674, %dma_start3A_835] : memref<4x19x512x512xf32, #tpu.memory_space<hbm>> -> memref<1x1x8x512xf32, #tpu.memory_space<hbm>>
    %dma_start3A_837 = tpu.memref_squeeze %dma_start3A_836 : memref<1x1x8x512xf32, #tpu.memory_space<hbm>> -> memref<8x512xf32, #tpu.memory_space<hbm>>
    %dma_start3A_838 = arith.constant 96 : i32
    %dma_start3A_839 = arith.constant 0 : i32
    %dma_start3A_840 = tpu.memref_slice %arg5[%dma_start3A_838, %dma_start3A_839] : memref<152x512xf32, #tpu.memory_space<vmem>> -> memref<8x512xf32, #tpu.memory_space<vmem>>
    %dma_start3A_841 = arith.constant 0 : i32
    %dma_start3A_842 = tpu.memref_slice %arg2[%select_n3A_654, %dma_start3A_831, %add3A_674, %dma_start3A_841] : memref<4x19x512x512xf32, #tpu.memory_space<hbm>> -> memref<1x1x8x512xf32, #tpu.memory_space<hbm>>
    %dma_start3A_843 = tpu.memref_squeeze %dma_start3A_842 : memref<1x1x8x512xf32, #tpu.memory_space<hbm>> -> memref<8x512xf32, #tpu.memory_space<hbm>>
    tpu.enqueue_dma source(%dma_start3A_843 : memref<8x512xf32, #tpu.memory_space<hbm>>) target(%dma_start3A_840 : memref<8x512xf32, #tpu.memory_space<vmem>>) target_semaphore(%arg8 : memref<!tpu.dma_semaphore, #tpu.memory_space<semaphore_mem>>)
    %dma_start3A_844 = arith.constant 13 : i32
    %dma_start3A_845 = arith.constant 104 : i32
    %dma_start3A_846 = arith.constant 0 : i32
    %dma_start3A_847 = tpu.memref_slice %arg5[%dma_start3A_845, %dma_start3A_846] : memref<152x512xf32, #tpu.memory_space<vmem>> -> memref<8x512xf32, #tpu.memory_space<vmem>>
    %dma_start3A_848 = arith.constant 0 : i32
    %dma_start3A_849 = tpu.memref_slice %arg2[%select_n3A_654, %dma_start3A_844, %add3A_674, %dma_start3A_848] : memref<4x19x512x512xf32, #tpu.memory_space<hbm>> -> memref<1x1x8x512xf32, #tpu.memory_space<hbm>>
    %dma_start3A_850 = tpu.memref_squeeze %dma_start3A_849 : memref<1x1x8x512xf32, #tpu.memory_space<hbm>> -> memref<8x512xf32, #tpu.memory_space<hbm>>
    %dma_start3A_851 = arith.constant 104 : i32
    %dma_start3A_852 = arith.constant 0 : i32
    %dma_start3A_853 = tpu.memref_slice %arg5[%dma_start3A_851, %dma_start3A_852] : memref<152x512xf32, #tpu.memory_space<vmem>> -> memref<8x512xf32, #tpu.memory_space<vmem>>
    %dma_start3A_854 = arith.constant 0 : i32
    %dma_start3A_855 = tpu.memref_slice %arg2[%select_n3A_654, %dma_start3A_844, %add3A_674, %dma_start3A_854] : memref<4x19x512x512xf32, #tpu.memory_space<hbm>> -> memref<1x1x8x512xf32, #tpu.memory_space<hbm>>
    %dma_start3A_856 = tpu.memref_squeeze %dma_start3A_855 : memref<1x1x8x512xf32, #tpu.memory_space<hbm>> -> memref<8x512xf32, #tpu.memory_space<hbm>>
    tpu.enqueue_dma source(%dma_start3A_856 : memref<8x512xf32, #tpu.memory_space<hbm>>) target(%dma_start3A_853 : memref<8x512xf32, #tpu.memory_space<vmem>>) target_semaphore(%arg8 : memref<!tpu.dma_semaphore, #tpu.memory_space<semaphore_mem>>)
    %dma_start3A_857 = arith.constant 14 : i32
    %dma_start3A_858 = arith.constant 112 : i32
    %dma_start3A_859 = arith.constant 0 : i32
    %dma_start3A_860 = tpu.memref_slice %arg5[%dma_start3A_858, %dma_start3A_859] : memref<152x512xf32, #tpu.memory_space<vmem>> -> memref<8x512xf32, #tpu.memory_space<vmem>>
    %dma_start3A_861 = arith.constant 0 : i32
    %dma_start3A_862 = tpu.memref_slice %arg2[%select_n3A_654, %dma_start3A_857, %add3A_674, %dma_start3A_861] : memref<4x19x512x512xf32, #tpu.memory_space<hbm>> -> memref<1x1x8x512xf32, #tpu.memory_space<hbm>>
    %dma_start3A_863 = tpu.memref_squeeze %dma_start3A_862 : memref<1x1x8x512xf32, #tpu.memory_space<hbm>> -> memref<8x512xf32, #tpu.memory_space<hbm>>
    %dma_start3A_864 = arith.constant 112 : i32
    %dma_start3A_865 = arith.constant 0 : i32
    %dma_start3A_866 = tpu.memref_slice %arg5[%dma_start3A_864, %dma_start3A_865] : memref<152x512xf32, #tpu.memory_space<vmem>> -> memref<8x512xf32, #tpu.memory_space<vmem>>
    %dma_start3A_867 = arith.constant 0 : i32
    %dma_start3A_868 = tpu.memref_slice %arg2[%select_n3A_654, %dma_start3A_857, %add3A_674, %dma_start3A_867] : memref<4x19x512x512xf32, #tpu.memory_space<hbm>> -> memref<1x1x8x512xf32, #tpu.memory_space<hbm>>
    %dma_start3A_869 = tpu.memref_squeeze %dma_start3A_868 : memref<1x1x8x512xf32, #tpu.memory_space<hbm>> -> memref<8x512xf32, #tpu.memory_space<hbm>>
    tpu.enqueue_dma source(%dma_start3A_869 : memref<8x512xf32, #tpu.memory_space<hbm>>) target(%dma_start3A_866 : memref<8x512xf32, #tpu.memory_space<vmem>>) target_semaphore(%arg8 : memref<!tpu.dma_semaphore, #tpu.memory_space<semaphore_mem>>)
    %dma_start3A_870 = arith.constant 15 : i32
    %dma_start3A_871 = arith.constant 120 : i32
    %dma_start3A_872 = arith.constant 0 : i32
    %dma_start3A_873 = tpu.memref_slice %arg5[%dma_start3A_871, %dma_start3A_872] : memref<152x512xf32, #tpu.memory_space<vmem>> -> memref<8x512xf32, #tpu.memory_space<vmem>>
    %dma_start3A_874 = arith.constant 0 : i32
    %dma_start3A_875 = tpu.memref_slice %arg2[%select_n3A_654, %dma_start3A_870, %add3A_674, %dma_start3A_874] : memref<4x19x512x512xf32, #tpu.memory_space<hbm>> -> memref<1x1x8x512xf32, #tpu.memory_space<hbm>>
    %dma_start3A_876 = tpu.memref_squeeze %dma_start3A_875 : memref<1x1x8x512xf32, #tpu.memory_space<hbm>> -> memref<8x512xf32, #tpu.memory_space<hbm>>
    %dma_start3A_877 = arith.constant 120 : i32
    %dma_start3A_878 = arith.constant 0 : i32
    %dma_start3A_879 = tpu.memref_slice %arg5[%dma_start3A_877, %dma_start3A_878] : memref<152x512xf32, #tpu.memory_space<vmem>> -> memref<8x512xf32, #tpu.memory_space<vmem>>
    %dma_start3A_880 = arith.constant 0 : i32
    %dma_start3A_881 = tpu.memref_slice %arg2[%select_n3A_654, %dma_start3A_870, %add3A_674, %dma_start3A_880] : memref<4x19x512x512xf32, #tpu.memory_space<hbm>> -> memref<1x1x8x512xf32, #tpu.memory_space<hbm>>
    %dma_start3A_882 = tpu.memref_squeeze %dma_start3A_881 : memref<1x1x8x512xf32, #tpu.memory_space<hbm>> -> memref<8x512xf32, #tpu.memory_space<hbm>>
    tpu.enqueue_dma source(%dma_start3A_882 : memref<8x512xf32, #tpu.memory_space<hbm>>) target(%dma_start3A_879 : memref<8x512xf32, #tpu.memory_space<vmem>>) target_semaphore(%arg8 : memref<!tpu.dma_semaphore, #tpu.memory_space<semaphore_mem>>)
    %dma_start3A_883 = arith.constant 16 : i32
    %dma_start3A_884 = arith.constant 128 : i32
    %dma_start3A_885 = arith.constant 0 : i32
    %dma_start3A_886 = tpu.memref_slice %arg5[%dma_start3A_884, %dma_start3A_885] : memref<152x512xf32, #tpu.memory_space<vmem>> -> memref<8x512xf32, #tpu.memory_space<vmem>>
    %dma_start3A_887 = arith.constant 0 : i32
    %dma_start3A_888 = tpu.memref_slice %arg2[%select_n3A_654, %dma_start3A_883, %add3A_674, %dma_start3A_887] : memref<4x19x512x512xf32, #tpu.memory_space<hbm>> -> memref<1x1x8x512xf32, #tpu.memory_space<hbm>>
    %dma_start3A_889 = tpu.memref_squeeze %dma_start3A_888 : memref<1x1x8x512xf32, #tpu.memory_space<hbm>> -> memref<8x512xf32, #tpu.memory_space<hbm>>
    %dma_start3A_890 = arith.constant 128 : i32
    %dma_start3A_891 = arith.constant 0 : i32
    %dma_start3A_892 = tpu.memref_slice %arg5[%dma_start3A_890, %dma_start3A_891] : memref<152x512xf32, #tpu.memory_space<vmem>> -> memref<8x512xf32, #tpu.memory_space<vmem>>
    %dma_start3A_893 = arith.constant 0 : i32
    %dma_start3A_894 = tpu.memref_slice %arg2[%select_n3A_654, %dma_start3A_883, %add3A_674, %dma_start3A_893] : memref<4x19x512x512xf32, #tpu.memory_space<hbm>> -> memref<1x1x8x512xf32, #tpu.memory_space<hbm>>
    %dma_start3A_895 = tpu.memref_squeeze %dma_start3A_894 : memref<1x1x8x512xf32, #tpu.memory_space<hbm>> -> memref<8x512xf32, #tpu.memory_space<hbm>>
    tpu.enqueue_dma source(%dma_start3A_895 : memref<8x512xf32, #tpu.memory_space<hbm>>) target(%dma_start3A_892 : memref<8x512xf32, #tpu.memory_space<vmem>>) target_semaphore(%arg8 : memref<!tpu.dma_semaphore, #tpu.memory_space<semaphore_mem>>)
    %dma_start3A_896 = arith.constant 17 : i32
    %dma_start3A_897 = arith.constant 136 : i32
    %dma_start3A_898 = arith.constant 0 : i32
    %dma_start3A_899 = tpu.memref_slice %arg5[%dma_start3A_897, %dma_start3A_898] : memref<152x512xf32, #tpu.memory_space<vmem>> -> memref<8x512xf32, #tpu.memory_space<vmem>>
    %dma_start3A_900 = arith.constant 0 : i32
    %dma_start3A_901 = tpu.memref_slice %arg2[%select_n3A_654, %dma_start3A_896, %add3A_674, %dma_start3A_900] : memref<4x19x512x512xf32, #tpu.memory_space<hbm>> -> memref<1x1x8x512xf32, #tpu.memory_space<hbm>>
    %dma_start3A_902 = tpu.memref_squeeze %dma_start3A_901 : memref<1x1x8x512xf32, #tpu.memory_space<hbm>> -> memref<8x512xf32, #tpu.memory_space<hbm>>
    %dma_start3A_903 = arith.constant 136 : i32
    %dma_start3A_904 = arith.constant 0 : i32
    %dma_start3A_905 = tpu.memref_slice %arg5[%dma_start3A_903, %dma_start3A_904] : memref<152x512xf32, #tpu.memory_space<vmem>> -> memref<8x512xf32, #tpu.memory_space<vmem>>
    %dma_start3A_906 = arith.constant 0 : i32
    %dma_start3A_907 = tpu.memref_slice %arg2[%select_n3A_654, %dma_start3A_896, %add3A_674, %dma_start3A_906] : memref<4x19x512x512xf32, #tpu.memory_space<hbm>> -> memref<1x1x8x512xf32, #tpu.memory_space<hbm>>
    %dma_start3A_908 = tpu.memref_squeeze %dma_start3A_907 : memref<1x1x8x512xf32, #tpu.memory_space<hbm>> -> memref<8x512xf32, #tpu.memory_space<hbm>>
    tpu.enqueue_dma source(%dma_start3A_908 : memref<8x512xf32, #tpu.memory_space<hbm>>) target(%dma_start3A_905 : memref<8x512xf32, #tpu.memory_space<vmem>>) target_semaphore(%arg8 : memref<!tpu.dma_semaphore, #tpu.memory_space<semaphore_mem>>)
    %dma_start3A_909 = arith.constant 18 : i32
    %dma_start3A_910 = arith.constant 144 : i32
    %dma_start3A_911 = arith.constant 0 : i32
    %dma_start3A_912 = tpu.memref_slice %arg5[%dma_start3A_910, %dma_start3A_911] : memref<152x512xf32, #tpu.memory_space<vmem>> -> memref<8x512xf32, #tpu.memory_space<vmem>>
    %dma_start3A_913 = arith.constant 0 : i32
    %dma_start3A_914 = tpu.memref_slice %arg2[%select_n3A_654, %dma_start3A_909, %add3A_674, %dma_start3A_913] : memref<4x19x512x512xf32, #tpu.memory_space<hbm>> -> memref<1x1x8x512xf32, #tpu.memory_space<hbm>>
    %dma_start3A_915 = tpu.memref_squeeze %dma_start3A_914 : memref<1x1x8x512xf32, #tpu.memory_space<hbm>> -> memref<8x512xf32, #tpu.memory_space<hbm>>
    %dma_start3A_916 = arith.constant 144 : i32
    %dma_start3A_917 = arith.constant 0 : i32
    %dma_start3A_918 = tpu.memref_slice %arg5[%dma_start3A_916, %dma_start3A_917] : memref<152x512xf32, #tpu.memory_space<vmem>> -> memref<8x512xf32, #tpu.memory_space<vmem>>
    %dma_start3A_919 = arith.constant 0 : i32
    %dma_start3A_920 = tpu.memref_slice %arg2[%select_n3A_654, %dma_start3A_909, %add3A_674, %dma_start3A_919] : memref<4x19x512x512xf32, #tpu.memory_space<hbm>> -> memref<1x1x8x512xf32, #tpu.memory_space<hbm>>
    %dma_start3A_921 = tpu.memref_squeeze %dma_start3A_920 : memref<1x1x8x512xf32, #tpu.memory_space<hbm>> -> memref<8x512xf32, #tpu.memory_space<hbm>>
    tpu.enqueue_dma source(%dma_start3A_921 : memref<8x512xf32, #tpu.memory_space<hbm>>) target(%dma_start3A_918 : memref<8x512xf32, #tpu.memory_space<vmem>>) target_semaphore(%arg8 : memref<!tpu.dma_semaphore, #tpu.memory_space<semaphore_mem>>)
    %dma_start3A_922 = arith.constant 0 : i32
    %dma_start3A_923 = tpu.memref_slice %arg3[%select_n3A_654, %add3A_674, %dma_start3A_922] : memref<4x512x512xi32, #tpu.memory_space<hbm>> -> memref<1x8x512xi32, #tpu.memory_space<hbm>>
    %dma_start3A_924 = tpu.memref_squeeze %dma_start3A_923 : memref<1x8x512xi32, #tpu.memory_space<hbm>> -> memref<8x512xi32, #tpu.memory_space<hbm>>
    %dma_start3A_925 = arith.constant 0 : i32
    %dma_start3A_926 = tpu.memref_slice %arg3[%select_n3A_654, %add3A_674, %dma_start3A_925] : memref<4x512x512xi32, #tpu.memory_space<hbm>> -> memref<1x8x512xi32, #tpu.memory_space<hbm>>
    %dma_start3A_927 = tpu.memref_squeeze %dma_start3A_926 : memref<1x8x512xi32, #tpu.memory_space<hbm>> -> memref<8x512xi32, #tpu.memory_space<hbm>>
    tpu.enqueue_dma source(%dma_start3A_927 : memref<8x512xi32, #tpu.memory_space<hbm>>) target(%arg6 : memref<8x512xi32, #tpu.memory_space<vmem>>) target_semaphore(%arg8 : memref<!tpu.dma_semaphore, #tpu.memory_space<semaphore_mem>>)
    %dma_wait3A_928 = arith.constant 0 : i32
    %dma_wait3A_929 = arith.constant 0 : i32
    %dma_wait3A_930 = arith.constant 0 : i32
    %dma_wait3A_931 = tpu.memref_slice %arg5[%dma_wait3A_929, %dma_wait3A_930] : memref<152x512xf32, #tpu.memory_space<vmem>> -> memref<8x512xf32, #tpu.memory_space<vmem>>
    %dma_wait3A_932 = arith.constant 0 : i32
    %dma_wait3A_933 = tpu.memref_slice %arg2[%select_n3A_654, %dma_wait3A_928, %add3A_674, %dma_wait3A_932] : memref<4x19x512x512xf32, #tpu.memory_space<hbm>> -> memref<1x1x8x512xf32, #tpu.memory_space<hbm>>
    %dma_wait3A_934 = tpu.memref_squeeze %dma_wait3A_933 : memref<1x1x8x512xf32, #tpu.memory_space<hbm>> -> memref<8x512xf32, #tpu.memory_space<hbm>>
    %dma_wait3A_935 = arith.constant 0 : i32
    %dma_wait3A_936 = arith.constant 0 : i32
    %dma_wait3A_937 = tpu.memref_slice %arg5[%dma_wait3A_935, %dma_wait3A_936] : memref<152x512xf32, #tpu.memory_space<vmem>> -> memref<8x512xf32, #tpu.memory_space<vmem>>
    %dma_wait3A_938 = arith.constant 0 : i32
    %dma_wait3A_939 = tpu.memref_slice %arg2[%select_n3A_654, %dma_wait3A_928, %add3A_674, %dma_wait3A_938] : memref<4x19x512x512xf32, #tpu.memory_space<hbm>> -> memref<1x1x8x512xf32, #tpu.memory_space<hbm>>
    %dma_wait3A_940 = tpu.memref_squeeze %dma_wait3A_939 : memref<1x1x8x512xf32, #tpu.memory_space<hbm>> -> memref<8x512xf32, #tpu.memory_space<hbm>>
    tpu.wait_dma2 semaphore(%arg8 : memref<!tpu.dma_semaphore, #tpu.memory_space<semaphore_mem>>) src(%dma_wait3A_940 : memref<8x512xf32, #tpu.memory_space<hbm>>) dst(%dma_wait3A_937 : memref<8x512xf32, #tpu.memory_space<vmem>>)
    %dma_wait3A_941 = arith.constant 1 : i32
    %dma_wait3A_942 = arith.constant 8 : i32
    %dma_wait3A_943 = arith.constant 0 : i32
    %dma_wait3A_944 = tpu.memref_slice %arg5[%dma_wait3A_942, %dma_wait3A_943] : memref<152x512xf32, #tpu.memory_space<vmem>> -> memref<8x512xf32, #tpu.memory_space<vmem>>
    %dma_wait3A_945 = arith.constant 0 : i32
    %dma_wait3A_946 = tpu.memref_slice %arg2[%select_n3A_654, %dma_wait3A_941, %add3A_674, %dma_wait3A_945] : memref<4x19x512x512xf32, #tpu.memory_space<hbm>> -> memref<1x1x8x512xf32, #tpu.memory_space<hbm>>
    %dma_wait3A_947 = tpu.memref_squeeze %dma_wait3A_946 : memref<1x1x8x512xf32, #tpu.memory_space<hbm>> -> memref<8x512xf32, #tpu.memory_space<hbm>>
    %dma_wait3A_948 = arith.constant 8 : i32
    %dma_wait3A_949 = arith.constant 0 : i32
    %dma_wait3A_950 = tpu.memref_slice %arg5[%dma_wait3A_948, %dma_wait3A_949] : memref<152x512xf32, #tpu.memory_space<vmem>> -> memref<8x512xf32, #tpu.memory_space<vmem>>
    %dma_wait3A_951 = arith.constant 0 : i32
    %dma_wait3A_952 = tpu.memref_slice %arg2[%select_n3A_654, %dma_wait3A_941, %add3A_674, %dma_wait3A_951] : memref<4x19x512x512xf32, #tpu.memory_space<hbm>> -> memref<1x1x8x512xf32, #tpu.memory_space<hbm>>
    %dma_wait3A_953 = tpu.memref_squeeze %dma_wait3A_952 : memref<1x1x8x512xf32, #tpu.memory_space<hbm>> -> memref<8x512xf32, #tpu.memory_space<hbm>>
    tpu.wait_dma2 semaphore(%arg8 : memref<!tpu.dma_semaphore, #tpu.memory_space<semaphore_mem>>) src(%dma_wait3A_953 : memref<8x512xf32, #tpu.memory_space<hbm>>) dst(%dma_wait3A_950 : memref<8x512xf32, #tpu.memory_space<vmem>>)
    %dma_wait3A_954 = arith.constant 2 : i32
    %dma_wait3A_955 = arith.constant 16 : i32
    %dma_wait3A_956 = arith.constant 0 : i32
    %dma_wait3A_957 = tpu.memref_slice %arg5[%dma_wait3A_955, %dma_wait3A_956] : memref<152x512xf32, #tpu.memory_space<vmem>> -> memref<8x512xf32, #tpu.memory_space<vmem>>
    %dma_wait3A_958 = arith.constant 0 : i32
    %dma_wait3A_959 = tpu.memref_slice %arg2[%select_n3A_654, %dma_wait3A_954, %add3A_674, %dma_wait3A_958] : memref<4x19x512x512xf32, #tpu.memory_space<hbm>> -> memref<1x1x8x512xf32, #tpu.memory_space<hbm>>
    %dma_wait3A_960 = tpu.memref_squeeze %dma_wait3A_959 : memref<1x1x8x512xf32, #tpu.memory_space<hbm>> -> memref<8x512xf32, #tpu.memory_space<hbm>>
    %dma_wait3A_961 = arith.constant 16 : i32
    %dma_wait3A_962 = arith.constant 0 : i32
    %dma_wait3A_963 = tpu.memref_slice %arg5[%dma_wait3A_961, %dma_wait3A_962] : memref<152x512xf32, #tpu.memory_space<vmem>> -> memref<8x512xf32, #tpu.memory_space<vmem>>
    %dma_wait3A_964 = arith.constant 0 : i32
    %dma_wait3A_965 = tpu.memref_slice %arg2[%select_n3A_654, %dma_wait3A_954, %add3A_674, %dma_wait3A_964] : memref<4x19x512x512xf32, #tpu.memory_space<hbm>> -> memref<1x1x8x512xf32, #tpu.memory_space<hbm>>
    %dma_wait3A_966 = tpu.memref_squeeze %dma_wait3A_965 : memref<1x1x8x512xf32, #tpu.memory_space<hbm>> -> memref<8x512xf32, #tpu.memory_space<hbm>>
    tpu.wait_dma2 semaphore(%arg8 : memref<!tpu.dma_semaphore, #tpu.memory_space<semaphore_mem>>) src(%dma_wait3A_966 : memref<8x512xf32, #tpu.memory_space<hbm>>) dst(%dma_wait3A_963 : memref<8x512xf32, #tpu.memory_space<vmem>>)
    %dma_wait3A_967 = arith.constant 3 : i32
    %dma_wait3A_968 = arith.constant 24 : i32
    %dma_wait3A_969 = arith.constant 0 : i32
    %dma_wait3A_970 = tpu.memref_slice %arg5[%dma_wait3A_968, %dma_wait3A_969] : memref<152x512xf32, #tpu.memory_space<vmem>> -> memref<8x512xf32, #tpu.memory_space<vmem>>
    %dma_wait3A_971 = arith.constant 0 : i32
    %dma_wait3A_972 = tpu.memref_slice %arg2[%select_n3A_654, %dma_wait3A_967, %add3A_674, %dma_wait3A_971] : memref<4x19x512x512xf32, #tpu.memory_space<hbm>> -> memref<1x1x8x512xf32, #tpu.memory_space<hbm>>
    %dma_wait3A_973 = tpu.memref_squeeze %dma_wait3A_972 : memref<1x1x8x512xf32, #tpu.memory_space<hbm>> -> memref<8x512xf32, #tpu.memory_space<hbm>>
    %dma_wait3A_974 = arith.constant 24 : i32
    %dma_wait3A_975 = arith.constant 0 : i32
    %dma_wait3A_976 = tpu.memref_slice %arg5[%dma_wait3A_974, %dma_wait3A_975] : memref<152x512xf32, #tpu.memory_space<vmem>> -> memref<8x512xf32, #tpu.memory_space<vmem>>
    %dma_wait3A_977 = arith.constant 0 : i32
    %dma_wait3A_978 = tpu.memref_slice %arg2[%select_n3A_654, %dma_wait3A_967, %add3A_674, %dma_wait3A_977] : memref<4x19x512x512xf32, #tpu.memory_space<hbm>> -> memref<1x1x8x512xf32, #tpu.memory_space<hbm>>
    %dma_wait3A_979 = tpu.memref_squeeze %dma_wait3A_978 : memref<1x1x8x512xf32, #tpu.memory_space<hbm>> -> memref<8x512xf32, #tpu.memory_space<hbm>>
    tpu.wait_dma2 semaphore(%arg8 : memref<!tpu.dma_semaphore, #tpu.memory_space<semaphore_mem>>) src(%dma_wait3A_979 : memref<8x512xf32, #tpu.memory_space<hbm>>) dst(%dma_wait3A_976 : memref<8x512xf32, #tpu.memory_space<vmem>>)
    %dma_wait3A_980 = arith.constant 4 : i32
    %dma_wait3A_981 = arith.constant 32 : i32
    %dma_wait3A_982 = arith.constant 0 : i32
    %dma_wait3A_983 = tpu.memref_slice %arg5[%dma_wait3A_981, %dma_wait3A_982] : memref<152x512xf32, #tpu.memory_space<vmem>> -> memref<8x512xf32, #tpu.memory_space<vmem>>
    %dma_wait3A_984 = arith.constant 0 : i32
    %dma_wait3A_985 = tpu.memref_slice %arg2[%select_n3A_654, %dma_wait3A_980, %add3A_674, %dma_wait3A_984] : memref<4x19x512x512xf32, #tpu.memory_space<hbm>> -> memref<1x1x8x512xf32, #tpu.memory_space<hbm>>
    %dma_wait3A_986 = tpu.memref_squeeze %dma_wait3A_985 : memref<1x1x8x512xf32, #tpu.memory_space<hbm>> -> memref<8x512xf32, #tpu.memory_space<hbm>>
    %dma_wait3A_987 = arith.constant 32 : i32
    %dma_wait3A_988 = arith.constant 0 : i32
    %dma_wait3A_989 = tpu.memref_slice %arg5[%dma_wait3A_987, %dma_wait3A_988] : memref<152x512xf32, #tpu.memory_space<vmem>> -> memref<8x512xf32, #tpu.memory_space<vmem>>
    %dma_wait3A_990 = arith.constant 0 : i32
    %dma_wait3A_991 = tpu.memref_slice %arg2[%select_n3A_654, %dma_wait3A_980, %add3A_674, %dma_wait3A_990] : memref<4x19x512x512xf32, #tpu.memory_space<hbm>> -> memref<1x1x8x512xf32, #tpu.memory_space<hbm>>
    %dma_wait3A_992 = tpu.memref_squeeze %dma_wait3A_991 : memref<1x1x8x512xf32, #tpu.memory_space<hbm>> -> memref<8x512xf32, #tpu.memory_space<hbm>>
    tpu.wait_dma2 semaphore(%arg8 : memref<!tpu.dma_semaphore, #tpu.memory_space<semaphore_mem>>) src(%dma_wait3A_992 : memref<8x512xf32, #tpu.memory_space<hbm>>) dst(%dma_wait3A_989 : memref<8x512xf32, #tpu.memory_space<vmem>>)
    %dma_wait3A_993 = arith.constant 5 : i32
    %dma_wait3A_994 = arith.constant 40 : i32
    %dma_wait3A_995 = arith.constant 0 : i32
    %dma_wait3A_996 = tpu.memref_slice %arg5[%dma_wait3A_994, %dma_wait3A_995] : memref<152x512xf32, #tpu.memory_space<vmem>> -> memref<8x512xf32, #tpu.memory_space<vmem>>
    %dma_wait3A_997 = arith.constant 0 : i32
    %dma_wait3A_998 = tpu.memref_slice %arg2[%select_n3A_654, %dma_wait3A_993, %add3A_674, %dma_wait3A_997] : memref<4x19x512x512xf32, #tpu.memory_space<hbm>> -> memref<1x1x8x512xf32, #tpu.memory_space<hbm>>
    %dma_wait3A_999 = tpu.memref_squeeze %dma_wait3A_998 : memref<1x1x8x512xf32, #tpu.memory_space<hbm>> -> memref<8x512xf32, #tpu.memory_space<hbm>>
    %dma_wait3A_1000 = arith.constant 40 : i32
    %dma_wait3A_1001 = arith.constant 0 : i32
    %dma_wait3A_1002 = tpu.memref_slice %arg5[%dma_wait3A_1000, %dma_wait3A_1001] : memref<152x512xf32, #tpu.memory_space<vmem>> -> memref<8x512xf32, #tpu.memory_space<vmem>>
    %dma_wait3A_1003 = arith.constant 0 : i32
    %dma_wait3A_1004 = tpu.memref_slice %arg2[%select_n3A_654, %dma_wait3A_993, %add3A_674, %dma_wait3A_1003] : memref<4x19x512x512xf32, #tpu.memory_space<hbm>> -> memref<1x1x8x512xf32, #tpu.memory_space<hbm>>
    %dma_wait3A_1005 = tpu.memref_squeeze %dma_wait3A_1004 : memref<1x1x8x512xf32, #tpu.memory_space<hbm>> -> memref<8x512xf32, #tpu.memory_space<hbm>>
    tpu.wait_dma2 semaphore(%arg8 : memref<!tpu.dma_semaphore, #tpu.memory_space<semaphore_mem>>) src(%dma_wait3A_1005 : memref<8x512xf32, #tpu.memory_space<hbm>>) dst(%dma_wait3A_1002 : memref<8x512xf32, #tpu.memory_space<vmem>>)
    %dma_wait3A_1006 = arith.constant 6 : i32
    %dma_wait3A_1007 = arith.constant 48 : i32
    %dma_wait3A_1008 = arith.constant 0 : i32
    %dma_wait3A_1009 = tpu.memref_slice %arg5[%dma_wait3A_1007, %dma_wait3A_1008] : memref<152x512xf32, #tpu.memory_space<vmem>> -> memref<8x512xf32, #tpu.memory_space<vmem>>
    %dma_wait3A_1010 = arith.constant 0 : i32
    %dma_wait3A_1011 = tpu.memref_slice %arg2[%select_n3A_654, %dma_wait3A_1006, %add3A_674, %dma_wait3A_1010] : memref<4x19x512x512xf32, #tpu.memory_space<hbm>> -> memref<1x1x8x512xf32, #tpu.memory_space<hbm>>
    %dma_wait3A_1012 = tpu.memref_squeeze %dma_wait3A_1011 : memref<1x1x8x512xf32, #tpu.memory_space<hbm>> -> memref<8x512xf32, #tpu.memory_space<hbm>>
    %dma_wait3A_1013 = arith.constant 48 : i32
    %dma_wait3A_1014 = arith.constant 0 : i32
    %dma_wait3A_1015 = tpu.memref_slice %arg5[%dma_wait3A_1013, %dma_wait3A_1014] : memref<152x512xf32, #tpu.memory_space<vmem>> -> memref<8x512xf32, #tpu.memory_space<vmem>>
    %dma_wait3A_1016 = arith.constant 0 : i32
    %dma_wait3A_1017 = tpu.memref_slice %arg2[%select_n3A_654, %dma_wait3A_1006, %add3A_674, %dma_wait3A_1016] : memref<4x19x512x512xf32, #tpu.memory_space<hbm>> -> memref<1x1x8x512xf32, #tpu.memory_space<hbm>>
    %dma_wait3A_1018 = tpu.memref_squeeze %dma_wait3A_1017 : memref<1x1x8x512xf32, #tpu.memory_space<hbm>> -> memref<8x512xf32, #tpu.memory_space<hbm>>
    tpu.wait_dma2 semaphore(%arg8 : memref<!tpu.dma_semaphore, #tpu.memory_space<semaphore_mem>>) src(%dma_wait3A_1018 : memref<8x512xf32, #tpu.memory_space<hbm>>) dst(%dma_wait3A_1015 : memref<8x512xf32, #tpu.memory_space<vmem>>)
    %dma_wait3A_1019 = arith.constant 7 : i32
    %dma_wait3A_1020 = arith.constant 56 : i32
    %dma_wait3A_1021 = arith.constant 0 : i32
    %dma_wait3A_1022 = tpu.memref_slice %arg5[%dma_wait3A_1020, %dma_wait3A_1021] : memref<152x512xf32, #tpu.memory_space<vmem>> -> memref<8x512xf32, #tpu.memory_space<vmem>>
    %dma_wait3A_1023 = arith.constant 0 : i32
    %dma_wait3A_1024 = tpu.memref_slice %arg2[%select_n3A_654, %dma_wait3A_1019, %add3A_674, %dma_wait3A_1023] : memref<4x19x512x512xf32, #tpu.memory_space<hbm>> -> memref<1x1x8x512xf32, #tpu.memory_space<hbm>>
    %dma_wait3A_1025 = tpu.memref_squeeze %dma_wait3A_1024 : memref<1x1x8x512xf32, #tpu.memory_space<hbm>> -> memref<8x512xf32, #tpu.memory_space<hbm>>
    %dma_wait3A_1026 = arith.constant 56 : i32
    %dma_wait3A_1027 = arith.constant 0 : i32
    %dma_wait3A_1028 = tpu.memref_slice %arg5[%dma_wait3A_1026, %dma_wait3A_1027] : memref<152x512xf32, #tpu.memory_space<vmem>> -> memref<8x512xf32, #tpu.memory_space<vmem>>
    %dma_wait3A_1029 = arith.constant 0 : i32
    %dma_wait3A_1030 = tpu.memref_slice %arg2[%select_n3A_654, %dma_wait3A_1019, %add3A_674, %dma_wait3A_1029] : memref<4x19x512x512xf32, #tpu.memory_space<hbm>> -> memref<1x1x8x512xf32, #tpu.memory_space<hbm>>
    %dma_wait3A_1031 = tpu.memref_squeeze %dma_wait3A_1030 : memref<1x1x8x512xf32, #tpu.memory_space<hbm>> -> memref<8x512xf32, #tpu.memory_space<hbm>>
    tpu.wait_dma2 semaphore(%arg8 : memref<!tpu.dma_semaphore, #tpu.memory_space<semaphore_mem>>) src(%dma_wait3A_1031 : memref<8x512xf32, #tpu.memory_space<hbm>>) dst(%dma_wait3A_1028 : memref<8x512xf32, #tpu.memory_space<vmem>>)
    %dma_wait3A_1032 = arith.constant 8 : i32
    %dma_wait3A_1033 = arith.constant 64 : i32
    %dma_wait3A_1034 = arith.constant 0 : i32
    %dma_wait3A_1035 = tpu.memref_slice %arg5[%dma_wait3A_1033, %dma_wait3A_1034] : memref<152x512xf32, #tpu.memory_space<vmem>> -> memref<8x512xf32, #tpu.memory_space<vmem>>
    %dma_wait3A_1036 = arith.constant 0 : i32
    %dma_wait3A_1037 = tpu.memref_slice %arg2[%select_n3A_654, %dma_wait3A_1032, %add3A_674, %dma_wait3A_1036] : memref<4x19x512x512xf32, #tpu.memory_space<hbm>> -> memref<1x1x8x512xf32, #tpu.memory_space<hbm>>
    %dma_wait3A_1038 = tpu.memref_squeeze %dma_wait3A_1037 : memref<1x1x8x512xf32, #tpu.memory_space<hbm>> -> memref<8x512xf32, #tpu.memory_space<hbm>>
    %dma_wait3A_1039 = arith.constant 64 : i32
    %dma_wait3A_1040 = arith.constant 0 : i32
    %dma_wait3A_1041 = tpu.memref_slice %arg5[%dma_wait3A_1039, %dma_wait3A_1040] : memref<152x512xf32, #tpu.memory_space<vmem>> -> memref<8x512xf32, #tpu.memory_space<vmem>>
    %dma_wait3A_1042 = arith.constant 0 : i32
    %dma_wait3A_1043 = tpu.memref_slice %arg2[%select_n3A_654, %dma_wait3A_1032, %add3A_674, %dma_wait3A_1042] : memref<4x19x512x512xf32, #tpu.memory_space<hbm>> -> memref<1x1x8x512xf32, #tpu.memory_space<hbm>>
    %dma_wait3A_1044 = tpu.memref_squeeze %dma_wait3A_1043 : memref<1x1x8x512xf32, #tpu.memory_space<hbm>> -> memref<8x512xf32, #tpu.memory_space<hbm>>
    tpu.wait_dma2 semaphore(%arg8 : memref<!tpu.dma_semaphore, #tpu.memory_space<semaphore_mem>>) src(%dma_wait3A_1044 : memref<8x512xf32, #tpu.memory_space<hbm>>) dst(%dma_wait3A_1041 : memref<8x512xf32, #tpu.memory_space<vmem>>)
    %dma_wait3A_1045 = arith.constant 9 : i32
    %dma_wait3A_1046 = arith.constant 72 : i32
    %dma_wait3A_1047 = arith.constant 0 : i32
    %dma_wait3A_1048 = tpu.memref_slice %arg5[%dma_wait3A_1046, %dma_wait3A_1047] : memref<152x512xf32, #tpu.memory_space<vmem>> -> memref<8x512xf32, #tpu.memory_space<vmem>>
    %dma_wait3A_1049 = arith.constant 0 : i32
    %dma_wait3A_1050 = tpu.memref_slice %arg2[%select_n3A_654, %dma_wait3A_1045, %add3A_674, %dma_wait3A_1049] : memref<4x19x512x512xf32, #tpu.memory_space<hbm>> -> memref<1x1x8x512xf32, #tpu.memory_space<hbm>>
    %dma_wait3A_1051 = tpu.memref_squeeze %dma_wait3A_1050 : memref<1x1x8x512xf32, #tpu.memory_space<hbm>> -> memref<8x512xf32, #tpu.memory_space<hbm>>
    %dma_wait3A_1052 = arith.constant 72 : i32
    %dma_wait3A_1053 = arith.constant 0 : i32
    %dma_wait3A_1054 = tpu.memref_slice %arg5[%dma_wait3A_1052, %dma_wait3A_1053] : memref<152x512xf32, #tpu.memory_space<vmem>> -> memref<8x512xf32, #tpu.memory_space<vmem>>
    %dma_wait3A_1055 = arith.constant 0 : i32
    %dma_wait3A_1056 = tpu.memref_slice %arg2[%select_n3A_654, %dma_wait3A_1045, %add3A_674, %dma_wait3A_1055] : memref<4x19x512x512xf32, #tpu.memory_space<hbm>> -> memref<1x1x8x512xf32, #tpu.memory_space<hbm>>
    %dma_wait3A_1057 = tpu.memref_squeeze %dma_wait3A_1056 : memref<1x1x8x512xf32, #tpu.memory_space<hbm>> -> memref<8x512xf32, #tpu.memory_space<hbm>>
    tpu.wait_dma2 semaphore(%arg8 : memref<!tpu.dma_semaphore, #tpu.memory_space<semaphore_mem>>) src(%dma_wait3A_1057 : memref<8x512xf32, #tpu.memory_space<hbm>>) dst(%dma_wait3A_1054 : memref<8x512xf32, #tpu.memory_space<vmem>>)
    %dma_wait3A_1058 = arith.constant 10 : i32
    %dma_wait3A_1059 = arith.constant 80 : i32
    %dma_wait3A_1060 = arith.constant 0 : i32
    %dma_wait3A_1061 = tpu.memref_slice %arg5[%dma_wait3A_1059, %dma_wait3A_1060] : memref<152x512xf32, #tpu.memory_space<vmem>> -> memref<8x512xf32, #tpu.memory_space<vmem>>
    %dma_wait3A_1062 = arith.constant 0 : i32
    %dma_wait3A_1063 = tpu.memref_slice %arg2[%select_n3A_654, %dma_wait3A_1058, %add3A_674, %dma_wait3A_1062] : memref<4x19x512x512xf32, #tpu.memory_space<hbm>> -> memref<1x1x8x512xf32, #tpu.memory_space<hbm>>
    %dma_wait3A_1064 = tpu.memref_squeeze %dma_wait3A_1063 : memref<1x1x8x512xf32, #tpu.memory_space<hbm>> -> memref<8x512xf32, #tpu.memory_space<hbm>>
    %dma_wait3A_1065 = arith.constant 80 : i32
    %dma_wait3A_1066 = arith.constant 0 : i32
    %dma_wait3A_1067 = tpu.memref_slice %arg5[%dma_wait3A_1065, %dma_wait3A_1066] : memref<152x512xf32, #tpu.memory_space<vmem>> -> memref<8x512xf32, #tpu.memory_space<vmem>>
    %dma_wait3A_1068 = arith.constant 0 : i32
    %dma_wait3A_1069 = tpu.memref_slice %arg2[%select_n3A_654, %dma_wait3A_1058, %add3A_674, %dma_wait3A_1068] : memref<4x19x512x512xf32, #tpu.memory_space<hbm>> -> memref<1x1x8x512xf32, #tpu.memory_space<hbm>>
    %dma_wait3A_1070 = tpu.memref_squeeze %dma_wait3A_1069 : memref<1x1x8x512xf32, #tpu.memory_space<hbm>> -> memref<8x512xf32, #tpu.memory_space<hbm>>
    tpu.wait_dma2 semaphore(%arg8 : memref<!tpu.dma_semaphore, #tpu.memory_space<semaphore_mem>>) src(%dma_wait3A_1070 : memref<8x512xf32, #tpu.memory_space<hbm>>) dst(%dma_wait3A_1067 : memref<8x512xf32, #tpu.memory_space<vmem>>)
    %dma_wait3A_1071 = arith.constant 11 : i32
    %dma_wait3A_1072 = arith.constant 88 : i32
    %dma_wait3A_1073 = arith.constant 0 : i32
    %dma_wait3A_1074 = tpu.memref_slice %arg5[%dma_wait3A_1072, %dma_wait3A_1073] : memref<152x512xf32, #tpu.memory_space<vmem>> -> memref<8x512xf32, #tpu.memory_space<vmem>>
    %dma_wait3A_1075 = arith.constant 0 : i32
    %dma_wait3A_1076 = tpu.memref_slice %arg2[%select_n3A_654, %dma_wait3A_1071, %add3A_674, %dma_wait3A_1075] : memref<4x19x512x512xf32, #tpu.memory_space<hbm>> -> memref<1x1x8x512xf32, #tpu.memory_space<hbm>>
    %dma_wait3A_1077 = tpu.memref_squeeze %dma_wait3A_1076 : memref<1x1x8x512xf32, #tpu.memory_space<hbm>> -> memref<8x512xf32, #tpu.memory_space<hbm>>
    %dma_wait3A_1078 = arith.constant 88 : i32
    %dma_wait3A_1079 = arith.constant 0 : i32
    %dma_wait3A_1080 = tpu.memref_slice %arg5[%dma_wait3A_1078, %dma_wait3A_1079] : memref<152x512xf32, #tpu.memory_space<vmem>> -> memref<8x512xf32, #tpu.memory_space<vmem>>
    %dma_wait3A_1081 = arith.constant 0 : i32
    %dma_wait3A_1082 = tpu.memref_slice %arg2[%select_n3A_654, %dma_wait3A_1071, %add3A_674, %dma_wait3A_1081] : memref<4x19x512x512xf32, #tpu.memory_space<hbm>> -> memref<1x1x8x512xf32, #tpu.memory_space<hbm>>
    %dma_wait3A_1083 = tpu.memref_squeeze %dma_wait3A_1082 : memref<1x1x8x512xf32, #tpu.memory_space<hbm>> -> memref<8x512xf32, #tpu.memory_space<hbm>>
    tpu.wait_dma2 semaphore(%arg8 : memref<!tpu.dma_semaphore, #tpu.memory_space<semaphore_mem>>) src(%dma_wait3A_1083 : memref<8x512xf32, #tpu.memory_space<hbm>>) dst(%dma_wait3A_1080 : memref<8x512xf32, #tpu.memory_space<vmem>>)
    %dma_wait3A_1084 = arith.constant 12 : i32
    %dma_wait3A_1085 = arith.constant 96 : i32
    %dma_wait3A_1086 = arith.constant 0 : i32
    %dma_wait3A_1087 = tpu.memref_slice %arg5[%dma_wait3A_1085, %dma_wait3A_1086] : memref<152x512xf32, #tpu.memory_space<vmem>> -> memref<8x512xf32, #tpu.memory_space<vmem>>
    %dma_wait3A_1088 = arith.constant 0 : i32
    %dma_wait3A_1089 = tpu.memref_slice %arg2[%select_n3A_654, %dma_wait3A_1084, %add3A_674, %dma_wait3A_1088] : memref<4x19x512x512xf32, #tpu.memory_space<hbm>> -> memref<1x1x8x512xf32, #tpu.memory_space<hbm>>
    %dma_wait3A_1090 = tpu.memref_squeeze %dma_wait3A_1089 : memref<1x1x8x512xf32, #tpu.memory_space<hbm>> -> memref<8x512xf32, #tpu.memory_space<hbm>>
    %dma_wait3A_1091 = arith.constant 96 : i32
    %dma_wait3A_1092 = arith.constant 0 : i32
    %dma_wait3A_1093 = tpu.memref_slice %arg5[%dma_wait3A_1091, %dma_wait3A_1092] : memref<152x512xf32, #tpu.memory_space<vmem>> -> memref<8x512xf32, #tpu.memory_space<vmem>>
    %dma_wait3A_1094 = arith.constant 0 : i32
    %dma_wait3A_1095 = tpu.memref_slice %arg2[%select_n3A_654, %dma_wait3A_1084, %add3A_674, %dma_wait3A_1094] : memref<4x19x512x512xf32, #tpu.memory_space<hbm>> -> memref<1x1x8x512xf32, #tpu.memory_space<hbm>>
    %dma_wait3A_1096 = tpu.memref_squeeze %dma_wait3A_1095 : memref<1x1x8x512xf32, #tpu.memory_space<hbm>> -> memref<8x512xf32, #tpu.memory_space<hbm>>
    tpu.wait_dma2 semaphore(%arg8 : memref<!tpu.dma_semaphore, #tpu.memory_space<semaphore_mem>>) src(%dma_wait3A_1096 : memref<8x512xf32, #tpu.memory_space<hbm>>) dst(%dma_wait3A_1093 : memref<8x512xf32, #tpu.memory_space<vmem>>)
    %dma_wait3A_1097 = arith.constant 13 : i32
    %dma_wait3A_1098 = arith.constant 104 : i32
    %dma_wait3A_1099 = arith.constant 0 : i32
    %dma_wait3A_1100 = tpu.memref_slice %arg5[%dma_wait3A_1098, %dma_wait3A_1099] : memref<152x512xf32, #tpu.memory_space<vmem>> -> memref<8x512xf32, #tpu.memory_space<vmem>>
    %dma_wait3A_1101 = arith.constant 0 : i32
    %dma_wait3A_1102 = tpu.memref_slice %arg2[%select_n3A_654, %dma_wait3A_1097, %add3A_674, %dma_wait3A_1101] : memref<4x19x512x512xf32, #tpu.memory_space<hbm>> -> memref<1x1x8x512xf32, #tpu.memory_space<hbm>>
    %dma_wait3A_1103 = tpu.memref_squeeze %dma_wait3A_1102 : memref<1x1x8x512xf32, #tpu.memory_space<hbm>> -> memref<8x512xf32, #tpu.memory_space<hbm>>
    %dma_wait3A_1104 = arith.constant 104 : i32
    %dma_wait3A_1105 = arith.constant 0 : i32
    %dma_wait3A_1106 = tpu.memref_slice %arg5[%dma_wait3A_1104, %dma_wait3A_1105] : memref<152x512xf32, #tpu.memory_space<vmem>> -> memref<8x512xf32, #tpu.memory_space<vmem>>
    %dma_wait3A_1107 = arith.constant 0 : i32
    %dma_wait3A_1108 = tpu.memref_slice %arg2[%select_n3A_654, %dma_wait3A_1097, %add3A_674, %dma_wait3A_1107] : memref<4x19x512x512xf32, #tpu.memory_space<hbm>> -> memref<1x1x8x512xf32, #tpu.memory_space<hbm>>
    %dma_wait3A_1109 = tpu.memref_squeeze %dma_wait3A_1108 : memref<1x1x8x512xf32, #tpu.memory_space<hbm>> -> memref<8x512xf32, #tpu.memory_space<hbm>>
    tpu.wait_dma2 semaphore(%arg8 : memref<!tpu.dma_semaphore, #tpu.memory_space<semaphore_mem>>) src(%dma_wait3A_1109 : memref<8x512xf32, #tpu.memory_space<hbm>>) dst(%dma_wait3A_1106 : memref<8x512xf32, #tpu.memory_space<vmem>>)
    %dma_wait3A_1110 = arith.constant 14 : i32
    %dma_wait3A_1111 = arith.constant 112 : i32
    %dma_wait3A_1112 = arith.constant 0 : i32
    %dma_wait3A_1113 = tpu.memref_slice %arg5[%dma_wait3A_1111, %dma_wait3A_1112] : memref<152x512xf32, #tpu.memory_space<vmem>> -> memref<8x512xf32, #tpu.memory_space<vmem>>
    %dma_wait3A_1114 = arith.constant 0 : i32
    %dma_wait3A_1115 = tpu.memref_slice %arg2[%select_n3A_654, %dma_wait3A_1110, %add3A_674, %dma_wait3A_1114] : memref<4x19x512x512xf32, #tpu.memory_space<hbm>> -> memref<1x1x8x512xf32, #tpu.memory_space<hbm>>
    %dma_wait3A_1116 = tpu.memref_squeeze %dma_wait3A_1115 : memref<1x1x8x512xf32, #tpu.memory_space<hbm>> -> memref<8x512xf32, #tpu.memory_space<hbm>>
    %dma_wait3A_1117 = arith.constant 112 : i32
    %dma_wait3A_1118 = arith.constant 0 : i32
    %dma_wait3A_1119 = tpu.memref_slice %arg5[%dma_wait3A_1117, %dma_wait3A_1118] : memref<152x512xf32, #tpu.memory_space<vmem>> -> memref<8x512xf32, #tpu.memory_space<vmem>>
    %dma_wait3A_1120 = arith.constant 0 : i32
    %dma_wait3A_1121 = tpu.memref_slice %arg2[%select_n3A_654, %dma_wait3A_1110, %add3A_674, %dma_wait3A_1120] : memref<4x19x512x512xf32, #tpu.memory_space<hbm>> -> memref<1x1x8x512xf32, #tpu.memory_space<hbm>>
    %dma_wait3A_1122 = tpu.memref_squeeze %dma_wait3A_1121 : memref<1x1x8x512xf32, #tpu.memory_space<hbm>> -> memref<8x512xf32, #tpu.memory_space<hbm>>
    tpu.wait_dma2 semaphore(%arg8 : memref<!tpu.dma_semaphore, #tpu.memory_space<semaphore_mem>>) src(%dma_wait3A_1122 : memref<8x512xf32, #tpu.memory_space<hbm>>) dst(%dma_wait3A_1119 : memref<8x512xf32, #tpu.memory_space<vmem>>)
    %dma_wait3A_1123 = arith.constant 15 : i32
    %dma_wait3A_1124 = arith.constant 120 : i32
    %dma_wait3A_1125 = arith.constant 0 : i32
    %dma_wait3A_1126 = tpu.memref_slice %arg5[%dma_wait3A_1124, %dma_wait3A_1125] : memref<152x512xf32, #tpu.memory_space<vmem>> -> memref<8x512xf32, #tpu.memory_space<vmem>>
    %dma_wait3A_1127 = arith.constant 0 : i32
    %dma_wait3A_1128 = tpu.memref_slice %arg2[%select_n3A_654, %dma_wait3A_1123, %add3A_674, %dma_wait3A_1127] : memref<4x19x512x512xf32, #tpu.memory_space<hbm>> -> memref<1x1x8x512xf32, #tpu.memory_space<hbm>>
    %dma_wait3A_1129 = tpu.memref_squeeze %dma_wait3A_1128 : memref<1x1x8x512xf32, #tpu.memory_space<hbm>> -> memref<8x512xf32, #tpu.memory_space<hbm>>
    %dma_wait3A_1130 = arith.constant 120 : i32
    %dma_wait3A_1131 = arith.constant 0 : i32
    %dma_wait3A_1132 = tpu.memref_slice %arg5[%dma_wait3A_1130, %dma_wait3A_1131] : memref<152x512xf32, #tpu.memory_space<vmem>> -> memref<8x512xf32, #tpu.memory_space<vmem>>
    %dma_wait3A_1133 = arith.constant 0 : i32
    %dma_wait3A_1134 = tpu.memref_slice %arg2[%select_n3A_654, %dma_wait3A_1123, %add3A_674, %dma_wait3A_1133] : memref<4x19x512x512xf32, #tpu.memory_space<hbm>> -> memref<1x1x8x512xf32, #tpu.memory_space<hbm>>
    %dma_wait3A_1135 = tpu.memref_squeeze %dma_wait3A_1134 : memref<1x1x8x512xf32, #tpu.memory_space<hbm>> -> memref<8x512xf32, #tpu.memory_space<hbm>>
    tpu.wait_dma2 semaphore(%arg8 : memref<!tpu.dma_semaphore, #tpu.memory_space<semaphore_mem>>) src(%dma_wait3A_1135 : memref<8x512xf32, #tpu.memory_space<hbm>>) dst(%dma_wait3A_1132 : memref<8x512xf32, #tpu.memory_space<vmem>>)
    %dma_wait3A_1136 = arith.constant 16 : i32
    %dma_wait3A_1137 = arith.constant 128 : i32
    %dma_wait3A_1138 = arith.constant 0 : i32
    %dma_wait3A_1139 = tpu.memref_slice %arg5[%dma_wait3A_1137, %dma_wait3A_1138] : memref<152x512xf32, #tpu.memory_space<vmem>> -> memref<8x512xf32, #tpu.memory_space<vmem>>
    %dma_wait3A_1140 = arith.constant 0 : i32
    %dma_wait3A_1141 = tpu.memref_slice %arg2[%select_n3A_654, %dma_wait3A_1136, %add3A_674, %dma_wait3A_1140] : memref<4x19x512x512xf32, #tpu.memory_space<hbm>> -> memref<1x1x8x512xf32, #tpu.memory_space<hbm>>
    %dma_wait3A_1142 = tpu.memref_squeeze %dma_wait3A_1141 : memref<1x1x8x512xf32, #tpu.memory_space<hbm>> -> memref<8x512xf32, #tpu.memory_space<hbm>>
    %dma_wait3A_1143 = arith.constant 128 : i32
    %dma_wait3A_1144 = arith.constant 0 : i32
    %dma_wait3A_1145 = tpu.memref_slice %arg5[%dma_wait3A_1143, %dma_wait3A_1144] : memref<152x512xf32, #tpu.memory_space<vmem>> -> memref<8x512xf32, #tpu.memory_space<vmem>>
    %dma_wait3A_1146 = arith.constant 0 : i32
    %dma_wait3A_1147 = tpu.memref_slice %arg2[%select_n3A_654, %dma_wait3A_1136, %add3A_674, %dma_wait3A_1146] : memref<4x19x512x512xf32, #tpu.memory_space<hbm>> -> memref<1x1x8x512xf32, #tpu.memory_space<hbm>>
    %dma_wait3A_1148 = tpu.memref_squeeze %dma_wait3A_1147 : memref<1x1x8x512xf32, #tpu.memory_space<hbm>> -> memref<8x512xf32, #tpu.memory_space<hbm>>
    tpu.wait_dma2 semaphore(%arg8 : memref<!tpu.dma_semaphore, #tpu.memory_space<semaphore_mem>>) src(%dma_wait3A_1148 : memref<8x512xf32, #tpu.memory_space<hbm>>) dst(%dma_wait3A_1145 : memref<8x512xf32, #tpu.memory_space<vmem>>)
    %dma_wait3A_1149 = arith.constant 17 : i32
    %dma_wait3A_1150 = arith.constant 136 : i32
    %dma_wait3A_1151 = arith.constant 0 : i32
    %dma_wait3A_1152 = tpu.memref_slice %arg5[%dma_wait3A_1150, %dma_wait3A_1151] : memref<152x512xf32, #tpu.memory_space<vmem>> -> memref<8x512xf32, #tpu.memory_space<vmem>>
    %dma_wait3A_1153 = arith.constant 0 : i32
    %dma_wait3A_1154 = tpu.memref_slice %arg2[%select_n3A_654, %dma_wait3A_1149, %add3A_674, %dma_wait3A_1153] : memref<4x19x512x512xf32, #tpu.memory_space<hbm>> -> memref<1x1x8x512xf32, #tpu.memory_space<hbm>>
    %dma_wait3A_1155 = tpu.memref_squeeze %dma_wait3A_1154 : memref<1x1x8x512xf32, #tpu.memory_space<hbm>> -> memref<8x512xf32, #tpu.memory_space<hbm>>
    %dma_wait3A_1156 = arith.constant 136 : i32
    %dma_wait3A_1157 = arith.constant 0 : i32
    %dma_wait3A_1158 = tpu.memref_slice %arg5[%dma_wait3A_1156, %dma_wait3A_1157] : memref<152x512xf32, #tpu.memory_space<vmem>> -> memref<8x512xf32, #tpu.memory_space<vmem>>
    %dma_wait3A_1159 = arith.constant 0 : i32
    %dma_wait3A_1160 = tpu.memref_slice %arg2[%select_n3A_654, %dma_wait3A_1149, %add3A_674, %dma_wait3A_1159] : memref<4x19x512x512xf32, #tpu.memory_space<hbm>> -> memref<1x1x8x512xf32, #tpu.memory_space<hbm>>
    %dma_wait3A_1161 = tpu.memref_squeeze %dma_wait3A_1160 : memref<1x1x8x512xf32, #tpu.memory_space<hbm>> -> memref<8x512xf32, #tpu.memory_space<hbm>>
    tpu.wait_dma2 semaphore(%arg8 : memref<!tpu.dma_semaphore, #tpu.memory_space<semaphore_mem>>) src(%dma_wait3A_1161 : memref<8x512xf32, #tpu.memory_space<hbm>>) dst(%dma_wait3A_1158 : memref<8x512xf32, #tpu.memory_space<vmem>>)
    %dma_wait3A_1162 = arith.constant 18 : i32
    %dma_wait3A_1163 = arith.constant 144 : i32
    %dma_wait3A_1164 = arith.constant 0 : i32
    %dma_wait3A_1165 = tpu.memref_slice %arg5[%dma_wait3A_1163, %dma_wait3A_1164] : memref<152x512xf32, #tpu.memory_space<vmem>> -> memref<8x512xf32, #tpu.memory_space<vmem>>
    %dma_wait3A_1166 = arith.constant 0 : i32
    %dma_wait3A_1167 = tpu.memref_slice %arg2[%select_n3A_654, %dma_wait3A_1162, %add3A_674, %dma_wait3A_1166] : memref<4x19x512x512xf32, #tpu.memory_space<hbm>> -> memref<1x1x8x512xf32, #tpu.memory_space<hbm>>
    %dma_wait3A_1168 = tpu.memref_squeeze %dma_wait3A_1167 : memref<1x1x8x512xf32, #tpu.memory_space<hbm>> -> memref<8x512xf32, #tpu.memory_space<hbm>>
    %dma_wait3A_1169 = arith.constant 144 : i32
    %dma_wait3A_1170 = arith.constant 0 : i32
    %dma_wait3A_1171 = tpu.memref_slice %arg5[%dma_wait3A_1169, %dma_wait3A_1170] : memref<152x512xf32, #tpu.memory_space<vmem>> -> memref<8x512xf32, #tpu.memory_space<vmem>>
    %dma_wait3A_1172 = arith.constant 0 : i32
    %dma_wait3A_1173 = tpu.memref_slice %arg2[%select_n3A_654, %dma_wait3A_1162, %add3A_674, %dma_wait3A_1172] : memref<4x19x512x512xf32, #tpu.memory_space<hbm>> -> memref<1x1x8x512xf32, #tpu.memory_space<hbm>>
    %dma_wait3A_1174 = tpu.memref_squeeze %dma_wait3A_1173 : memref<1x1x8x512xf32, #tpu.memory_space<hbm>> -> memref<8x512xf32, #tpu.memory_space<hbm>>
    tpu.wait_dma2 semaphore(%arg8 : memref<!tpu.dma_semaphore, #tpu.memory_space<semaphore_mem>>) src(%dma_wait3A_1174 : memref<8x512xf32, #tpu.memory_space<hbm>>) dst(%dma_wait3A_1171 : memref<8x512xf32, #tpu.memory_space<vmem>>)
    %dma_wait3A_1175 = arith.constant 0 : i32
    %dma_wait3A_1176 = tpu.memref_slice %arg3[%select_n3A_654, %add3A_674, %dma_wait3A_1175] : memref<4x512x512xi32, #tpu.memory_space<hbm>> -> memref<1x8x512xi32, #tpu.memory_space<hbm>>
    %dma_wait3A_1177 = tpu.memref_squeeze %dma_wait3A_1176 : memref<1x8x512xi32, #tpu.memory_space<hbm>> -> memref<8x512xi32, #tpu.memory_space<hbm>>
    %dma_wait3A_1178 = arith.constant 0 : i32
    %dma_wait3A_1179 = tpu.memref_slice %arg3[%select_n3A_654, %add3A_674, %dma_wait3A_1178] : memref<4x512x512xi32, #tpu.memory_space<hbm>> -> memref<1x8x512xi32, #tpu.memory_space<hbm>>
    %dma_wait3A_1180 = tpu.memref_squeeze %dma_wait3A_1179 : memref<1x8x512xi32, #tpu.memory_space<hbm>> -> memref<8x512xi32, #tpu.memory_space<hbm>>
    tpu.wait_dma2 semaphore(%arg8 : memref<!tpu.dma_semaphore, #tpu.memory_space<semaphore_mem>>) src(%dma_wait3A_1180 : memref<8x512xi32, #tpu.memory_space<hbm>>) dst(%arg6 : memref<8x512xi32, #tpu.memory_space<vmem>>)
    %scan3A_1181 = arith.constant 0 : i32
    %scan3A_1182 = arith.constant 0 : i32
    %scan3A_1183 = arith.constant 256 : i32
    %scan3A_1184 = arith.addi %scan3A_1182, %scan3A_1183 : i32
    %scan3A_1185 = arith.constant 1 : i32
    %scan3A_1186 = scf.for %scan3A_1192 = %scan3A_1182 to %scan3A_1184 step %scan3A_1185 iter_args(%scan3A_1193 = %scan3A_1181) -> (i32)  : i32 {
      %shift_right_arithmetic3A = arith.constant 5 : i32
      %shift_right_arithmetic3A_1194 = arith.shrsi %scan3A_1192, %shift_right_arithmetic3A : i32
      %and3A_1195 = arith.constant 31 : i32
      %and3A_1196 = arith.andi %scan3A_1192, %and3A_1195 : i32
      %mul3A_1197 = arith.constant 16 : i32
      %mul3A_1198 = arith.muli %and3A_1196, %mul3A_1197 : i32
      %get3A = arith.index_cast %shift_right_arithmetic3A_1194 : i32 to index
      %get3A_1199 = arith.index_cast %mul3A_1198 : i32 to index
      %get3A_1200 = tpu.vector_load %arg5[%get3A, %get3A_1199] {strides = array<i32>} : memref<152x512xf32, #tpu.memory_space<vmem>>, vector<16xf32>,
      %broadcast_in_dim3A_1201 = arith.constant 0 : i32
      %broadcast_in_dim3A_1202 = vector.broadcast %broadcast_in_dim3A_1201 : i32 to vector<16xi32>
      %add3A_1203 = arith.constant 8 : i32
      %add3A_1204 = arith.addi %add3A_1203, %shift_right_arithmetic3A_1194 : i32
      %get3A_1205 = arith.index_cast %add3A_1204 : i32 to index
      %get3A_1206 = arith.index_cast %mul3A_1198 : i32 to index
      %get3A_1207 = tpu.vector_load %arg5[%get3A_1205, %get3A_1206] {strides = array<i32>} : memref<152x512xf32, #tpu.memory_space<vmem>>, vector<16xf32>,
      %gt3A = arith.cmpf ogt, %get3A_1207, %get3A_1200 : vector<16xf32>
      %select_n3A_1208 = arith.select %gt3A, %get3A_1207, %get3A_1200 : vector<16xi1>, vector<16xf32>
      %jit3A_1209 = arith.constant 1 : i32
      %broadcast_in_dim3A_1210 = vector.broadcast %jit3A_1209 : i32 to vector<16xi32>
      %select_n3A_1211 = arith.select %gt3A, %broadcast_in_dim3A_1210, %broadcast_in_dim3A_1202 : vector<16xi1>, vector<16xi32>
      %add3A_1212 = arith.constant 16 : i32
      %add3A_1213 = arith.addi %add3A_1212, %shift_right_arithmetic3A_1194 : i32
      %get3A_1214 = arith.index_cast %add3A_1213 : i32 to index
      %get3A_1215 = arith.index_cast %mul3A_1198 : i32 to index
      %get3A_1216 = tpu.vector_load %arg5[%get3A_1214, %get3A_1215] {strides = array<i32>} : memref<152x512xf32, #tpu.memory_space<vmem>>, vector<16xf32>,
      %gt3A_1217 = arith.cmpf ogt, %get3A_1216, %select_n3A_1208 : vector<16xf32>
      %select_n3A_1218 = arith.select %gt3A_1217, %get3A_1216, %select_n3A_1208 : vector<16xi1>, vector<16xf32>
      %jit3A_1219 = arith.constant 2 : i32
      %broadcast_in_dim3A_1220 = vector.broadcast %jit3A_1219 : i32 to vector<16xi32>
      %select_n3A_1221 = arith.select %gt3A_1217, %broadcast_in_dim3A_1220, %select_n3A_1211 : vector<16xi1>, vector<16xi32>
      %add3A_1222 = arith.constant 24 : i32
      %add3A_1223 = arith.addi %add3A_1222, %shift_right_arithmetic3A_1194 : i32
      %get3A_1224 = arith.index_cast %add3A_1223 : i32 to index
      %get3A_1225 = arith.index_cast %mul3A_1198 : i32 to index
      %get3A_1226 = tpu.vector_load %arg5[%get3A_1224, %get3A_1225] {strides = array<i32>} : memref<152x512xf32, #tpu.memory_space<vmem>>, vector<16xf32>,
      %gt3A_1227 = arith.cmpf ogt, %get3A_1226, %select_n3A_1218 : vector<16xf32>
      %select_n3A_1228 = arith.select %gt3A_1227, %get3A_1226, %select_n3A_1218 : vector<16xi1>, vector<16xf32>
      %jit3A_1229 = arith.constant 3 : i32
      %broadcast_in_dim3A_1230 = vector.broadcast %jit3A_1229 : i32 to vector<16xi32>
      %select_n3A_1231 = arith.select %gt3A_1227, %broadcast_in_dim3A_1230, %select_n3A_1221 : vector<16xi1>, vector<16xi32>
      %add3A_1232 = arith.constant 32 : i32
      %add3A_1233 = arith.addi %add3A_1232, %shift_right_arithmetic3A_1194 : i32
      %get3A_1234 = arith.index_cast %add3A_1233 : i32 to index
      %get3A_1235 = arith.index_cast %mul3A_1198 : i32 to index
      %get3A_1236 = tpu.vector_load %arg5[%get3A_1234, %get3A_1235] {strides = array<i32>} : memref<152x512xf32, #tpu.memory_space<vmem>>, vector<16xf32>,
      %gt3A_1237 = arith.cmpf ogt, %get3A_1236, %select_n3A_1228 : vector<16xf32>
      %select_n3A_1238 = arith.select %gt3A_1237, %get3A_1236, %select_n3A_1228 : vector<16xi1>, vector<16xf32>
      %jit3A_1239 = arith.constant 4 : i32
      %broadcast_in_dim3A_1240 = vector.broadcast %jit3A_1239 : i32 to vector<16xi32>
      %select_n3A_1241 = arith.select %gt3A_1237, %broadcast_in_dim3A_1240, %select_n3A_1231 : vector<16xi1>, vector<16xi32>
      %add3A_1242 = arith.constant 40 : i32
      %add3A_1243 = arith.addi %add3A_1242, %shift_right_arithmetic3A_1194 : i32
      %get3A_1244 = arith.index_cast %add3A_1243 : i32 to index
      %get3A_1245 = arith.index_cast %mul3A_1198 : i32 to index
      %get3A_1246 = tpu.vector_load %arg5[%get3A_1244, %get3A_1245] {strides = array<i32>} : memref<152x512xf32, #tpu.memory_space<vmem>>, vector<16xf32>,
      %gt3A_1247 = arith.cmpf ogt, %get3A_1246, %select_n3A_1238 : vector<16xf32>
      %select_n3A_1248 = arith.select %gt3A_1247, %get3A_1246, %select_n3A_1238 : vector<16xi1>, vector<16xf32>
      %jit3A_1249 = arith.constant 5 : i32
      %broadcast_in_dim3A_1250 = vector.broadcast %jit3A_1249 : i32 to vector<16xi32>
      %select_n3A_1251 = arith.select %gt3A_1247, %broadcast_in_dim3A_1250, %select_n3A_1241 : vector<16xi1>, vector<16xi32>
      %add3A_1252 = arith.constant 48 : i32
      %add3A_1253 = arith.addi %add3A_1252, %shift_right_arithmetic3A_1194 : i32
      %get3A_1254 = arith.index_cast %add3A_1253 : i32 to index
      %get3A_1255 = arith.index_cast %mul3A_1198 : i32 to index
      %get3A_1256 = tpu.vector_load %arg5[%get3A_1254, %get3A_1255] {strides = array<i32>} : memref<152x512xf32, #tpu.memory_space<vmem>>, vector<16xf32>,
      %gt3A_1257 = arith.cmpf ogt, %get3A_1256, %select_n3A_1248 : vector<16xf32>
      %select_n3A_1258 = arith.select %gt3A_1257, %get3A_1256, %select_n3A_1248 : vector<16xi1>, vector<16xf32>
      %jit3A_1259 = arith.constant 6 : i32
      %broadcast_in_dim3A_1260 = vector.broadcast %jit3A_1259 : i32 to vector<16xi32>
      %select_n3A_1261 = arith.select %gt3A_1257, %broadcast_in_dim3A_1260, %select_n3A_1251 : vector<16xi1>, vector<16xi32>
      %add3A_1262 = arith.constant 56 : i32
      %add3A_1263 = arith.addi %add3A_1262, %shift_right_arithmetic3A_1194 : i32
      %get3A_1264 = arith.index_cast %add3A_1263 : i32 to index
      %get3A_1265 = arith.index_cast %mul3A_1198 : i32 to index
      %get3A_1266 = tpu.vector_load %arg5[%get3A_1264, %get3A_1265] {strides = array<i32>} : memref<152x512xf32, #tpu.memory_space<vmem>>, vector<16xf32>,
      %gt3A_1267 = arith.cmpf ogt, %get3A_1266, %select_n3A_1258 : vector<16xf32>
      %select_n3A_1268 = arith.select %gt3A_1267, %get3A_1266, %select_n3A_1258 : vector<16xi1>, vector<16xf32>
      %jit3A_1269 = arith.constant 7 : i32
      %broadcast_in_dim3A_1270 = vector.broadcast %jit3A_1269 : i32 to vector<16xi32>
      %select_n3A_1271 = arith.select %gt3A_1267, %broadcast_in_dim3A_1270, %select_n3A_1261 : vector<16xi1>, vector<16xi32>
      %add3A_1272 = arith.constant 64 : i32
      %add3A_1273 = arith.addi %add3A_1272, %shift_right_arithmetic3A_1194 : i32
      %get3A_1274 = arith.index_cast %add3A_1273 : i32 to index
      %get3A_1275 = arith.index_cast %mul3A_1198 : i32 to index
      %get3A_1276 = tpu.vector_load %arg5[%get3A_1274, %get3A_1275] {strides = array<i32>} : memref<152x512xf32, #tpu.memory_space<vmem>>, vector<16xf32>,
      %gt3A_1277 = arith.cmpf ogt, %get3A_1276, %select_n3A_1268 : vector<16xf32>
      %select_n3A_1278 = arith.select %gt3A_1277, %get3A_1276, %select_n3A_1268 : vector<16xi1>, vector<16xf32>
      %jit3A_1279 = arith.constant 8 : i32
      %broadcast_in_dim3A_1280 = vector.broadcast %jit3A_1279 : i32 to vector<16xi32>
      %select_n3A_1281 = arith.select %gt3A_1277, %broadcast_in_dim3A_1280, %select_n3A_1271 : vector<16xi1>, vector<16xi32>
      %add3A_1282 = arith.constant 72 : i32
      %add3A_1283 = arith.addi %add3A_1282, %shift_right_arithmetic3A_1194 : i32
      %get3A_1284 = arith.index_cast %add3A_1283 : i32 to index
      %get3A_1285 = arith.index_cast %mul3A_1198 : i32 to index
      %get3A_1286 = tpu.vector_load %arg5[%get3A_1284, %get3A_1285] {strides = array<i32>} : memref<152x512xf32, #tpu.memory_space<vmem>>, vector<16xf32>,
      %gt3A_1287 = arith.cmpf ogt, %get3A_1286, %select_n3A_1278 : vector<16xf32>
      %select_n3A_1288 = arith.select %gt3A_1287, %get3A_1286, %select_n3A_1278 : vector<16xi1>, vector<16xf32>
      %jit3A_1289 = arith.constant 9 : i32
      %broadcast_in_dim3A_1290 = vector.broadcast %jit3A_1289 : i32 to vector<16xi32>
      %select_n3A_1291 = arith.select %gt3A_1287, %broadcast_in_dim3A_1290, %select_n3A_1281 : vector<16xi1>, vector<16xi32>
      %add3A_1292 = arith.constant 80 : i32
      %add3A_1293 = arith.addi %add3A_1292, %shift_right_arithmetic3A_1194 : i32
      %get3A_1294 = arith.index_cast %add3A_1293 : i32 to index
      %get3A_1295 = arith.index_cast %mul3A_1198 : i32 to index
      %get3A_1296 = tpu.vector_load %arg5[%get3A_1294, %get3A_1295] {strides = array<i32>} : memref<152x512xf32, #tpu.memory_space<vmem>>, vector<16xf32>,
      %gt3A_1297 = arith.cmpf ogt, %get3A_1296, %select_n3A_1288 : vector<16xf32>
      %select_n3A_1298 = arith.select %gt3A_1297, %get3A_1296, %select_n3A_1288 : vector<16xi1>, vector<16xf32>
      %jit3A_1299 = arith.constant 10 : i32
      %broadcast_in_dim3A_1300 = vector.broadcast %jit3A_1299 : i32 to vector<16xi32>
      %select_n3A_1301 = arith.select %gt3A_1297, %broadcast_in_dim3A_1300, %select_n3A_1291 : vector<16xi1>, vector<16xi32>
      %add3A_1302 = arith.constant 88 : i32
      %add3A_1303 = arith.addi %add3A_1302, %shift_right_arithmetic3A_1194 : i32
      %get3A_1304 = arith.index_cast %add3A_1303 : i32 to index
      %get3A_1305 = arith.index_cast %mul3A_1198 : i32 to index
      %get3A_1306 = tpu.vector_load %arg5[%get3A_1304, %get3A_1305] {strides = array<i32>} : memref<152x512xf32, #tpu.memory_space<vmem>>, vector<16xf32>,
      %gt3A_1307 = arith.cmpf ogt, %get3A_1306, %select_n3A_1298 : vector<16xf32>
      %select_n3A_1308 = arith.select %gt3A_1307, %get3A_1306, %select_n3A_1298 : vector<16xi1>, vector<16xf32>
      %jit3A_1309 = arith.constant 11 : i32
      %broadcast_in_dim3A_1310 = vector.broadcast %jit3A_1309 : i32 to vector<16xi32>
      %select_n3A_1311 = arith.select %gt3A_1307, %broadcast_in_dim3A_1310, %select_n3A_1301 : vector<16xi1>, vector<16xi32>
      %add3A_1312 = arith.constant 96 : i32
      %add3A_1313 = arith.addi %add3A_1312, %shift_right_arithmetic3A_1194 : i32
      %get3A_1314 = arith.index_cast %add3A_1313 : i32 to index
      %get3A_1315 = arith.index_cast %mul3A_1198 : i32 to index
      %get3A_1316 = tpu.vector_load %arg5[%get3A_1314, %get3A_1315] {strides = array<i32>} : memref<152x512xf32, #tpu.memory_space<vmem>>, vector<16xf32>,
      %gt3A_1317 = arith.cmpf ogt, %get3A_1316, %select_n3A_1308 : vector<16xf32>
      %select_n3A_1318 = arith.select %gt3A_1317, %get3A_1316, %select_n3A_1308 : vector<16xi1>, vector<16xf32>
      %jit3A_1319 = arith.constant 12 : i32
      %broadcast_in_dim3A_1320 = vector.broadcast %jit3A_1319 : i32 to vector<16xi32>
      %select_n3A_1321 = arith.select %gt3A_1317, %broadcast_in_dim3A_1320, %select_n3A_1311 : vector<16xi1>, vector<16xi32>
      %add3A_1322 = arith.constant 104 : i32
      %add3A_1323 = arith.addi %add3A_1322, %shift_right_arithmetic3A_1194 : i32
      %get3A_1324 = arith.index_cast %add3A_1323 : i32 to index
      %get3A_1325 = arith.index_cast %mul3A_1198 : i32 to index
      %get3A_1326 = tpu.vector_load %arg5[%get3A_1324, %get3A_1325] {strides = array<i32>} : memref<152x512xf32, #tpu.memory_space<vmem>>, vector<16xf32>,
      %gt3A_1327 = arith.cmpf ogt, %get3A_1326, %select_n3A_1318 : vector<16xf32>
      %select_n3A_1328 = arith.select %gt3A_1327, %get3A_1326, %select_n3A_1318 : vector<16xi1>, vector<16xf32>
      %jit3A_1329 = arith.constant 13 : i32
      %broadcast_in_dim3A_1330 = vector.broadcast %jit3A_1329 : i32 to vector<16xi32>
      %select_n3A_1331 = arith.select %gt3A_1327, %broadcast_in_dim3A_1330, %select_n3A_1321 : vector<16xi1>, vector<16xi32>
      %add3A_1332 = arith.constant 112 : i32
      %add3A_1333 = arith.addi %add3A_1332, %shift_right_arithmetic3A_1194 : i32
      %get3A_1334 = arith.index_cast %add3A_1333 : i32 to index
      %get3A_1335 = arith.index_cast %mul3A_1198 : i32 to index
      %get3A_1336 = tpu.vector_load %arg5[%get3A_1334, %get3A_1335] {strides = array<i32>} : memref<152x512xf32, #tpu.memory_space<vmem>>, vector<16xf32>,
      %gt3A_1337 = arith.cmpf ogt, %get3A_1336, %select_n3A_1328 : vector<16xf32>
      %select_n3A_1338 = arith.select %gt3A_1337, %get3A_1336, %select_n3A_1328 : vector<16xi1>, vector<16xf32>
      %jit3A_1339 = arith.constant 14 : i32
      %broadcast_in_dim3A_1340 = vector.broadcast %jit3A_1339 : i32 to vector<16xi32>
      %select_n3A_1341 = arith.select %gt3A_1337, %broadcast_in_dim3A_1340, %select_n3A_1331 : vector<16xi1>, vector<16xi32>
      %add3A_1342 = arith.constant 120 : i32
      %add3A_1343 = arith.addi %add3A_1342, %shift_right_arithmetic3A_1194 : i32
      %get3A_1344 = arith.index_cast %add3A_1343 : i32 to index
      %get3A_1345 = arith.index_cast %mul3A_1198 : i32 to index
      %get3A_1346 = tpu.vector_load %arg5[%get3A_1344, %get3A_1345] {strides = array<i32>} : memref<152x512xf32, #tpu.memory_space<vmem>>, vector<16xf32>,
      %gt3A_1347 = arith.cmpf ogt, %get3A_1346, %select_n3A_1338 : vector<16xf32>
      %select_n3A_1348 = arith.select %gt3A_1347, %get3A_1346, %select_n3A_1338 : vector<16xi1>, vector<16xf32>
      %jit3A_1349 = arith.constant 15 : i32
      %broadcast_in_dim3A_1350 = vector.broadcast %jit3A_1349 : i32 to vector<16xi32>
      %select_n3A_1351 = arith.select %gt3A_1347, %broadcast_in_dim3A_1350, %select_n3A_1341 : vector<16xi1>, vector<16xi32>
      %add3A_1352 = arith.constant 128 : i32
      %add3A_1353 = arith.addi %add3A_1352, %shift_right_arithmetic3A_1194 : i32
      %get3A_1354 = arith.index_cast %add3A_1353 : i32 to index
      %get3A_1355 = arith.index_cast %mul3A_1198 : i32 to index
      %get3A_1356 = tpu.vector_load %arg5[%get3A_1354, %get3A_1355] {strides = array<i32>} : memref<152x512xf32, #tpu.memory_space<vmem>>, vector<16xf32>,
      %gt3A_1357 = arith.cmpf ogt, %get3A_1356, %select_n3A_1348 : vector<16xf32>
      %select_n3A_1358 = arith.select %gt3A_1357, %get3A_1356, %select_n3A_1348 : vector<16xi1>, vector<16xf32>
      %jit3A_1359 = arith.constant 16 : i32
      %broadcast_in_dim3A_1360 = vector.broadcast %jit3A_1359 : i32 to vector<16xi32>
      %select_n3A_1361 = arith.select %gt3A_1357, %broadcast_in_dim3A_1360, %select_n3A_1351 : vector<16xi1>, vector<16xi32>
      %add3A_1362 = arith.constant 136 : i32
      %add3A_1363 = arith.addi %add3A_1362, %shift_right_arithmetic3A_1194 : i32
      %get3A_1364 = arith.index_cast %add3A_1363 : i32 to index
      %get3A_1365 = arith.index_cast %mul3A_1198 : i32 to index
      %get3A_1366 = tpu.vector_load %arg5[%get3A_1364, %get3A_1365] {strides = array<i32>} : memref<152x512xf32, #tpu.memory_space<vmem>>, vector<16xf32>,
      %gt3A_1367 = arith.cmpf ogt, %get3A_1366, %select_n3A_1358 : vector<16xf32>
      %select_n3A_1368 = arith.select %gt3A_1367, %get3A_1366, %select_n3A_1358 : vector<16xi1>, vector<16xf32>
      %jit3A_1369 = arith.constant 17 : i32
      %broadcast_in_dim3A_1370 = vector.broadcast %jit3A_1369 : i32 to vector<16xi32>
      %select_n3A_1371 = arith.select %gt3A_1367, %broadcast_in_dim3A_1370, %select_n3A_1361 : vector<16xi1>, vector<16xi32>
      %add3A_1372 = arith.constant 144 : i32
      %add3A_1373 = arith.addi %add3A_1372, %shift_right_arithmetic3A_1194 : i32
      %get3A_1374 = arith.index_cast %add3A_1373 : i32 to index
      %get3A_1375 = arith.index_cast %mul3A_1198 : i32 to index
      %get3A_1376 = tpu.vector_load %arg5[%get3A_1374, %get3A_1375] {strides = array<i32>} : memref<152x512xf32, #tpu.memory_space<vmem>>, vector<16xf32>,
      %gt3A_1377 = arith.cmpf ogt, %get3A_1376, %select_n3A_1368 : vector<16xf32>
      %select_n3A_1378 = arith.select %gt3A_1377, %get3A_1376, %select_n3A_1368 : vector<16xi1>, vector<16xf32>
      %jit3A_1379 = arith.constant 18 : i32
      %broadcast_in_dim3A_1380 = vector.broadcast %jit3A_1379 : i32 to vector<16xi32>
      %select_n3A_1381 = arith.select %gt3A_1377, %broadcast_in_dim3A_1380, %select_n3A_1371 : vector<16xi1>, vector<16xi32>
      %get3A_1382 = arith.index_cast %shift_right_arithmetic3A_1194 : i32 to index
      %get3A_1383 = arith.index_cast %mul3A_1198 : i32 to index
      %get3A_1384 = tpu.vector_load %arg6[%get3A_1382, %get3A_1383] {strides = array<i32>} : memref<8x512xi32, #tpu.memory_space<vmem>>, vector<16xi32>,
      %ge3A = arith.constant 0 : i32
      %ge3A_1385 = vector.broadcast %ge3A : i32 to vector<16xi32>
      %ge3A_1386 = arith.cmpi sge, %get3A_1384, %ge3A_1385 : vector<16xi32>
      %lt3A_1387 = arith.constant 19 : i32
      %lt3A_1388 = vector.broadcast %lt3A_1387 : i32 to vector<16xi32>
      %lt3A_1389 = arith.cmpi slt, %get3A_1384, %lt3A_1388 : vector<16xi32>
      %and3A_1390 = arith.andi %ge3A_1386, %lt3A_1389 : vector<16xi1>
      %jit3A_1391 = arith.constant 0 : i32
      %broadcast_in_dim3A_1392 = vector.broadcast %jit3A_1391 : i32 to vector<16xi32>
      %select_n3A_1393 = arith.select %and3A_1390, %get3A_1384, %broadcast_in_dim3A_1392 : vector<16xi1>, vector<16xi32>
      %mul3A_1394 = arith.constant 32 : i32
      %mul3A_1395 = vector.broadcast %mul3A_1394 : i32 to vector<16xi32>
      %mul3A_1396 = arith.muli %select_n3A_1393, %mul3A_1395 : vector<16xi32>
      %add3A_1397 = arith.addi %mul3A_1396, %select_n3A_1381 : vector<16xi32>
      tpu.vector_store_idx %arg7[%add3A_1397], %broadcast_in_dim3A_78 masked %and3A_1390 {add = true} : memref<608xf32, #tpu.memory_space<vmem>>[vector<16xi32>], vector<16xf32>, vector<16xi1>
      %scan3A_1398 = arith.constant 0 : i32
      scf.yield %scan3A_1398 : i32
    }
    %scan3A_1187 = arith.constant 256 : i32
    %mul3A_1188 = arith.constant 19 : i32
    %mul3A_1189 = arith.muli %add3A, %mul3A_1188 : i32
    %mul3A_1190 = arith.constant 32 : i32
    %mul3A_1191 = arith.muli %mul3A_1189, %mul3A_1190 : i32
    "tpu.region"() ({
      %run_scoped3A = tpu.sem_alloc : memref<!tpu.dma_semaphore, #tpu.memory_space<semaphore_mem>>
      %dma_start3A_1192 = tpu.memref_slice %arg4[%mul3A_1191] : memref<19456xf32, #tpu.memory_space<hbm>> -> memref<608xf32, #tpu.memory_space<hbm>>
      %dma_start3A_1193 = tpu.memref_slice %arg4[%mul3A_1191] : memref<19456xf32, #tpu.memory_space<hbm>> -> memref<608xf32, #tpu.memory_space<hbm>>
      tpu.enqueue_dma source(%arg7 : memref<608xf32, #tpu.memory_space<vmem>>) target(%dma_start3A_1193 : memref<608xf32, #tpu.memory_space<hbm>>) target_semaphore(%run_scoped3A : memref<!tpu.dma_semaphore, #tpu.memory_space<semaphore_mem>>)
      %dma_wait3A_1194 = tpu.memref_slice %arg4[%mul3A_1191] : memref<19456xf32, #tpu.memory_space<hbm>> -> memref<608xf32, #tpu.memory_space<hbm>>
      %dma_wait3A_1195 = tpu.memref_slice %arg4[%mul3A_1191] : memref<19456xf32, #tpu.memory_space<hbm>> -> memref<608xf32, #tpu.memory_space<hbm>>
      tpu.wait_dma2 semaphore(%run_scoped3A : memref<!tpu.dma_semaphore, #tpu.memory_space<semaphore_mem>>) src(%arg7 : memref<608xf32, #tpu.memory_space<vmem>>) dst(%dma_wait3A_1195 : memref<608xf32, #tpu.memory_space<hbm>>)
      tpu.yield
    }) : () -> ()
    return
  }
}

module attributes {stable_mosaic.version = 14 : i64} {
  func.func @_tc_body(%arg0: i32, %arg1: memref<1x19x128x512xf32, #tpu.memory_space<vmem>>, %arg2: memref<1x128x512xi32, #tpu.memory_space<vmem>>, %arg3: memref<19x19xf32, #tpu.memory_space<vmem>>, %arg4: memref<19x19xf32, #tpu.memory_space<vmem>>) attributes {dimension_semantics = [#tpu.dimension_semantics<arbitrary>], iteration_bounds = array<i64: 12>, scalar_prefetch = 0 : i64, scratch_operands = 1 : i64, tpu.core_type = #tpu.core_type<tc>, window_params = [{transform_indices = @transform_0, window_bounds = array<i64: 1, 19, 128, 512>}, {transform_indices = @transform_1, window_bounds = array<i64: 1, 128, 512>}, {pipeline_mode = #tpu.pipeline_mode<synchronous>, transform_indices = @transform_2, window_bounds = array<i64: 19, 19>}]} {
    %eq3A = arith.constant 0 : i32
    %eq3A_0 = arith.cmpi eq, %arg0, %eq3A : i32
    %convert_element_type3A = arith.extui %eq3A_0 : i1 to i32
    %cond3A = arith.constant 0 : i32
    %cond3A_1 = arith.cmpi ne, %convert_element_type3A, %cond3A : i32
    scf.if %cond3A_1 {
      %broadcast_in_dim3A_40 = arith.constant 0.000000e+00 : f32
      %broadcast_in_dim3A_41 = vector.broadcast %broadcast_in_dim3A_40 : f32 to vector<19x19xf32>
      %swap3A_42 = arith.constant 0 : index
      %swap3A_43 = arith.constant 0 : index
      %swap3A_44 = vector.load %arg4[%swap3A_42, %swap3A_43] : memref<19x19xf32, #tpu.memory_space<vmem>>, vector<19x19xf32>
      tpu.vector_store %arg4[%swap3A_42, %swap3A_43], %broadcast_in_dim3A_41 {strides = array<i32>} : memref<19x19xf32, #tpu.memory_space<vmem>>, vector<19x19xf32>,
    } else {
    }
    %get3A = arith.constant 0 : index
    %get3A_2 = arith.constant 0 : index
    %get3A_3 = arith.constant 0 : index
    %get3A_4 = arith.constant 0 : index
    %get3A_5 = vector.load %arg1[%get3A, %get3A_2, %get3A_3, %get3A_4] : memref<1x19x128x512xf32, #tpu.memory_space<vmem>>, vector<1x19x128x512xf32>
    %get3A_6 = vector.shape_cast %get3A_5 : vector<1x19x128x512xf32> to vector<19x128x512xf32>
    %get3A_7 = arith.constant 0 : index
    %get3A_8 = arith.constant 0 : index
    %get3A_9 = arith.constant 0 : index
    %get3A_10 = vector.load %arg2[%get3A_7, %get3A_8, %get3A_9] : memref<1x128x512xi32, #tpu.memory_space<vmem>>, vector<1x128x512xi32>
    %iota3A = tpu.iota {dimensions = array<i32: 0>} : vector<19x128x512xi32>
    %reduce_max3A = arith.constant dense<0xFF800000> : vector<128x512xf32>
    %reduce_max3A_11 = vector.multi_reduction <maximumf>, %get3A_6, %reduce_max3A [0] : vector<19x128x512xf32> to vector<128x512xf32>
    %broadcast_in_dim3A = vector.shape_cast %reduce_max3A_11 : vector<128x512xf32> to vector<1x128x512xf32>
    %eq3A_12 = vector.broadcast %broadcast_in_dim3A : vector<1x128x512xf32> to vector<19x128x512xf32>
    %eq3A_13 = arith.cmpf oeq, %get3A_6, %eq3A_12 : vector<19x128x512xf32>
    %jit3A = arith.constant 19 : i32
    %broadcast_in_dim3A_14 = vector.broadcast %jit3A : i32 to vector<19x128x512xi32>
    %select_n3A = arith.select %eq3A_13, %iota3A, %broadcast_in_dim3A_14 : vector<19x128x512xi1>, vector<19x128x512xi32>
    %reduce_min3A = arith.constant dense<2147483647> : vector<128x512xi32>
    %reduce_min3A_15 = vector.multi_reduction <minsi>, %select_n3A, %reduce_min3A [0] : vector<19x128x512xi32> to vector<128x512xi32>
    %broadcast_in_dim3A_16 = vector.shape_cast %reduce_min3A_15 : vector<128x512xi32> to vector<1x128x512xi32>
    %reshape3A = vector.shape_cast %get3A_10 : vector<1x128x512xi32> to vector<1x65536xi32>
    %reshape3A_17 = vector.shape_cast %broadcast_in_dim3A_16 : vector<1x128x512xi32> to vector<1x65536xi32>
    %iota3A_18 = tpu.iota {dimensions = array<i32: 0>} : vector<19x65536xi32>
    %eq3A_19 = vector.broadcast %reshape3A : vector<1x65536xi32> to vector<19x65536xi32>
    %eq3A_20 = arith.cmpi eq, %iota3A_18, %eq3A_19 : vector<19x65536xi32>
    %convert_element_type3A_21 = arith.extui %eq3A_20 : vector<19x65536xi1> to vector<19x65536xi32>
    %convert_element_type3A_22 = arith.sitofp %convert_element_type3A_21 : vector<19x65536xi32> to vector<19x65536xf32>
    %convert_element_type3A_23 = arith.truncf %convert_element_type3A_22 : vector<19x65536xf32> to vector<19x65536xbf16>
    %eq3A_24 = vector.broadcast %reshape3A_17 : vector<1x65536xi32> to vector<19x65536xi32>
    %eq3A_25 = arith.cmpi eq, %iota3A_18, %eq3A_24 : vector<19x65536xi32>
    %convert_element_type3A_26 = arith.extui %eq3A_25 : vector<19x65536xi1> to vector<19x65536xi32>
    %convert_element_type3A_27 = arith.sitofp %convert_element_type3A_26 : vector<19x65536xi32> to vector<19x65536xf32>
    %convert_element_type3A_28 = arith.truncf %convert_element_type3A_27 : vector<19x65536xf32> to vector<19x65536xbf16>
    %get3A_29 = arith.constant 0 : index
    %get3A_30 = arith.constant 0 : index
    %get3A_31 = vector.load %arg4[%get3A_29, %get3A_30] : memref<19x19xf32, #tpu.memory_space<vmem>>, vector<19x19xf32>
    %dot_general3A = arith.constant dense<0.000000e+00> : vector<19x19xf32>
    %dot_general3A_32 = tpu.matmul %convert_element_type3A_23, %convert_element_type3A_28, %dot_general3A {dimension_numbers = #tpu.dot_dimension_numbers<[1], [1], [0], [0], [0, 0, 1, 0], [], []>, transpose_lhs_hint = false} : vector<19x65536xbf16>, vector<19x65536xbf16>, vector<19x19xf32> -> vector<19x19xf32>
    %add3A = arith.addf %get3A_31, %dot_general3A_32 : vector<19x19xf32>
    %swap3A = arith.constant 0 : index
    %swap3A_33 = arith.constant 0 : index
    %swap3A_34 = vector.load %arg4[%swap3A, %swap3A_33] : memref<19x19xf32, #tpu.memory_space<vmem>>, vector<19x19xf32>
    tpu.vector_store %arg4[%swap3A, %swap3A_33], %add3A {strides = array<i32>} : memref<19x19xf32, #tpu.memory_space<vmem>>, vector<19x19xf32>,
    %eq3A_35 = arith.constant 11 : i32
    %eq3A_36 = arith.cmpi eq, %arg0, %eq3A_35 : i32
    %convert_element_type3A_37 = arith.extui %eq3A_36 : i1 to i32
    %cond3A_38 = arith.constant 0 : i32
    %cond3A_39 = arith.cmpi ne, %convert_element_type3A_37, %cond3A_38 : i32
    scf.if %cond3A_39 {
      %get3A_40 = arith.constant 0 : index
      %get3A_41 = arith.constant 0 : index
      %get3A_42 = vector.load %arg4[%get3A_40, %get3A_41] : memref<19x19xf32, #tpu.memory_space<vmem>>, vector<19x19xf32>
      %swap3A_43 = arith.constant 0 : index
      %swap3A_44 = arith.constant 0 : index
      %swap3A_45 = vector.load %arg3[%swap3A_43, %swap3A_44] : memref<19x19xf32, #tpu.memory_space<vmem>>, vector<19x19xf32>
      tpu.vector_store %arg3[%swap3A_43, %swap3A_44], %get3A_42 {strides = array<i32>} : memref<19x19xf32, #tpu.memory_space<vmem>>, vector<19x19xf32>,
    } else {
    }
    return
  }
  func.func @transform_0(%arg0: i32) -> (i32, i32, i32, i32) {
    %jit3A = arith.constant 3 : i32
    %div3A = arith.divsi %arg0, %jit3A : i32
    %sign3A = arith.constant 0 : i32
    %sign3A_0 = arith.cmpi sgt, %arg0, %sign3A : i32
    %sign3A_1 = arith.extui %sign3A_0 : i1 to i32
    %sign3A_2 = arith.constant 0 : i32
    %sign3A_3 = arith.cmpi slt, %arg0, %sign3A_2 : i32
    %sign3A_4 = arith.extui %sign3A_3 : i1 to i32
    %sign3A_5 = arith.subi %sign3A_1, %sign3A_4 : i32
    %sign3A_6 = arith.constant 0 : i32
    %sign3A_7 = arith.cmpi sgt, %jit3A, %sign3A_6 : i32
    %sign3A_8 = arith.extui %sign3A_7 : i1 to i32
    %sign3A_9 = arith.constant 0 : i32
    %sign3A_10 = arith.cmpi slt, %jit3A, %sign3A_9 : i32
    %sign3A_11 = arith.extui %sign3A_10 : i1 to i32
    %sign3A_12 = arith.subi %sign3A_8, %sign3A_11 : i32
    %ne3A = arith.cmpi ne, %sign3A_5, %sign3A_12 : i32
    %rem3A = arith.remsi %arg0, %jit3A : i32
    %ne3A_13 = arith.constant 0 : i32
    %ne3A_14 = arith.cmpi ne, %rem3A, %ne3A_13 : i32
    %and3A = arith.andi %ne3A, %ne3A_14 : i1
    %sub3A = arith.constant 1 : i32
    %sub3A_15 = arith.subi %div3A, %sub3A : i32
    %select_n3A = arith.select %and3A, %sub3A_15, %div3A : i32
    %jit3A_16 = arith.constant 3 : i32
    %eq3A = arith.constant 0 : i32
    %eq3A_17 = arith.cmpi eq, %jit3A_16, %eq3A : i32
    %jit3A_18 = arith.constant 1 : i32
    %select_n3A_19 = arith.select %eq3A_17, %jit3A_18, %jit3A_16 : i32
    %rem3A_20 = arith.remsi %arg0, %select_n3A_19 : i32
    %ne3A_21 = arith.constant 0 : i32
    %ne3A_22 = arith.cmpi ne, %rem3A_20, %ne3A_21 : i32
    %lt3A = arith.constant 0 : i32
    %lt3A_23 = arith.cmpi slt, %rem3A_20, %lt3A : i32
    %lt3A_24 = arith.constant 0 : i32
    %lt3A_25 = arith.cmpi slt, %select_n3A_19, %lt3A_24 : i32
    %ne3A_26 = arith.xori %lt3A_23, %lt3A_25 : i1
    %and3A_27 = arith.andi %ne3A_26, %ne3A_22 : i1
    %add3A = arith.addi %rem3A_20, %select_n3A_19 : i32
    %select_n3A_28 = arith.select %and3A_27, %add3A, %rem3A_20 : i32
    %c0_i32 = arith.constant 0 : i32
    %c0_i32_29 = arith.constant 0 : i32
    %c0_i32_30 = arith.constant 0 : i32
    return %select_n3A, %c0_i32, %select_n3A_28, %c0_i32_29 : i32, i32, i32, i32
  }
  func.func @transform_1(%arg0: i32) -> (i32, i32, i32) {
    %jit3A = arith.constant 3 : i32
    %div3A = arith.divsi %arg0, %jit3A : i32
    %sign3A = arith.constant 0 : i32
    %sign3A_0 = arith.cmpi sgt, %arg0, %sign3A : i32
    %sign3A_1 = arith.extui %sign3A_0 : i1 to i32
    %sign3A_2 = arith.constant 0 : i32
    %sign3A_3 = arith.cmpi slt, %arg0, %sign3A_2 : i32
    %sign3A_4 = arith.extui %sign3A_3 : i1 to i32
    %sign3A_5 = arith.subi %sign3A_1, %sign3A_4 : i32
    %sign3A_6 = arith.constant 0 : i32
    %sign3A_7 = arith.cmpi sgt, %jit3A, %sign3A_6 : i32
    %sign3A_8 = arith.extui %sign3A_7 : i1 to i32
    %sign3A_9 = arith.constant 0 : i32
    %sign3A_10 = arith.cmpi slt, %jit3A, %sign3A_9 : i32
    %sign3A_11 = arith.extui %sign3A_10 : i1 to i32
    %sign3A_12 = arith.subi %sign3A_8, %sign3A_11 : i32
    %ne3A = arith.cmpi ne, %sign3A_5, %sign3A_12 : i32
    %rem3A = arith.remsi %arg0, %jit3A : i32
    %ne3A_13 = arith.constant 0 : i32
    %ne3A_14 = arith.cmpi ne, %rem3A, %ne3A_13 : i32
    %and3A = arith.andi %ne3A, %ne3A_14 : i1
    %sub3A = arith.constant 1 : i32
    %sub3A_15 = arith.subi %div3A, %sub3A : i32
    %select_n3A = arith.select %and3A, %sub3A_15, %div3A : i32
    %jit3A_16 = arith.constant 3 : i32
    %eq3A = arith.constant 0 : i32
    %eq3A_17 = arith.cmpi eq, %jit3A_16, %eq3A : i32
    %jit3A_18 = arith.constant 1 : i32
    %select_n3A_19 = arith.select %eq3A_17, %jit3A_18, %jit3A_16 : i32
    %rem3A_20 = arith.remsi %arg0, %select_n3A_19 : i32
    %ne3A_21 = arith.constant 0 : i32
    %ne3A_22 = arith.cmpi ne, %rem3A_20, %ne3A_21 : i32
    %lt3A = arith.constant 0 : i32
    %lt3A_23 = arith.cmpi slt, %rem3A_20, %lt3A : i32
    %lt3A_24 = arith.constant 0 : i32
    %lt3A_25 = arith.cmpi slt, %select_n3A_19, %lt3A_24 : i32
    %ne3A_26 = arith.xori %lt3A_23, %lt3A_25 : i1
    %and3A_27 = arith.andi %ne3A_26, %ne3A_22 : i1
    %add3A = arith.addi %rem3A_20, %select_n3A_19 : i32
    %select_n3A_28 = arith.select %and3A_27, %add3A, %rem3A_20 : i32
    %c0_i32 = arith.constant 0 : i32
    %c0_i32_29 = arith.constant 0 : i32
    return %select_n3A, %select_n3A_28, %c0_i32 : i32, i32, i32
  }
  func.func @transform_2(%arg0: i32) -> (i32, i32) {
    %c0_i32 = arith.constant 0 : i32
    %c0_i32_0 = arith.constant 0 : i32
    %c0_i32_1 = arith.constant 0 : i32
    return %c0_i32, %c0_i32_0 : i32, i32
  }
}

module attributes {stable_mosaic.version = 14 : i64} {
  func.func @_final_body(%arg0: memref<19x19xf32, #tpu.memory_space<vmem>>, %arg1: memref<32x19x32xf32, #tpu.memory_space<vmem>>, %arg2: memref<1x1xf32, #tpu.memory_space<vmem>>) attributes {dimension_semantics = [], scalar_prefetch = 0 : i64, scratch_operands = 0 : i64, tpu.core_type = #tpu.core_type<tc>} {
    %get3A = arith.constant 0 : index
    %get3A_0 = arith.constant 0 : index
    %get3A_1 = vector.load %arg0[%get3A, %get3A_0] : memref<19x19xf32, #tpu.memory_space<vmem>>, vector<19x19xf32>
    %get3A_2 = arith.constant 0 : index
    %get3A_3 = arith.constant 0 : index
    %get3A_4 = arith.constant 0 : index
    %get3A_5 = vector.load %arg1[%get3A_2, %get3A_3, %get3A_4] : memref<32x19x32xf32, #tpu.memory_space<vmem>>, vector<32x19x32xf32>
    %reduce_sum3A = arith.constant dense<0.000000e+00> : vector<19x32xf32>
    %reduce_sum3A_6 = vector.multi_reduction <add>, %get3A_5, %reduce_sum3A [0] : vector<32x19x32xf32> to vector<19x32xf32>
    %slice3A = vector.extract_strided_slice %reduce_sum3A_6 {offsets = [0, 0], sizes = [19, 19], strides = [1, 1]} : vector<19x32xf32> to vector<19x19xf32>
    %add3A = arith.addf %get3A_1, %slice3A : vector<19x19xf32>
    %iota3A = tpu.iota {dimensions = array<i32: 0>} : vector<19x19xi32>
    %iota3A_7 = tpu.iota {dimensions = array<i32: 1>} : vector<19x19xi32>
    %eq3A = arith.cmpi eq, %iota3A, %iota3A_7 : vector<19x19xi32>
    %convert_element_type3A = arith.extui %eq3A : vector<19x19xi1> to vector<19x19xi32>
    %convert_element_type3A_8 = arith.sitofp %convert_element_type3A : vector<19x19xi32> to vector<19x19xf32>
    %mul3A = arith.mulf %add3A, %convert_element_type3A_8 : vector<19x19xf32>
    %reduce_sum3A_9 = arith.constant dense<0.000000e+00> : vector<19xf32>
    %reduce_sum3A_10 = vector.multi_reduction <add>, %mul3A, %reduce_sum3A_9 [1] : vector<19x19xf32> to vector<19xf32>
    %reduce_sum3A_11 = arith.constant dense<0.000000e+00> : vector<19xf32>
    %reduce_sum3A_12 = vector.multi_reduction <add>, %add3A, %reduce_sum3A_11 [1] : vector<19x19xf32> to vector<19xf32>
    %reduce_sum3A_13 = arith.constant dense<0.000000e+00> : vector<19xf32>
    %reduce_sum3A_14 = vector.multi_reduction <add>, %add3A, %reduce_sum3A_13 [0] : vector<19x19xf32> to vector<19xf32>
    %add3A_15 = arith.addf %reduce_sum3A_12, %reduce_sum3A_14 : vector<19xf32>
    %sub3A = arith.subf %add3A_15, %reduce_sum3A_10 : vector<19xf32>
    %add3A_16 = arith.constant 1.1920929E-7 : f32
    %add3A_17 = vector.broadcast %add3A_16 : f32 to vector<19xf32>
    %add3A_18 = arith.addf %sub3A, %add3A_17 : vector<19xf32>
    %div3A = arith.divf %reduce_sum3A_10, %add3A_18 : vector<19xf32>
    %reduce_sum3A_19 = vector.shape_cast %div3A : vector<19xf32> to vector<1x19xf32>
    %reduce_sum3A_20 = arith.constant dense<0.000000e+00> : vector<1xf32>
    %reduce_sum3A_21 = vector.multi_reduction <add>, %reduce_sum3A_19, %reduce_sum3A_20 [1] : vector<1x19xf32> to vector<1xf32>
    %reduce_sum3A_22 = vector.shape_cast %reduce_sum3A_21 : vector<1xf32> to vector<1x1xf32>
    %reduce_sum3A_23 = vector.extract %reduce_sum3A_22[0, 0] : f32 from vector<1x1xf32>
    %mul3A_24 = arith.constant 5.26315784 : f32
    %mul3A_25 = arith.mulf %reduce_sum3A_23, %mul3A_24 : f32
    %reshape3A = vector.broadcast %mul3A_25 : f32 to vector<1x1xf32>
    %swap3A = arith.constant 0 : index
    %swap3A_26 = arith.constant 0 : index
    %swap3A_27 = vector.load %arg2[%swap3A, %swap3A_26] : memref<1x1xf32, #tpu.memory_space<vmem>>, vector<1x1xf32>
    tpu.vector_store %arg2[%swap3A, %swap3A_26], %reshape3A {strides = array<i32>} : memref<1x1xf32, #tpu.memory_space<vmem>>, vector<1x1xf32>,
    return
  }
}

</mosaic_0001>

<sc_bundles>
// kernel: kernel.5.cloned.1.call-start
scs
__scs_entry_jumppad:
0x0: {  	(pc) =	sbr.rel $0x88, $3  }
0x1: {  	(tag) =	ssettag $0x0;
	lr =	simm.s32 $0x1  }
0x2: {  	[smem:$0x3F9F] =	sst lr;
	_ =	strace $0xD0000000  }
0x3: {  	_ = 	snop  }
0x4: {  	_ = 	snop  }
0x5: {  	_ = 	snop  }
0x6: {  	_ = 	snop  }
0x7: {  	_ = 	snop  }
__scs_overlays_trampoline_lowered:
0x8: {  	[smem:$0x3FAE] =	sst s0  }
0x9: {  	[smem:$0x3FAF] =	sst s1  }
0xa: {  	[smem:$0x3FB0] =	sst s2  }
0xb: {  	[smem:$0x3FB1] =	sst s3  }
0xc: {  	[smem:$0x3FB2] =	sst s4  }
0xd: {  	[smem:$0x3FB3] =	sst s5  }
0xe: {  	[smem:$0x3FB4] =	sst s6  }
0xf: {  	[smem:$0x3FB5] =	sst s7  }
0x10: {  	[smem:$0x3FB6] =	sst s8  }
0x11: {  	[smem:$0x3FB7] =	sst s9;
	s0 =	simm.s32 @!p0 $0x0  }
0x12: {  	s1 =	sld [smem:$0x3F9D];
	s0 =	simm.s32 @p0 $0x1  }
0x13: {  	[smem:$0x3FB8] =	sst s0;
	s0 =	simm.s32 @!p1 $0x0  }
0x14: {  	s2 =	sld [smem:$0x3F9C];
	s0 =	simm.s32 @p1 $0x1  }
0x15: {  	[smem:$0x3FB9] =	sst s0;
	s0 =	simm.s32 @!p2 $0x0  }
0x16: {  	s3 =	sld [smem:$0x3FDB];
	s0 =	simm.s32 @p2 $0x1  }
0x17: {  	s4 =	simm.s32 $0x1BF5;
	[smem:$0x3FBB] =	sst s0  }
0x18: {  	s0 =	sld [smem:$0x3F9E];
	_ =	swait.ge [sflag:s4], $0x0  }
0x19: {  	s7 =	sld [smem:$0x3F9F]  }
0x1a: {  	s8 =	sadd.s32 $0xFFFFE003, lr  }
0x1b: {  	s9 =	sadd.s32 $0xFFFFFEF7, lr;
	s5 =	simm.s32 $0xFFFFFFFF;
	p2 =	slt.u32 s8, $0xFFFFF086  }
0x1c: {  	p1 =	slt.u32 s9, $0xF7A;
	s5 =	simm.s32 @!p2 $0x0  }
0x1d: {  	s5 =	simm.s32 @p1 $0x1;
	p0 =	seq.s32 s7, s2  }
0x1e: {  	s7 =	smul.u32 @!p0 $0xF7A, s2;
	p2 =	seq.s32 @!p0 s5, $0x0  }
0x1f: {  	s9 =	smul.u32 $0xF7A, s1;
	s8 =	simm.s32 @!p0 $0x1BF5;
	p2 =	por !p2, p0  }
0x20: {  	[sflag:s8] =	ssyncset.s32 @!p0 $0xFFFFF086;
	s6 =	sadd.s32 @!p0 s3, s7;
	s7 =	simm.s32 @!p0 $0x108  }
0x21: {  	s3 =	sadd.s32 s3, s9;
	s6 =	sadd.s32 @!p0 $0x88, s6;
	s7 =	simm.s32 @p2 $0x1082  }
0x22: {  	[simem:s7], [sflag:s8] =	dma.local @!p0 [hbm:s6], $0xF7A  }
0x23: {  	s9 =	sor.u32 $0xD0000000, s2;
	s6 =	simm.s32 $0x108;
	_ =	swait.ge @!p0 [sflag:s8], $0x0  }
0x24: {  	s3 =	sadd.s32 $0x88, s3;
	s6 =	simm.s32 @!p1 $0x1082;
	[sflag:s4] =	ssyncset.s32 $0xFFFFF086  }
0x25: {  	[simem:s6], [sflag:s4] =	dma.local [hbm:s3], $0xF7A  }
0x26: {  	[smem:$0x3F9F] =	sst s1;
	(tag) =	ssettag s2;
	_ =	strace s9  }
0x27: {  	s1 =	sld [smem:$0x3FAF]  }
0x28: {  	s2 =	sld [smem:$0x3FB0]  }
0x29: {  	s4 =	sld [smem:$0x3FB2]  }
0x2a: {  	p0 =	seq.s32 s5, $0x0;
	s5 =	sld [smem:$0x3FB3]  }
0x2b: {  	s6 =	sld [smem:$0x3FB4]  }
0x2c: {  	s7 =	sld [smem:$0x3FB5]  }
0x2d: {  	s3 =	simm.s32 $0x108;
	s8 =	sld [smem:$0x3FB6]  }
0x2e: {  	s3 =	simm.s32 @!p0 $0x1082;
	s9 =	sld [smem:$0x3FB7]  }
0x2f: {  	lr =	sadd.s32 s0, s3;
	s0 =	sld [smem:$0x3FAE]  }
0x30: {  	s3 =	sld [smem:$0x3FB1]  }
0x31: {  	[smem:$0x3FBA] =	sst s10  }
0x32: {  	s10 =	sld [smem:$0x3FB8];
	_ =	sdelay $0x3  }
0x33: {  	p0 =	seq.s32 s10, $0x1;
	s10 =	sld [smem:$0x3FBA];
	_ =	sdelay $0x3  }
0x34: {  	[smem:$0x3FBA] =	sst s10  }
0x35: {  	s10 =	sld [smem:$0x3FB9];
	_ =	sdelay $0x3  }
0x36: {  	p1 =	seq.s32 s10, $0x1;
	s10 =	sld [smem:$0x3FBA];
	_ =	sdelay $0x3  }
0x37: {  	[smem:$0x3FBA] =	sst s10  }
0x38: {  	s10 =	sld [smem:$0x3FBB]  }
0x39: {  	_ = 	snop;
	(pc) =	sbr.ind lr, $3  }
0x3a: {  	_ = 	snop  }
0x3b: {  	_ = 	snop  }
0x3c: {  	p2 =	seq.s32 s10, $0x1;
	s10 =	sld [smem:$0x3FBA]  }
0x3d: {  	_ =	shalt  }
0x3e: {  	_ =	shalt  }
0x3f: {  	_ =	shalt  }
0x40: {  	_ =	shalt  }
0x41: {  	_ =	shalt  }
0x42: {  	_ =	shalt  }
0x43: {  	_ =	shalt  }
0x44: {  	_ =	shalt  }
0x45: {  	_ =	shalt  }
0x46: {  	_ =	shalt  }
0x47: {  	_ =	shalt  }
0x48: {  	_ =	shalt  }
0x49: {  	_ =	shalt  }
0x4a: {  	_ =	shalt  }
0x4b: {  	_ =	shalt  }
0x4c: {  	_ =	shalt  }
0x4d: {  	_ =	shalt  }
0x4e: {  	_ =	shalt  }
0x4f: {  	_ =	shalt  }
0x50: {  	_ =	shalt  }
0x51: {  	_ =	shalt  }
0x52: {  	_ =	shalt  }
0x53: {  	_ =	shalt  }
0x54: {  	_ =	shalt  }
0x55: {  	_ =	shalt  }
0x56: {  	_ =	shalt  }
0x57: {  	_ =	shalt  }
0x58: {  	_ =	shalt  }
0x59: {  	_ =	shalt  }
0x5a: {  	_ =	shalt  }
0x5b: {  	_ =	shalt  }
0x5c: {  	_ =	shalt  }
0x5d: {  	_ =	shalt  }
0x5e: {  	_ =	shalt  }
0x5f: {  	_ =	shalt  }
0x60: {  	_ =	shalt  }
0x61: {  	_ =	shalt  }
0x62: {  	_ =	shalt  }
0x63: {  	_ =	shalt  }
0x64: {  	_ =	shalt  }
0x65: {  	_ =	shalt  }
0x66: {  	_ =	shalt  }
0x67: {  	_ =	shalt  }
0x68: {  	_ =	shalt  }
0x69: {  	_ =	shalt  }
0x6a: {  	_ =	shalt  }
0x6b: {  	_ =	shalt  }
0x6c: {  	_ =	shalt  }
0x6d: {  	_ =	shalt  }
0x6e: {  	_ =	shalt  }
0x6f: {  	_ =	shalt  }
0x70: {  	_ =	shalt  }
0x71: {  	_ =	shalt  }
0x72: {  	_ =	shalt  }
0x73: {  	_ =	shalt  }
0x74: {  	_ =	shalt  }
0x75: {  	_ =	shalt  }
0x76: {  	_ =	shalt  }
0x77: {  	_ =	shalt  }
0x78: {  	_ =	shalt  }
0x79: {  	_ =	shalt  }
0x7a: {  	_ =	shalt  }
0x7b: {  	_ =	shalt  }
0x7c: {  	_ =	shalt  }
0x7d: {  	_ =	shalt  }
0x7e: {  	_ =	shalt  }
0x7f: {  	_ =	shalt  }
0x80: {  	_ =	shalt  }
0x81: {  	_ =	shalt  }
0x82: {  	_ =	shalt  }
0x83: {  	_ =	shalt  }
0x84: {  	_ =	shalt  }
0x85: {  	_ =	shalt  }
0x86: {  	_ =	shalt  }
0x87: {  	_ =	shalt  }
.Lfunc_end0:
.L_simem_size_0:
called_computation_lowered:
.L_overlay_start_0:
0x88: {  	s2 =	sld [smem:$0x3FD9]  }
0x89: {  	s3 =	sld [smem:$0x3FFE];
	_ =	sdelay $0x1  }
0x8a: {  	s1 =	srdreg.scid  }
0x8b: {  	s0 =	sand.u32 $0x1, s1  }
0x8c: {  	s17 =	sshll.u32 s0, $0xA;
	s2 =	sadd.s32 s3, s2  }
0x8d: {  	s2 =	sadd.s32 s2, s17  }
0x8e: {  	[smem:$0x3FC6] =	sst s2  }
0x8f: {  	_ = 	snop  }
0x90: {  	s2 =	sld [smem:$0x3FC9]  }
0x91: {  	s18 =	sld [smem:$0x3FC8];
	(tm) =	ssettm $0x1  }
0x92: {  	s4 =	sld [smem:$0x3FFB];
	_ =	sdelay $0x3  }
0x93: {  	_ =	strace s4  }
0x94: {  	s4 =	sld [smem:$0x3FFC];
	_ =	sdelay $0x3  }
0x95: {  	_ =	strace s4  }
0x96: {  	s4 =	sld [smem:$0x3FFD];
	_ =	sdelay $0x3  }
0x97: {  	_ =	strace s4  }
0x98: {  	_ =	strace $0x8FFFFFFF  }
0x99: {  	s19 =	sld [smem:$0x3FDB];
	_ =	sdelay $0x1  }
0x9a: {  	s5 =	simm.s32 $_scs_section_size  }
0x9b: {  	s6 =	simm.s32 $_size__tile_overlayer_lowered;
	s7 =	simm.s32 $_tile_overlayer_lowered  }
0x9c: {  	s22 =	simm.s32 $0x1BFF;
	s21 =	sshll.u32 s7, $0x1;
	s4 =	sadd.s32 s5, s19  }
0x9d: {  	s8 =	simm.s32 $0x0;
	s20 =	sshll.u32 s6, $0x1;
	s6 =	sadd.s32 s21, s4  }
0x9e: {  	[timem:s8], [sflag:s22] =	dma.local [hbm:s6], s20  }
0x9f: {  	_ =	swait.ge [sflag:s22], s20  }
0xa0: {  	s5 =	ssub.s32 $0x0, s20;
	[sflag:s22] =	ssyncset.done $0x0  }
0xa1: {  	[sflag:s22] =	ssyncadd.s32 s5;
	_ =	sdelay $0x1  }
0xa2: {  	s23 =	simm.s32 $0x1B8B  }
0xa3: {  	_ =	swait.ge [sflag:s23], $0x1  }
0xa4: {  	[sflag:s23] =	ssyncset.done $0x0  }
0xa5: {  	s25 =	simm.s32 $0x1B8E;
	s24 =	sld [smem:$0x3FFE];
	[sflag:s23] =	ssyncadd.s32 $0xFFFFFFFF  }
0xa6: {  	s26 =	simm.s32 $execute0_lowered;
	[smem:$0x3FD2] =	sst s25  }
0xa7: {  	s6 =	sshll.u32 s26, $0x1;
	_ =	strace $0x80000046;
	[dreg:$0x1] =	wrdreg $0xFFFFFFFF  }
0xa8: {  	s28 =	simm.s32 $_size_execute0_lowered;
	s4 =	sadd.s32 s4, s6;
	[dreg:$0x0] =	wrdreg $0x0  }
0xa9: {  	s6 =	sshll.u32 s28, $0x1;
	[dreg:$0x2] =	wrdreg s4  }
0xaa: {  	[dreg:$0x3] =	wrdreg s6  }
0xab: {  	[dreg:$0x4] =	wrdreg $0xC0  }
0xac: {  	_ =	task [dreg:s8], $0x5FFFF  }
0xad: {  	[dreg:$0x1] =	wrdreg $0xFFFFFFFF  }
0xae: {  	[dreg:$0x0] =	wrdreg $0x60  }
0xaf: {  	[dreg:$0x2] =	wrdreg s2  }
0xb0: {  	[dreg:$0x3] =	wrdreg s18  }
0xb1: {  	[dreg:$0x4] =	wrdreg s24  }
0xb2: {  	[dreg:$0x5] =	wrdreg $0x9  }
0xb3: {  	_ =	task.clear_ibuf [dreg:s8], $0x6FFFF;
	_ =	strace $0x90000046  }
0xb4: {  	s29 =	simm.s32 $0x9;
	_ =	strace $0x80000048  }
0xb5: {  	_ =	swait.ge [sflag:s29], $0x1  }
0xb6: {  	[sflag:s29] =	ssyncadd.s32 $0xFFFFFFFF  }
0xb7: {  	_ =	strace $0x90000048  }
0xb8: {  	_ =	sfence  }
0xb9: {  	s30 =	sld [smem:$0x0];
	_ =	sdelay $0x2  }
0xba: {  	s31 =	sshll.u32 s1, $0xD;
	s1 =	sshrl.u32 s1, $0x2  }
0xbb: {  	s3 =	sand.u32 $0x4000, s31;
	s1 =	sadd.s32 s1, s30  }
0xbc: {  	s0 =	sor.u32 s3, s0;
	s1 =	sshll.u32 s1, $0x11  }
0xbd: {  	s0 =	sor.u32 s1, s0  }
0xbe: {  	s0 =	sadd.s32 $0x8F2B, s0  }
0xbf: {  	[sflag:s0] =	ssyncadd.remote.s32 $0x1  }
0xc0: {  	_ =	sfence.sel $0xFFFF  }
0xc1: {  	[dreg:$0x0] =	wrdreg $0xFFFFFFFF;
	(pc) =	sbr.abs _section_cstart, $3  }
0xc2: {  	[dreg:$0x1] =	wrdreg $0xFFFFFFFF  }
0xc3: {  	_ =	task.clear_ibuf [dreg:s8], $0x2FFFF;
	_ =	strace $0x9FFFFFFF  }
0xc4: {  	(tm) =	ssettm $0x7FFFFFFF  }
0xc5: {  	_ =	shalt  }
tec
execute0_lowered:
.L_overlay_start_1:
0x0: {  	(tag) =	ssettag $0x1  }
0x1: {  	s0 =	rddreg [dreg:$0x0]  }
0x2: {  	s2 =	srdreg.scid;
	s6 =	stileid.u32  }
0x3: {  	s1 =	rddreg [dreg:$0x1];
	s4 =	sand.u32 $0x1, s2;
	s25 =	sshll.u32 s6, $0x1  }
0x4: {  	s3 =	rddreg [dreg:$0x2];
	s6 =	sshrl.u32 s6, $0x2;
	s5 =	sor.u32 s4, s25  }
0x5: {  	s2 =	simm.s32 $0x0;
	s8 =	smul.u32 $0x4C0000, s6;
	s7 =	sshll.u32 s5, $0xD  }
0x6: {  	[smem:$0x7FF] =	sst s2;
	s6 =	sshll.u32 s6, $0x12;
	s9 =	sor.u32 $0x30000, s7  }
0x7: {  	s5 =	smul.u32 $0x4C, s5;
	s10 =	sor.u32 s8, s9;
	s9 =	sor.u32 s6, s9  }
0x8: {  	s4 =	ssub.s32 $0x2, s4;
	s10 =	sshrl.u32 s10, $0x3;
	s25 =	sshrl.u32 s9, $0x3  }
0x9: {  	s5 =	sadd.s32 s5, s3;
	s3 =	sadd.s32 s0, s10;
	s9 =	sadd.s32 s1, s25  }
0xa: {  	_ =	strace $0x80000047;
	s10 =	sadd.s32 $0x8000, s3;
	[dreg:$0x14] =	wrdreg s9  }
0xb: {  	s11 =	sshrl.u32 s4, $0x1;
	s26 =	sadd.s32 $0x10000, s3;
	[dreg:$0x4] =	wrdreg s10  }
0xc: {  	s4 =	ssub.s32 s4, s11;
	s11 =	sadd.s32 $0x18000, s3;
	[dreg:$0x5] =	wrdreg s26  }
0xd: {  	s12 =	sadd.s32 $0x20000, s3;
	[dreg:$0x6] =	wrdreg s11  }
0xe: {  	s13 =	sadd.s32 $0x28000, s3;
	[dreg:$0x7] =	wrdreg s12  }
0xf: {  	s14 =	sadd.s32 $0x30000, s3;
	[dreg:$0x8] =	wrdreg s13  }
0x10: {  	s15 =	sadd.s32 $0x38000, s3;
	[dreg:$0x9] =	wrdreg s14  }
0x11: {  	s16 =	sadd.s32 $0x40000, s3;
	[dreg:$0xa] =	wrdreg s15  }
0x12: {  	s17 =	sadd.s32 $0x48000, s3;
	[dreg:$0xb] =	wrdreg s16  }
0x13: {  	s18 =	sadd.s32 $0x50000, s3;
	[dreg:$0xc] =	wrdreg s17  }
0x14: {  	s19 =	sadd.s32 $0x58000, s3;
	[dreg:$0xd] =	wrdreg s18  }
0x15: {  	s20 =	sadd.s32 $0x60000, s3;
	[dreg:$0xe] =	wrdreg s19  }
0x16: {  	s21 =	sadd.s32 $0x68000, s3;
	[dreg:$0xf] =	wrdreg s20  }
0x17: {  	s7 =	sor.u32 $0x31000, s7;
	s22 =	sadd.s32 $0x70000, s3;
	[dreg:$0x10] =	wrdreg s21  }
0x18: {  	s8 =	sor.u32 s8, s7;
	s23 =	sadd.s32 $0x78000, s3;
	[dreg:$0x11] =	wrdreg s22  }
0x19: {  	s6 =	sor.u32 s6, s7;
	s7 =	sadd.s32 $0x80000, s3;
	[dreg:$0x12] =	wrdreg s23  }
0x1a: {  	[dreg:$0x13] =	wrdreg s7;
	s10 =	sadd.s32 $0x88000, s3  }
0x1b: {  	s11 =	sadd.s32 $0x600, s5;
	[dreg:$0x16] =	wrdreg s10  }
0x1c: {  	s24 =	sshrl.u32 s8, $0x3;
	s12 =	smax.u32 s4, $0x1;
	[dreg:$0x17] =	wrdreg s11  }
0x1d: {  	s26 =	sshrl.u32 s6, $0x3;
	s13 =	sadd.s32 $0x90000, s3;
	[dreg:$0x18] =	wrdreg s12  }
0x1e: {  	s19 =	sadd.s32 s0, s24;
	s0 =	sadd.s32 s1, s26;
	[dreg:$0x19] =	wrdreg s13  }
0x1f: {  	s14 =	sadd.s32 $0x8000, s19;
	[dreg:$0x15] =	wrdreg s0  }
0x20: {  	s15 =	sadd.s32 $0x10000, s19;
	[dreg:$0x1a] =	wrdreg s14  }
0x21: {  	s28 =	simm.s32 $0xB000;
	s16 =	sadd.s32 $0x18000, s19;
	[dreg:$0x1b] =	wrdreg s15  }
0x22: {  	s29 =	simm.s32 $0xC000;
	s17 =	sadd.s32 $0x20000, s19;
	[dreg:$0x1c] =	wrdreg s16  }
0x23: {  	s30 =	simm.s32 $0xD000;
	s18 =	sadd.s32 $0x28000, s19;
	[dreg:$0x1d] =	wrdreg s17  }
0x24: {  	s31 =	simm.s32 $0xE000;
	s20 =	sadd.s32 $0x30000, s19;
	[dreg:$0x1e] =	wrdreg s18  }
0x25: {  	s4 =	simm.s32 $0x13000;
	s21 =	sadd.s32 $0x38000, s19;
	[dreg:$0x1f] =	wrdreg s20  }
0x26: {  	s5 =	simm.s32 $0x14000;
	s22 =	sadd.s32 $0x40000, s19;
	[smem:$0x7F8] =	sst s21  }
0x27: {  	s6 =	simm.s32 $0x0;
	s23 =	sadd.s32 $0x48000, s19;
	[smem:$0x7F9] =	sst s22  }
0x28: {  	s24 =	sadd.s32 $0x50000, s19;
	s25 =	sadd.s32 $0x58000, s19;
	[smem:$0x7FA] =	sst s23  }
0x29: {  	s26 =	sadd.s32 $0x60000, s19;
	s10 =	sadd.s32 $0x68000, s19;
	[smem:$0x7FB] =	sst s24  }
0x2a: {  	s11 =	sadd.s32 $0x70000, s19;
	s12 =	sadd.s32 $0x78000, s19;
	[smem:$0x7FC] =	sst s25  }
0x2b: {  	s13 =	sadd.s32 $0x80000, s19;
	s1 =	simm.s32 $0xF000;
	[smem:$0x7FD] =	sst s26  }
0x2c: {  	s14 =	sadd.s32 $0x88000, s19;
	s15 =	sadd.s32 $0x90000, s19;
	s25 =	simm.s32 $0x9000  }
0x2d: {  	s26 =	simm.s32 $0xA000;
	s16 =	simm.s32 $0x10000;
	s0 =	simm.s32 $0x11000  }
0x2e: {  	v0 =	vimm.f32 $0.0e+00;
	v1 =	vimm.s32 $0x0;
	v2 =	vimm.f32 $1.000000000e+00;
	s17 =	simm.s32 $0x12000;
	s18 =	simm.s32 $0x1;
	s20 =	simm.s32 $0x2  }
.LBB2_1:
0x2f: {  	[tilespmem:$0x14000] =	vst v0  }
0x30: {  	[tilespmem:$0x14010] =	vst v0  }
0x31: {  	[tilespmem:$0x14020] =	vst v0  }
0x32: {  	[tilespmem:$0x14030] =	vst v0  }
0x33: {  	[tilespmem:$0x14040] =	vst v0  }
0x34: {  	[tilespmem:$0x14050] =	vst v0  }
0x35: {  	[tilespmem:$0x14060] =	vst v0  }
0x36: {  	[tilespmem:$0x14070] =	vst v0  }
0x37: {  	[tilespmem:$0x14080] =	vst v0  }
0x38: {  	[tilespmem:$0x14090] =	vst v0  }
0x39: {  	[tilespmem:$0x140A0] =	vst v0  }
0x3a: {  	[tilespmem:$0x140B0] =	vst v0  }
0x3b: {  	[tilespmem:$0x140C0] =	vst v0  }
0x3c: {  	[tilespmem:$0x140D0] =	vst v0  }
0x3d: {  	[tilespmem:$0x140E0] =	vst v0  }
0x3e: {  	[tilespmem:$0x140F0] =	vst v0  }
0x3f: {  	[tilespmem:$0x14100] =	vst v0  }
0x40: {  	[tilespmem:$0x14110] =	vst v0  }
0x41: {  	[tilespmem:$0x14120] =	vst v0  }
0x42: {  	[tilespmem:$0x14130] =	vst v0  }
0x43: {  	[tilespmem:$0x14140] =	vst v0  }
0x44: {  	[tilespmem:$0x14150] =	vst v0  }
0x45: {  	[tilespmem:$0x14160] =	vst v0  }
0x46: {  	[tilespmem:$0x14170] =	vst v0  }
0x47: {  	[tilespmem:$0x14180] =	vst v0  }
0x48: {  	[tilespmem:$0x14190] =	vst v0  }
0x49: {  	[tilespmem:$0x141A0] =	vst v0  }
0x4a: {  	[tilespmem:$0x141B0] =	vst v0  }
0x4b: {  	[tilespmem:$0x141C0] =	vst v0  }
0x4c: {  	[tilespmem:$0x141D0] =	vst v0  }
0x4d: {  	[tilespmem:$0x141E0] =	vst v0  }
0x4e: {  	[tilespmem:$0x141F0] =	vst v0  }
0x4f: {  	[tilespmem:$0x14200] =	vst v0  }
0x50: {  	[tilespmem:$0x14210] =	vst v0  }
0x51: {  	[tilespmem:$0x14220] =	vst v0  }
0x52: {  	[tilespmem:$0x14230] =	vst v0  }
0x53: {  	[tilespmem:$0x14240] =	vst v0  }
0x54: {  	[tilespmem:$0x14250] =	vst v0  }
0x55: {  	[tilespmem:s2], [sflag:$0x1] =	stream.linear.gather [hbm4b:s3+s2], $0x1000, $0x38;
	[tilespmem:$0x14280] =	vst v63  }
0x56: {  	s7 =	rddreg [dreg:$0x4];
	s8 =	simm.s32 $0x1000  }
0x57: {  	[tilespmem:s8], [sflag:$0x1] =	stream.linear.gather [hbm4b:s7+s2], $0x1000, $0x38;
	[tilespmem:$0x14280] =	vst v63  }
0x58: {  	s21 =	rddreg [dreg:$0x5];
	s22 =	simm.s32 $0x2000  }
0x59: {  	[tilespmem:s22], [sflag:$0x1] =	stream.linear.gather [hbm4b:s21+s2], $0x1000, $0x38;
	[tilespmem:$0x14280] =	vst v63  }
0x5a: {  	s23 =	rddreg [dreg:$0x6];
	s24 =	simm.s32 $0x3000  }
0x5b: {  	[tilespmem:s24], [sflag:$0x1] =	stream.linear.gather [hbm4b:s23+s2], $0x1000, $0x38;
	[tilespmem:$0x14280] =	vst v63  }
0x5c: {  	s9 =	simm.s32 $0x4000;
	s8 =	rddreg [dreg:$0x7]  }
0x5d: {  	[tilespmem:s9], [sflag:$0x1] =	stream.linear.gather [hbm4b:s8+s2], $0x1000, $0x38;
	[tilespmem:$0x14280] =	vst v63  }
0x5e: {  	s21 =	rddreg [dreg:$0x8];
	s22 =	simm.s32 $0x5000  }
0x5f: {  	[tilespmem:s22], [sflag:$0x1] =	stream.linear.gather [hbm4b:s21+s2], $0x1000, $0x38;
	[tilespmem:$0x14280] =	vst v63  }
0x60: {  	s23 =	rddreg [dreg:$0x9];
	s24 =	simm.s32 $0x6000  }
0x61: {  	[tilespmem:s24], [sflag:$0x1] =	stream.linear.gather [hbm4b:s23+s2], $0x1000, $0x38;
	[tilespmem:$0x14280] =	vst v63  }
0x62: {  	s8 =	rddreg [dreg:$0xa];
	s9 =	simm.s32 $0x7000  }
0x63: {  	[tilespmem:s9], [sflag:$0x1] =	stream.linear.gather [hbm4b:s8+s2], $0x1000, $0x38;
	[tilespmem:$0x14280] =	vst v63  }
0x64: {  	s21 =	rddreg [dreg:$0xb];
	s22 =	simm.s32 $0x8000  }
0x65: {  	[tilespmem:s22], [sflag:$0x1] =	stream.linear.gather [hbm4b:s21+s2], $0x1000, $0x38;
	[tilespmem:$0x14280] =	vst v63  }
0x66: {  	s23 =	rddreg [dreg:$0xc]  }
0x67: {  	[tilespmem:s25], [sflag:$0x1] =	stream.linear.gather [hbm4b:s23+s2], $0x1000, $0x38;
	[tilespmem:$0x14280] =	vst v63  }
0x68: {  	s24 =	rddreg [dreg:$0xd]  }
0x69: {  	[tilespmem:s26], [sflag:$0x1] =	stream.linear.gather [hbm4b:s24+s2], $0x1000, $0x38;
	[tilespmem:$0x14280] =	vst v63  }
0x6a: {  	s8 =	rddreg [dreg:$0xe]  }
0x6b: {  	[tilespmem:s28], [sflag:$0x1] =	stream.linear.gather [hbm4b:s8+s2], $0x1000, $0x38;
	[tilespmem:$0x14280] =	vst v63  }
0x6c: {  	s9 =	rddreg [dreg:$0xf]  }
0x6d: {  	[tilespmem:s29], [sflag:$0x1] =	stream.linear.gather [hbm4b:s9+s2], $0x1000, $0x38;
	[tilespmem:$0x14280] =	vst v63  }
0x6e: {  	s21 =	rddreg [dreg:$0x10]  }
0x6f: {  	[tilespmem:s30], [sflag:$0x1] =	stream.linear.gather [hbm4b:s21+s2], $0x1000, $0x38;
	[tilespmem:$0x14280] =	vst v63  }
0x70: {  	s22 =	rddreg [dreg:$0x11]  }
0x71: {  	[tilespmem:s31], [sflag:$0x1] =	stream.linear.gather [hbm4b:s22+s2], $0x1000, $0x38;
	[tilespmem:$0x14280] =	vst v63  }
0x72: {  	s23 =	rddreg [dreg:$0x12]  }
0x73: {  	[tilespmem:s1], [sflag:$0x1] =	stream.linear.gather [hbm4b:s23+s2], $0x1000, $0x38;
	[tilespmem:$0x14280] =	vst v63  }
0x74: {  	s24 =	rddreg [dreg:$0x13]  }
0x75: {  	[tilespmem:s16], [sflag:$0x1] =	stream.linear.gather [hbm4b:s24+s2], $0x1000, $0x38;
	[tilespmem:$0x14280] =	vst v63  }
0x76: {  	s8 =	rddreg [dreg:$0x16]  }
0x77: {  	[tilespmem:s0], [sflag:$0x1] =	stream.linear.gather [hbm4b:s8+s2], $0x1000, $0x38;
	[tilespmem:$0x14280] =	vst v63  }
0x78: {  	s9 =	rddreg [dreg:$0x19]  }
0x79: {  	[tilespmem:s17], [sflag:$0x1] =	stream.linear.gather [hbm4b:s9+s2], $0x1000, $0x38;
	[tilespmem:$0x14280] =	vst v63  }
0x7a: {  	s21 =	rddreg [dreg:$0x14]  }
0x7b: {  	[tilespmem:s4], [sflag:$0x1] =	stream.linear.gather [hbm4b:s21+s2], $0x1000, $0x38;
	[tilespmem:$0x14280] =	vst v63  }
0x7c: {  	_ =	swait.ge [sflag:s18], $0x1000  }
0x7d: {  	[sflag:s18] =	ssyncset.done $0x0  }
0x7e: {  	[sflag:s18] =	ssyncadd.s32 $0xFFFFF000  }
0x7f: {  	_ =	swait.ge [sflag:s18], $0x1000  }
0x80: {  	[sflag:s18] =	ssyncset.done $0x0  }
0x81: {  	[sflag:s18] =	ssyncadd.s32 $0xFFFFF000  }
0x82: {  	_ =	swait.ge [sflag:s18], $0x1000  }
0x83: {  	[sflag:s18] =	ssyncset.done $0x0  }
0x84: {  	[sflag:s18] =	ssyncadd.s32 $0xFFFFF000  }
0x85: {  	_ =	swait.ge [sflag:s18], $0x1000  }
0x86: {  	[sflag:s18] =	ssyncset.done $0x0  }
0x87: {  	[sflag:s18] =	ssyncadd.s32 $0xFFFFF000  }
0x88: {  	_ =	swait.ge [sflag:s18], $0x1000  }
0x89: {  	[sflag:s18] =	ssyncset.done $0x0  }
0x8a: {  	[sflag:s18] =	ssyncadd.s32 $0xFFFFF000  }
0x8b: {  	_ =	swait.ge [sflag:s18], $0x1000  }
0x8c: {  	[sflag:s18] =	ssyncset.done $0x0  }
0x8d: {  	[sflag:s18] =	ssyncadd.s32 $0xFFFFF000  }
0x8e: {  	_ =	swait.ge [sflag:s18], $0x1000  }
0x8f: {  	[sflag:s18] =	ssyncset.done $0x0  }
0x90: {  	[sflag:s18] =	ssyncadd.s32 $0xFFFFF000  }
0x91: {  	_ =	swait.ge [sflag:s18], $0x1000  }
0x92: {  	[sflag:s18] =	ssyncset.done $0x0  }
0x93: {  	[sflag:s18] =	ssyncadd.s32 $0xFFFFF000  }
0x94: {  	_ =	swait.ge [sflag:s18], $0x1000  }
0x95: {  	[sflag:s18] =	ssyncset.done $0x0  }
0x96: {  	[sflag:s18] =	ssyncadd.s32 $0xFFFFF000  }
0x97: {  	_ =	swait.ge [sflag:s18], $0x1000  }
0x98: {  	[sflag:s18] =	ssyncset.done $0x0  }
0x99: {  	[sflag:s18] =	ssyncadd.s32 $0xFFFFF000  }
0x9a: {  	_ =	swait.ge [sflag:s18], $0x1000  }
0x9b: {  	[sflag:s18] =	ssyncset.done $0x0  }
0x9c: {  	[sflag:s18] =	ssyncadd.s32 $0xFFFFF000  }
0x9d: {  	_ =	swait.ge [sflag:s18], $0x1000  }
0x9e: {  	[sflag:s18] =	ssyncset.done $0x0  }
0x9f: {  	[sflag:s18] =	ssyncadd.s32 $0xFFFFF000  }
0xa0: {  	_ =	swait.ge [sflag:s18], $0x1000  }
0xa1: {  	[sflag:s18] =	ssyncset.done $0x0  }
0xa2: {  	[sflag:s18] =	ssyncadd.s32 $0xFFFFF000  }
0xa3: {  	_ =	swait.ge [sflag:s18], $0x1000  }
0xa4: {  	[sflag:s18] =	ssyncset.done $0x0  }
0xa5: {  	[sflag:s18] =	ssyncadd.s32 $0xFFFFF000  }
0xa6: {  	_ =	swait.ge [sflag:s18], $0x1000  }
0xa7: {  	[sflag:s18] =	ssyncset.done $0x0  }
0xa8: {  	[sflag:s18] =	ssyncadd.s32 $0xFFFFF000  }
0xa9: {  	_ =	swait.ge [sflag:s18], $0x1000  }
0xaa: {  	[sflag:s18] =	ssyncset.done $0x0  }
0xab: {  	[sflag:s18] =	ssyncadd.s32 $0xFFFFF000  }
0xac: {  	_ =	swait.ge [sflag:s18], $0x1000  }
0xad: {  	[sflag:s18] =	ssyncset.done $0x0  }
0xae: {  	[sflag:s18] =	ssyncadd.s32 $0xFFFFF000  }
0xaf: {  	_ =	swait.ge [sflag:s18], $0x1000  }
0xb0: {  	[sflag:s18] =	ssyncset.done $0x0  }
0xb1: {  	[sflag:s18] =	ssyncadd.s32 $0xFFFFF000  }
0xb2: {  	_ =	swait.ge [sflag:s18], $0x1000  }
0xb3: {  	s22 =	simm.s32 $0x0;
	[sflag:s18] =	ssyncset.done $0x0  }
0xb4: {  	s7 =	sand.u32 $0xFFFFFF80, s22;
	[sflag:s18] =	ssyncadd.s32 $0xFFFFF000  }
0xb5: {  	s23 =	sand.u32 $0xC00, s2;
	s9 =	sand.u32 $0x3FFFFF80, s22;
	_ =	swait.ge [sflag:s18], $0x1000  }
0xb6: {  	s9 =	sadd.s32 s23, s9;
	s21 =	sand.u32 $0x70, s2;
	[sflag:s18] =	ssyncset.done $0x0  }
0xb7: {  	s8 =	sadd.s32 s23, s7;
	s24 =	sor.u32 s21, s9;
	[sflag:s18] =	ssyncadd.s32 $0xFFFFF000  }
0xb8: {  	s8 =	sor.u32 s21, s8;
	v3 =	vld [tilespmem:s24+$0x1000]  }
0xb9: {  	v4 =	vld [tilespmem:s8+$0x0];
	_ =	sdelay $0x1  }
0xba: {  	v5 =	vld [tilespmem:s24+$0x2000];
	_ =	sdelay $0x1  }
0xbb: {  	v6 =	vld [tilespmem:s24+$0x3000]  }
0xbc: {  	vm0 =	vgt.f32 v3, v4  }
0xbd: {  	v3 =	vsel vm0, v3, v4;
	v4 =	vld [tilespmem:s24+$0x4000]  }
0xbe: {  	vm1 =	vgt.f32 v5, v3  }
0xbf: {  	v3 =	vsel vm1, v5, v3;
	v5 =	vld [tilespmem:s24+$0x5000]  }
0xc0: {  	vm2 =	vgt.f32 v6, v3  }
0xc1: {  	v59 =	vld [tilespmem:s24+$0x6000];
	v3 =	vsel vm2, v6, v3  }
0xc2: {  	vm3 =	vgt.f32 v4, v3  }
0xc3: {  	v3 =	vsel vm3, v4, v3;
	v4 =	vld [tilespmem:s24+$0x7000]  }
0xc4: {  	vm4 =	vgt.f32 v5, v3  }
0xc5: {  	v3 =	vsel vm4, v5, v3;
	v5 =	vld [tilespmem:s24+$0x8000]  }
0xc6: {  	vm5 =	vgt.f32 v59, v3  }
0xc7: {  	v60 =	vld [tilespmem:s24+$0x9000];
	v3 =	vsel vm5, v59, v3  }
0xc8: {  	vm6 =	vgt.f32 v4, v3  }
0xc9: {  	v3 =	vsel vm6, v4, v3;
	v4 =	vld [tilespmem:s24+$0xA000]  }
0xca: {  	vm7 =	vgt.f32 v5, v3  }
0xcb: {  	v3 =	vsel vm7, v5, v3;
	v5 =	vld [tilespmem:s24+$0xB000]  }
0xcc: {  	vm8 =	vgt.f32 v60, v3  }
0xcd: {  	v61 =	vld [tilespmem:s24+$0xC000];
	v3 =	vsel vm8, v60, v3  }
0xce: {  	v7 =	vsel vm0, $0x1, v1;
	vm0 =	vgt.f32 v4, v3  }
0xcf: {  	v7 =	vsel vm1, $0x2, v7;
	v3 =	vsel vm0, v4, v3;
	v4 =	vld [tilespmem:s24+$0xD000]  }
0xd0: {  	v7 =	vsel vm2, $0x3, v7;
	vm1 =	vgt.f32 v5, v3  }
0xd1: {  	v7 =	vsel vm3, $0x4, v7;
	v3 =	vsel vm1, v5, v3;
	v5 =	vld [tilespmem:s24+$0xE000]  }
0xd2: {  	v7 =	vsel vm4, $0x5, v7;
	vm2 =	vgt.f32 v61, v3  }
0xd3: {  	v62 =	vld [tilespmem:s24+$0xF000];
	v7 =	vsel vm5, $0x6, v7;
	v3 =	vsel vm2, v61, v3  }
0xd4: {  	v7 =	vsel vm6, $0x7, v7;
	vm3 =	vgt.f32 v4, v3  }
0xd5: {  	v7 =	vsel vm7, $0x8, v7;
	v3 =	vsel vm3, v4, v3;
	v4 =	vld [tilespmem:s24+$0x10000]  }
0xd6: {  	v7 =	vsel vm8, $0x9, v7;
	vm15 =	vgt.f32 v5, v3  }
0xd7: {  	v7 =	vsel vm0, $0xA, v7;
	v3 =	vsel vm15, v5, v3;
	v5 =	vld [tilespmem:s24+$0x11000]  }
0xd8: {  	v8 =	vld [tilespmem:s8+$0x13000];
	v7 =	vsel vm1, $0xB, v7;
	vm0 =	vgt.f32 v62, v3  }
0xd9: {  	v63 =	vld [tilespmem:s24+$0x12000];
	v7 =	vsel vm2, $0xC, v7;
	v3 =	vsel vm0, v62, v3  }
0xda: {  	v7 =	vsel vm3, $0xD, v7;
	vm1 =	vgt.f32 v4, v3  }
0xdb: {  	v7 =	vsel vm15, $0xE, v7;
	v3 =	vsel vm1, v4, v3  }
0xdc: {  	v4 =	vsel vm0, $0xF, v7;
	vm2 =	vgt.f32 v5, v3  }
0xdd: {  	vm0 =	vlt.u32 v8, $0x13;
	v4 =	vsel vm1, $0x10, v4;
	v3 =	vsel vm2, v5, v3  }
0xde: {  	v4 =	vsel vm2, $0x11, v4;
	vm1 =	vgt.f32 v63, v3;
	v3 =	vshll.u32 v8, $0x5  }
0xdf: {  	v4 =	vsel vm1, $0x12, v4;
	v3 =	vnsel vm0, $0x0, v3  }
0xe0: {  	v3 =	vadd.s32 v3, v4  }
0xe1: {  	s7 =	simm.s32 $0x80  }
0xe2: {  	s22 =	simm.s32 $0x2;
	s21 =	simm.s32 $0x10;
	s8 =	simm.s32 $0x4  }
0xe3: {  	s9 =	sand.u32 $0xC00, s7;
	s23 =	sand.u32 $0x70, s21;
	s24 =	sand.u32 $0x3FFFFF80, s8  }
.LBB2_2:
0xe4: {  	p0 =	sne.s32 s22, $0xFF;
	s8 =	sand.u32 $0xFFFFFF80, s8;
	s24 =	sadd.s32 s9, s24  }
0xe5: {  	s9 =	sadd.s32 s9, s8;
	s8 =	sor.u32 s23, s24;
	[tilespmem:v3+s5+$0x0] =	vst.idx.add.f32.msk vm0, v2  }
0xe6: {  	s23 =	sor.u32 s23, s9;
	v3 =	vld [tilespmem:s8+$0x1000]  }
0xe7: {  	v4 =	vld [tilespmem:s23+$0x0];
	_ =	sdelay $0x1  }
0xe8: {  	v5 =	vld [tilespmem:s8+$0x2000];
	_ =	sdelay $0x1  }
0xe9: {  	v6 =	vld [tilespmem:s8+$0x3000]  }
0xea: {  	vm0 =	vgt.f32 v3, v4  }
0xeb: {  	v3 =	vsel vm0, v3, v4;
	v4 =	vld [tilespmem:s8+$0x4000]  }
0xec: {  	vm1 =	vgt.f32 v5, v3  }
0xed: {  	v3 =	vsel vm1, v5, v3;
	v5 =	vld [tilespmem:s8+$0x5000]  }
0xee: {  	vm2 =	vgt.f32 v6, v3  }
0xef: {  	v3 =	vsel vm2, v6, v3;
	v6 =	vld [tilespmem:s8+$0x6000]  }
0xf0: {  	vm3 =	vgt.f32 v4, v3  }
0xf1: {  	v3 =	vsel vm3, v4, v3;
	v4 =	vld [tilespmem:s8+$0x7000]  }
0xf2: {  	vm4 =	vgt.f32 v5, v3  }
0xf3: {  	v3 =	vsel vm4, v5, v3;
	v5 =	vld [tilespmem:s8+$0x8000]  }
0xf4: {  	vm5 =	vgt.f32 v6, v3  }
0xf5: {  	v3 =	vsel vm5, v6, v3;
	v6 =	vld [tilespmem:s8+$0x9000]  }
0xf6: {  	vm6 =	vgt.f32 v4, v3  }
0xf7: {  	v3 =	vsel vm6, v4, v3;
	v4 =	vld [tilespmem:s8+$0xA000]  }
0xf8: {  	vm7 =	vgt.f32 v5, v3  }
0xf9: {  	v3 =	vsel vm7, v5, v3;
	v5 =	vld [tilespmem:s8+$0xB000]  }
0xfa: {  	vm8 =	vgt.f32 v6, v3  }
0xfb: {  	v3 =	vsel vm8, v6, v3;
	v6 =	vld [tilespmem:s8+$0xC000]  }
0xfc: {  	v7 =	vsel vm0, $0x1, v1;
	vm0 =	vgt.f32 v4, v3  }
0xfd: {  	v7 =	vsel vm1, $0x2, v7;
	v3 =	vsel vm0, v4, v3;
	v4 =	vld [tilespmem:s8+$0xD000]  }
0xfe: {  	v7 =	vsel vm2, $0x3, v7;
	vm1 =	vgt.f32 v5, v3  }
0xff: {  	v7 =	vsel vm3, $0x4, v7;
	v3 =	vsel vm1, v5, v3;
	v5 =	vld [tilespmem:s8+$0xE000]  }
0x100: {  	v7 =	vsel vm4, $0x5, v7;
	vm2 =	vgt.f32 v6, v3  }
0x101: {  	v7 =	vsel vm5, $0x6, v7;
	v3 =	vsel vm2, v6, v3;
	v6 =	vld [tilespmem:s8+$0xF000]  }
0x102: {  	v7 =	vsel vm6, $0x7, v7;
	vm3 =	vgt.f32 v4, v3  }
0x103: {  	v7 =	vsel vm7, $0x8, v7;
	v3 =	vsel vm3, v4, v3;
	v4 =	vld [tilespmem:s8+$0x10000]  }
0x104: {  	v7 =	vsel vm8, $0x9, v7;
	vm4 =	vgt.f32 v5, v3  }
0x105: {  	v7 =	vsel vm0, $0xA, v7;
	v3 =	vsel vm4, v5, v3;
	v5 =	vld [tilespmem:s8+$0x11000]  }
0x106: {  	v7 =	vsel vm1, $0xB, v7;
	vm0 =	vgt.f32 v6, v3;
	v8 =	vld [tilespmem:s23+$0x13000]  }
0x107: {  	v7 =	vsel vm2, $0xC, v7;
	v3 =	vsel vm0, v6, v3;
	v6 =	vld [tilespmem:s8+$0x12000]  }
0x108: {  	v7 =	vsel vm3, $0xD, v7;
	vm1 =	vgt.f32 v4, v3  }
0x109: {  	v7 =	vsel vm4, $0xE, v7;
	v3 =	vsel vm1, v4, v3  }
0x10a: {  	v4 =	vsel vm0, $0xF, v7;
	vm2 =	vgt.f32 v5, v3  }
0x10b: {  	v4 =	vsel vm1, $0x10, v4;
	v3 =	vsel vm2, v5, v3;
	vm0 =	vlt.u32 v8, $0x13  }
0x10c: {  	v4 =	vsel vm2, $0x11, v4;
	vm1 =	vgt.f32 v6, v3;
	v3 =	vshll.u32 v8, $0x5  }
.Ltmp0:
0x10d: {  	v4 =	vsel vm1, $0x12, v4;
	v3 =	vnsel vm0, $0x0, v3;
	(pc) =	sbr.rel @p0 .LBB2_2-.Ltmp0, $4  }
0x10e: {  	v3 =	vadd.s32 v3, v4  }
0x10f: {  	s21 =	sadd.s32 $0x10, s21  }
0x110: {  	s7 =	sadd.s32 $0x80, s7;
	s23 =	sand.u32 $0x70, s21;
	s8 =	sshll.u32 s22, $0x2  }
0x111: {  	s9 =	sand.u32 $0xC00, s7;
	s22 =	sadd.s32 $0x1, s22;
	s24 =	sand.u32 $0x3FFFFF80, s8  }
0x112: {  	_ =	sdelay $0x3  }
0x113: {  	s7 =	sand.u32 $0xFFFFFF80, s8;
	s24 =	sadd.s32 s9, s24  }
0x114: {  	[tilespmem:v3+s5+$0x0] =	vst.idx.add.f32.msk vm0, v2;
	s7 =	sadd.s32 s9, s7;
	s21 =	sor.u32 s23, s24  }
0x115: {  	s22 =	sor.u32 s23, s7;
	v3 =	vld [tilespmem:s21+$0x1000]  }
0x116: {  	v4 =	vld [tilespmem:s22+$0x0];
	_ =	sdelay $0x1  }
0x117: {  	v5 =	vld [tilespmem:s21+$0x2000];
	_ =	sdelay $0x1  }
0x118: {  	v6 =	vld [tilespmem:s21+$0x3000]  }
0x119: {  	vm0 =	vgt.f32 v3, v4  }
0x11a: {  	v3 =	vsel vm0, v3, v4;
	v4 =	vld [tilespmem:s21+$0x4000]  }
0x11b: {  	vm1 =	vgt.f32 v5, v3  }
0x11c: {  	v3 =	vsel vm1, v5, v3;
	v5 =	vld [tilespmem:s21+$0x5000]  }
0x11d: {  	vm2 =	vgt.f32 v6, v3  }
0x11e: {  	v51 =	vld [tilespmem:s21+$0x6000];
	v3 =	vsel vm2, v6, v3  }
0x11f: {  	vm3 =	vgt.f32 v4, v3  }
0x120: {  	v3 =	vsel vm3, v4, v3;
	v4 =	vld [tilespmem:s21+$0x7000]  }
0x121: {  	vm4 =	vgt.f32 v5, v3  }
0x122: {  	v3 =	vsel vm4, v5, v3;
	v5 =	vld [tilespmem:s21+$0x8000]  }
0x123: {  	vm5 =	vgt.f32 v51, v3  }
0x124: {  	v52 =	vld [tilespmem:s21+$0x9000];
	v3 =	vsel vm5, v51, v3  }
0x125: {  	vm6 =	vgt.f32 v4, v3  }
0x126: {  	v3 =	vsel vm6, v4, v3;
	v4 =	vld [tilespmem:s21+$0xA000]  }
0x127: {  	vm7 =	vgt.f32 v5, v3  }
0x128: {  	v3 =	vsel vm7, v5, v3;
	v5 =	vld [tilespmem:s21+$0xB000]  }
0x129: {  	vm8 =	vgt.f32 v52, v3  }
0x12a: {  	v53 =	vld [tilespmem:s21+$0xC000];
	v3 =	vsel vm8, v52, v3  }
0x12b: {  	v7 =	vsel vm0, $0x1, v1;
	vm0 =	vgt.f32 v4, v3  }
0x12c: {  	v7 =	vsel vm1, $0x2, v7;
	v3 =	vsel vm0, v4, v3;
	v4 =	vld [tilespmem:s21+$0xD000]  }
0x12d: {  	v7 =	vsel vm2, $0x3, v7;
	vm1 =	vgt.f32 v5, v3  }
0x12e: {  	v7 =	vsel vm3, $0x4, v7;
	v3 =	vsel vm1, v5, v3;
	v5 =	vld [tilespmem:s21+$0xE000]  }
0x12f: {  	v7 =	vsel vm4, $0x5, v7;
	vm2 =	vgt.f32 v53, v3  }
0x130: {  	v54 =	vld [tilespmem:s21+$0xF000];
	v7 =	vsel vm5, $0x6, v7;
	v3 =	vsel vm2, v53, v3  }
0x131: {  	v7 =	vsel vm6, $0x7, v7;
	vm3 =	vgt.f32 v4, v3  }
0x132: {  	v7 =	vsel vm7, $0x8, v7;
	v3 =	vsel vm3, v4, v3;
	v4 =	vld [tilespmem:s21+$0x10000]  }
0x133: {  	v7 =	vsel vm8, $0x9, v7;
	vm14 =	vgt.f32 v5, v3  }
0x134: {  	v7 =	vsel vm0, $0xA, v7;
	v3 =	vsel vm14, v5, v3;
	v5 =	vld [tilespmem:s21+$0x11000]  }
0x135: {  	v8 =	vld [tilespmem:s22+$0x13000];
	v7 =	vsel vm1, $0xB, v7;
	vm0 =	vgt.f32 v54, v3  }
0x136: {  	v55 =	vld [tilespmem:s21+$0x12000];
	v7 =	vsel vm2, $0xC, v7;
	v3 =	vsel vm0, v54, v3  }
0x137: {  	v7 =	vsel vm3, $0xD, v7;
	vm1 =	vgt.f32 v4, v3  }
0x138: {  	v7 =	vsel vm14, $0xE, v7;
	v3 =	vsel vm1, v4, v3  }
0x139: {  	v4 =	vsel vm0, $0xF, v7;
	vm0 =	vgt.f32 v5, v3  }
0x13a: {  	v4 =	vsel vm1, $0x10, v4;
	vm1 =	vlt.u32 v8, $0x13;
	v3 =	vsel vm0, v5, v3  }
0x13b: {  	v4 =	vsel vm0, $0x11, v4;
	vm0 =	vgt.f32 v55, v3;
	v3 =	vshll.u32 v8, $0x5  }
0x13c: {  	v4 =	vsel vm0, $0x12, v4;
	v3 =	vnsel vm1, $0x0, v3  }
0x13d: {  	v3 =	vadd.s32 v3, v4;
	_ =	sdelay $0x4  }
0x13e: {  	s7 =	simm.s32 $0x0;
	s23 =	rddreg [dreg:$0x1a];
	[tilespmem:v3+s5+$0x0] =	vst.idx.add.f32.msk vm1, v2  }
0x13f: {  	[tilespmem:s7], [sflag:$0x1] =	stream.linear.gather [hbm4b:s19+s7], $0x1000, $0x38;
	[tilespmem:$0x14280] =	vst v63  }
0x140: {  	s24 =	simm.s32 $0x1000;
	s21 =	rddreg [dreg:$0x1b]  }
0x141: {  	[tilespmem:s24], [sflag:$0x1] =	stream.linear.gather [hbm4b:s23+s7], $0x1000, $0x38;
	[tilespmem:$0x14280] =	vst v63  }
0x142: {  	s22 =	simm.s32 $0x2000;
	s23 =	rddreg [dreg:$0x1c]  }
0x143: {  	[tilespmem:s22], [sflag:$0x1] =	stream.linear.gather [hbm4b:s21+s7], $0x1000, $0x38;
	[tilespmem:$0x14280] =	vst v63  }
0x144: {  	s24 =	simm.s32 $0x3000;
	s21 =	rddreg [dreg:$0x1d]  }
0x145: {  	[tilespmem:s24], [sflag:$0x1] =	stream.linear.gather [hbm4b:s23+s7], $0x1000, $0x38;
	[tilespmem:$0x14280] =	vst v63  }
0x146: {  	s22 =	simm.s32 $0x4000;
	s23 =	rddreg [dreg:$0x1e]  }
0x147: {  	[tilespmem:s22], [sflag:$0x1] =	stream.linear.gather [hbm4b:s21+s7], $0x1000, $0x38;
	[tilespmem:$0x14280] =	vst v63  }
0x148: {  	s24 =	simm.s32 $0x5000;
	s21 =	rddreg [dreg:$0x1f]  }
0x149: {  	[tilespmem:s24], [sflag:$0x1] =	stream.linear.gather [hbm4b:s23+s7], $0x1000, $0x38;
	[tilespmem:$0x14280] =	vst v63  }
0x14a: {  	s22 =	simm.s32 $0x6000;
	s23 =	sld [smem:$0x7F8]  }
0x14b: {  	[tilespmem:s22], [sflag:$0x1] =	stream.linear.gather [hbm4b:s21+s7], $0x1000, $0x38;
	[tilespmem:$0x14280] =	vst v63  }
0x14c: {  	s24 =	simm.s32 $0x7000;
	s21 =	sld [smem:$0x7F9]  }
0x14d: {  	[tilespmem:s24], [sflag:$0x1] =	stream.linear.gather [hbm4b:s23+s7], $0x1000, $0x38;
	[tilespmem:$0x14280] =	vst v63  }
0x14e: {  	s22 =	simm.s32 $0x8000;
	s23 =	sld [smem:$0x7FA]  }
0x14f: {  	[tilespmem:s22], [sflag:$0x1] =	stream.linear.gather [hbm4b:s21+s7], $0x1000, $0x38;
	[tilespmem:$0x14280] =	vst v63  }
0x150: {  	s24 =	sld [smem:$0x7FB]  }
0x151: {  	[tilespmem:s25], [sflag:$0x1] =	stream.linear.gather [hbm4b:s23+s7], $0x1000, $0x38;
	[tilespmem:$0x14280] =	vst v63  }
0x152: {  	s9 =	sld [smem:$0x7FC]  }
0x153: {  	[tilespmem:s26], [sflag:$0x1] =	stream.linear.gather [hbm4b:s24+s7], $0x1000, $0x38;
	[tilespmem:$0x14280] =	vst v63  }
0x154: {  	s21 =	sld [smem:$0x7FD]  }
0x155: {  	[tilespmem:s28], [sflag:$0x1] =	stream.linear.gather [hbm4b:s9+s7], $0x1000, $0x38;
	[tilespmem:$0x14280] =	vst v63  }
0x156: {  	_ = 	snop  }
0x157: {  	[tilespmem:s29], [sflag:$0x1] =	stream.linear.gather [hbm4b:s21+s7], $0x1000, $0x38;
	[tilespmem:$0x14280] =	vst v63  }
0x158: {  	_ = 	snop  }
0x159: {  	[tilespmem:s30], [sflag:$0x1] =	stream.linear.gather [hbm4b:s10+s7], $0x1000, $0x38;
	[tilespmem:$0x14280] =	vst v63  }
0x15a: {  	_ = 	snop  }
0x15b: {  	[tilespmem:s31], [sflag:$0x1] =	stream.linear.gather [hbm4b:s11+s7], $0x1000, $0x38;
	[tilespmem:$0x14280] =	vst v63  }
0x15c: {  	_ = 	snop  }
0x15d: {  	[tilespmem:s1], [sflag:$0x1] =	stream.linear.gather [hbm4b:s12+s7], $0x1000, $0x38;
	[tilespmem:$0x14280] =	vst v63  }
0x15e: {  	_ = 	snop  }
0x15f: {  	[tilespmem:s16], [sflag:$0x1] =	stream.linear.gather [hbm4b:s13+s7], $0x1000, $0x38;
	[tilespmem:$0x14280] =	vst v63  }
0x160: {  	_ = 	snop  }
0x161: {  	[tilespmem:s0], [sflag:$0x1] =	stream.linear.gather [hbm4b:s14+s7], $0x1000, $0x38;
	[tilespmem:$0x14280] =	vst v63  }
0x162: {  	_ = 	snop  }
0x163: {  	[tilespmem:s17], [sflag:$0x1] =	stream.linear.gather [hbm4b:s15+s7], $0x1000, $0x38;
	[tilespmem:$0x14280] =	vst v63  }
0x164: {  	s22 =	rddreg [dreg:$0x15]  }
0x165: {  	[tilespmem:s4], [sflag:$0x1] =	stream.linear.gather [hbm4b:s22+s7], $0x1000, $0x38;
	[tilespmem:$0x14280] =	vst v63  }
0x166: {  	_ =	swait.ge [sflag:s18], $0x1000  }
0x167: {  	[sflag:s18] =	ssyncset.done $0x0  }
0x168: {  	[sflag:s18] =	ssyncadd.s32 $0xFFFFF000  }
0x169: {  	_ =	swait.ge [sflag:s18], $0x1000  }
0x16a: {  	[sflag:s18] =	ssyncset.done $0x0  }
0x16b: {  	[sflag:s18] =	ssyncadd.s32 $0xFFFFF000  }
0x16c: {  	_ =	swait.ge [sflag:s18], $0x1000  }
0x16d: {  	[sflag:s18] =	ssyncset.done $0x0  }
0x16e: {  	[sflag:s18] =	ssyncadd.s32 $0xFFFFF000  }
0x16f: {  	_ =	swait.ge [sflag:s18], $0x1000  }
0x170: {  	[sflag:s18] =	ssyncset.done $0x0  }
0x171: {  	[sflag:s18] =	ssyncadd.s32 $0xFFFFF000  }
0x172: {  	_ =	swait.ge [sflag:s18], $0x1000  }
0x173: {  	[sflag:s18] =	ssyncset.done $0x0  }
0x174: {  	[sflag:s18] =	ssyncadd.s32 $0xFFFFF000  }
0x175: {  	_ =	swait.ge [sflag:s18], $0x1000  }
0x176: {  	[sflag:s18] =	ssyncset.done $0x0  }
0x177: {  	[sflag:s18] =	ssyncadd.s32 $0xFFFFF000  }
0x178: {  	_ =	swait.ge [sflag:s18], $0x1000  }
0x179: {  	[sflag:s18] =	ssyncset.done $0x0  }
0x17a: {  	[sflag:s18] =	ssyncadd.s32 $0xFFFFF000  }
0x17b: {  	_ =	swait.ge [sflag:s18], $0x1000  }
0x17c: {  	[sflag:s18] =	ssyncset.done $0x0  }
0x17d: {  	[sflag:s18] =	ssyncadd.s32 $0xFFFFF000  }
0x17e: {  	_ =	swait.ge [sflag:s18], $0x1000  }
0x17f: {  	[sflag:s18] =	ssyncset.done $0x0  }
0x180: {  	[sflag:s18] =	ssyncadd.s32 $0xFFFFF000  }
0x181: {  	_ =	swait.ge [sflag:s18], $0x1000  }
0x182: {  	[sflag:s18] =	ssyncset.done $0x0  }
0x183: {  	[sflag:s18] =	ssyncadd.s32 $0xFFFFF000  }
0x184: {  	_ =	swait.ge [sflag:s18], $0x1000  }
0x185: {  	[sflag:s18] =	ssyncset.done $0x0  }
0x186: {  	[sflag:s18] =	ssyncadd.s32 $0xFFFFF000  }
0x187: {  	_ =	swait.ge [sflag:s18], $0x1000  }
0x188: {  	[sflag:s18] =	ssyncset.done $0x0  }
0x189: {  	[sflag:s18] =	ssyncadd.s32 $0xFFFFF000  }
0x18a: {  	_ =	swait.ge [sflag:s18], $0x1000  }
0x18b: {  	[sflag:s18] =	ssyncset.done $0x0  }
0x18c: {  	[sflag:s18] =	ssyncadd.s32 $0xFFFFF000  }
0x18d: {  	_ =	swait.ge [sflag:s18], $0x1000  }
0x18e: {  	[sflag:s18] =	ssyncset.done $0x0  }
0x18f: {  	[sflag:s18] =	ssyncadd.s32 $0xFFFFF000  }
0x190: {  	_ =	swait.ge [sflag:s18], $0x1000  }
0x191: {  	[sflag:s18] =	ssyncset.done $0x0  }
0x192: {  	[sflag:s18] =	ssyncadd.s32 $0xFFFFF000  }
0x193: {  	_ =	swait.ge [sflag:s18], $0x1000  }
0x194: {  	[sflag:s18] =	ssyncset.done $0x0  }
0x195: {  	[sflag:s18] =	ssyncadd.s32 $0xFFFFF000  }
0x196: {  	_ =	swait.ge [sflag:s18], $0x1000  }
0x197: {  	[sflag:s18] =	ssyncset.done $0x0  }
0x198: {  	[sflag:s18] =	ssyncadd.s32 $0xFFFFF000  }
0x199: {  	_ =	swait.ge [sflag:s18], $0x1000  }
0x19a: {  	[sflag:s18] =	ssyncset.done $0x0  }
0x19b: {  	[sflag:s18] =	ssyncadd.s32 $0xFFFFF000  }
0x19c: {  	_ =	swait.ge [sflag:s18], $0x1000  }
0x19d: {  	s23 =	simm.s32 $0x0;
	[sflag:s18] =	ssyncset.done $0x0  }
0x19e: {  	s8 =	sand.u32 $0xFFFFFF80, s23;
	[sflag:s18] =	ssyncadd.s32 $0xFFFFF000  }
0x19f: {  	s24 =	sand.u32 $0xC00, s7;
	s21 =	sand.u32 $0x3FFFFF80, s23;
	_ =	swait.ge [sflag:s18], $0x1000  }
0x1a0: {  	s21 =	sadd.s32 s24, s21;
	s22 =	sand.u32 $0x70, s7;
	[sflag:s18] =	ssyncset.done $0x0  }
0x1a1: {  	s9 =	sadd.s32 s24, s8;
	s23 =	sor.u32 s22, s21;
	[sflag:s18] =	ssyncadd.s32 $0xFFFFF000  }
0x1a2: {  	s24 =	sor.u32 s22, s9;
	v3 =	vld [tilespmem:s23+$0x1000]  }
0x1a3: {  	v4 =	vld [tilespmem:s24+$0x0];
	_ =	sdelay $0x1  }
0x1a4: {  	v5 =	vld [tilespmem:s23+$0x2000];
	_ =	sdelay $0x1  }
0x1a5: {  	v56 =	vld [tilespmem:s23+$0x3000]  }
0x1a6: {  	vm0 =	vgt.f32 v3, v4  }
0x1a7: {  	v3 =	vsel vm0, v3, v4;
	v4 =	vld [tilespmem:s23+$0x4000]  }
0x1a8: {  	vm1 =	vgt.f32 v5, v3  }
0x1a9: {  	v3 =	vsel vm1, v5, v3;
	v5 =	vld [tilespmem:s23+$0x5000]  }
0x1aa: {  	vm2 =	vgt.f32 v56, v3  }
0x1ab: {  	v57 =	vld [tilespmem:s23+$0x6000];
	v3 =	vsel vm2, v56, v3  }
0x1ac: {  	vm3 =	vgt.f32 v4, v3  }
0x1ad: {  	v3 =	vsel vm3, v4, v3;
	v4 =	vld [tilespmem:s23+$0x7000]  }
0x1ae: {  	vm4 =	vgt.f32 v5, v3  }
0x1af: {  	v3 =	vsel vm4, v5, v3;
	v5 =	vld [tilespmem:s23+$0x8000]  }
0x1b0: {  	vm15 =	vgt.f32 v57, v3  }
0x1b1: {  	v58 =	vld [tilespmem:s23+$0x9000];
	v3 =	vsel vm15, v57, v3  }
0x1b2: {  	vm12 =	vgt.f32 v4, v3  }
0x1b3: {  	v3 =	vsel vm12, v4, v3;
	v4 =	vld [tilespmem:s23+$0xA000]  }
0x1b4: {  	vm13 =	vgt.f32 v5, v3  }
0x1b5: {  	v3 =	vsel vm13, v5, v3;
	v5 =	vld [tilespmem:s23+$0xB000]  }
0x1b6: {  	vm14 =	vgt.f32 v58, v3  }
0x1b7: {  	v59 =	vld [tilespmem:s23+$0xC000];
	v3 =	vsel vm14, v58, v3  }
0x1b8: {  	v60 =	vsel vm0, $0x1, v1;
	vm0 =	vgt.f32 v4, v3  }
0x1b9: {  	v7 =	vsel vm1, $0x2, v60;
	v3 =	vsel vm0, v4, v3;
	v4 =	vld [tilespmem:s23+$0xD000]  }
0x1ba: {  	v7 =	vsel vm2, $0x3, v7;
	vm1 =	vgt.f32 v5, v3  }
0x1bb: {  	v7 =	vsel vm3, $0x4, v7;
	v3 =	vsel vm1, v5, v3;
	v5 =	vld [tilespmem:s23+$0xE000]  }
0x1bc: {  	v7 =	vsel vm4, $0x5, v7;
	vm2 =	vgt.f32 v59, v3  }
0x1bd: {  	v61 =	vld [tilespmem:s23+$0xF000];
	v7 =	vsel vm15, $0x6, v7;
	v3 =	vsel vm2, v59, v3  }
0x1be: {  	v7 =	vsel vm12, $0x7, v7;
	vm3 =	vgt.f32 v4, v3  }
0x1bf: {  	v7 =	vsel vm13, $0x8, v7;
	v3 =	vsel vm3, v4, v3;
	v4 =	vld [tilespmem:s23+$0x10000]  }
0x1c0: {  	v7 =	vsel vm14, $0x9, v7;
	vm15 =	vgt.f32 v5, v3  }
0x1c1: {  	v7 =	vsel vm0, $0xA, v7;
	v3 =	vsel vm15, v5, v3;
	v5 =	vld [tilespmem:s23+$0x11000]  }
0x1c2: {  	v62 =	vld [tilespmem:s24+$0x13000];
	v7 =	vsel vm1, $0xB, v7;
	vm0 =	vgt.f32 v61, v3  }
0x1c3: {  	v63 =	vld [tilespmem:s23+$0x12000];
	v7 =	vsel vm2, $0xC, v7;
	v3 =	vsel vm0, v61, v3  }
0x1c4: {  	v7 =	vsel vm3, $0xD, v7;
	vm1 =	vgt.f32 v4, v3  }
0x1c5: {  	v7 =	vsel vm15, $0xE, v7;
	v3 =	vsel vm1, v4, v3  }
0x1c6: {  	v4 =	vsel vm0, $0xF, v7;
	vm2 =	vgt.f32 v5, v3  }
0x1c7: {  	vm0 =	vlt.u32 v62, $0x13;
	v4 =	vsel vm1, $0x10, v4;
	v3 =	vsel vm2, v5, v3  }
0x1c8: {  	v4 =	vsel vm2, $0x11, v4;
	vm1 =	vgt.f32 v63, v3;
	v3 =	vshll.u32 v62, $0x5  }
0x1c9: {  	v4 =	vsel vm1, $0x12, v4;
	v3 =	vnsel vm0, $0x0, v3  }
0x1ca: {  	v3 =	vadd.s32 v3, v4  }
0x1cb: {  	s7 =	simm.s32 $0x80  }
0x1cc: {  	s8 =	simm.s32 $0x4;
	s21 =	simm.s32 $0x10;
	s9 =	sand.u32 $0xC00, s7  }
0x1cd: {  	s22 =	simm.s32 $0x2;
	s24 =	sand.u32 $0x3FFFFF80, s8;
	s23 =	sand.u32 $0x70, s21  }
.LBB2_4:
0x1ce: {  	p0 =	sne.s32 s22, $0xFF;
	s8 =	sand.u32 $0xFFFFFF80, s8;
	s24 =	sadd.s32 s9, s24  }
0x1cf: {  	s9 =	sadd.s32 s9, s8;
	s8 =	sor.u32 s23, s24;
	[tilespmem:v3+s5+$0x0] =	vst.idx.add.f32.msk vm0, v2  }
0x1d0: {  	s23 =	sor.u32 s23, s9;
	v3 =	vld [tilespmem:s8+$0x1000]  }
0x1d1: {  	v4 =	vld [tilespmem:s23+$0x0];
	_ =	sdelay $0x1  }
0x1d2: {  	v5 =	vld [tilespmem:s8+$0x2000];
	_ =	sdelay $0x1  }
0x1d3: {  	v6 =	vld [tilespmem:s8+$0x3000]  }
0x1d4: {  	vm0 =	vgt.f32 v3, v4  }
0x1d5: {  	v3 =	vsel vm0, v3, v4;
	v4 =	vld [tilespmem:s8+$0x4000]  }
0x1d6: {  	vm1 =	vgt.f32 v5, v3  }
0x1d7: {  	v3 =	vsel vm1, v5, v3;
	v5 =	vld [tilespmem:s8+$0x5000]  }
0x1d8: {  	vm2 =	vgt.f32 v6, v3  }
0x1d9: {  	v3 =	vsel vm2, v6, v3;
	v6 =	vld [tilespmem:s8+$0x6000]  }
0x1da: {  	vm3 =	vgt.f32 v4, v3  }
0x1db: {  	v3 =	vsel vm3, v4, v3;
	v4 =	vld [tilespmem:s8+$0x7000]  }
0x1dc: {  	vm4 =	vgt.f32 v5, v3  }
0x1dd: {  	v3 =	vsel vm4, v5, v3;
	v5 =	vld [tilespmem:s8+$0x8000]  }
0x1de: {  	vm5 =	vgt.f32 v6, v3  }
0x1df: {  	v3 =	vsel vm5, v6, v3;
	v6 =	vld [tilespmem:s8+$0x9000]  }
0x1e0: {  	vm6 =	vgt.f32 v4, v3  }
0x1e1: {  	v3 =	vsel vm6, v4, v3;
	v4 =	vld [tilespmem:s8+$0xA000]  }
0x1e2: {  	vm7 =	vgt.f32 v5, v3  }
0x1e3: {  	v3 =	vsel vm7, v5, v3;
	v5 =	vld [tilespmem:s8+$0xB000]  }
0x1e4: {  	vm8 =	vgt.f32 v6, v3  }
0x1e5: {  	v3 =	vsel vm8, v6, v3;
	v6 =	vld [tilespmem:s8+$0xC000]  }
0x1e6: {  	v7 =	vsel vm0, $0x1, v1;
	vm0 =	vgt.f32 v4, v3  }
0x1e7: {  	v7 =	vsel vm1, $0x2, v7;
	v3 =	vsel vm0, v4, v3;
	v4 =	vld [tilespmem:s8+$0xD000]  }
0x1e8: {  	v7 =	vsel vm2, $0x3, v7;
	vm1 =	vgt.f32 v5, v3  }
0x1e9: {  	v7 =	vsel vm3, $0x4, v7;
	v3 =	vsel vm1, v5, v3;
	v5 =	vld [tilespmem:s8+$0xE000]  }
0x1ea: {  	v7 =	vsel vm4, $0x5, v7;
	vm2 =	vgt.f32 v6, v3  }
0x1eb: {  	v7 =	vsel vm5, $0x6, v7;
	v3 =	vsel vm2, v6, v3;
	v6 =	vld [tilespmem:s8+$0xF000]  }
0x1ec: {  	v7 =	vsel vm6, $0x7, v7;
	vm3 =	vgt.f32 v4, v3  }
0x1ed: {  	v7 =	vsel vm7, $0x8, v7;
	v3 =	vsel vm3, v4, v3;
	v4 =	vld [tilespmem:s8+$0x10000]  }
0x1ee: {  	v7 =	vsel vm8, $0x9, v7;
	vm4 =	vgt.f32 v5, v3  }
0x1ef: {  	v7 =	vsel vm0, $0xA, v7;
	v3 =	vsel vm4, v5, v3;
	v5 =	vld [tilespmem:s8+$0x11000]  }
0x1f0: {  	v7 =	vsel vm1, $0xB, v7;
	vm0 =	vgt.f32 v6, v3;
	v8 =	vld [tilespmem:s23+$0x13000]  }
0x1f1: {  	v7 =	vsel vm2, $0xC, v7;
	v3 =	vsel vm0, v6, v3;
	v6 =	vld [tilespmem:s8+$0x12000]  }
0x1f2: {  	v7 =	vsel vm3, $0xD, v7;
	vm1 =	vgt.f32 v4, v3  }
0x1f3: {  	v7 =	vsel vm4, $0xE, v7;
	v3 =	vsel vm1, v4, v3  }
0x1f4: {  	v4 =	vsel vm0, $0xF, v7;
	vm2 =	vgt.f32 v5, v3  }
0x1f5: {  	v4 =	vsel vm1, $0x10, v4;
	v3 =	vsel vm2, v5, v3;
	vm0 =	vlt.u32 v8, $0x13  }
0x1f6: {  	v4 =	vsel vm2, $0x11, v4;
	vm1 =	vgt.f32 v6, v3;
	v3 =	vshll.u32 v8, $0x5  }
.Ltmp1:
0x1f7: {  	v4 =	vsel vm1, $0x12, v4;
	v3 =	vnsel vm0, $0x0, v3;
	(pc) =	sbr.rel @p0 .LBB2_4-.Ltmp1, $4  }
0x1f8: {  	v3 =	vadd.s32 v3, v4  }
0x1f9: {  	s21 =	sadd.s32 $0x10, s21  }
0x1fa: {  	s7 =	sadd.s32 $0x80, s7;
	s23 =	sand.u32 $0x70, s21;
	s8 =	sshll.u32 s22, $0x2  }
0x1fb: {  	s9 =	sand.u32 $0xC00, s7;
	s22 =	sadd.s32 $0x1, s22;
	s24 =	sand.u32 $0x3FFFFF80, s8  }
0x1fc: {  	_ =	sdelay $0x3  }
0x1fd: {  	s7 =	sand.u32 $0xFFFFFF80, s8;
	s24 =	sadd.s32 s9, s24  }
0x1fe: {  	[tilespmem:v3+s5+$0x0] =	vst.idx.add.f32.msk vm0, v2;
	s7 =	sadd.s32 s9, s7;
	s21 =	sor.u32 s23, s24  }
0x1ff: {  	s22 =	sor.u32 s23, s7;
	v3 =	vld [tilespmem:s21+$0x1000]  }
0x200: {  	v4 =	vld [tilespmem:s22+$0x0];
	_ =	sdelay $0x1  }
0x201: {  	v5 =	vld [tilespmem:s21+$0x2000];
	_ =	sdelay $0x1  }
0x202: {  	v6 =	vld [tilespmem:s21+$0x3000]  }
0x203: {  	vm12 =	vgt.f32 v3, v4  }
0x204: {  	v48 =	vld [tilespmem:s21+$0x4000];
	v3 =	vsel vm12, v3, v4  }
0x205: {  	vm1 =	vgt.f32 v5, v3  }
0x206: {  	v49 =	vld [tilespmem:s21+$0x5000];
	v3 =	vsel vm1, v5, v3  }
0x207: {  	vm2 =	vgt.f32 v6, v3  }
0x208: {  	v50 =	vld [tilespmem:s21+$0x6000];
	v3 =	vsel vm2, v6, v3  }
0x209: {  	vm3 =	vgt.f32 v48, v3  }
0x20a: {  	v51 =	vld [tilespmem:s21+$0x7000];
	v3 =	vsel vm3, v48, v3  }
0x20b: {  	vm4 =	vgt.f32 v49, v3  }
0x20c: {  	v52 =	vld [tilespmem:s21+$0x8000];
	v3 =	vsel vm4, v49, v3  }
0x20d: {  	vm5 =	vgt.f32 v50, v3  }
0x20e: {  	v53 =	vld [tilespmem:s21+$0x9000];
	v3 =	vsel vm5, v50, v3  }
0x20f: {  	vm6 =	vgt.f32 v51, v3  }
0x210: {  	v54 =	vld [tilespmem:s21+$0xA000];
	v3 =	vsel vm6, v51, v3  }
0x211: {  	vm7 =	vgt.f32 v52, v3  }
0x212: {  	v55 =	vld [tilespmem:s21+$0xB000];
	v3 =	vsel vm7, v52, v3  }
0x213: {  	vm8 =	vgt.f32 v53, v3  }
0x214: {  	v56 =	vld [tilespmem:s21+$0xC000];
	v3 =	vsel vm8, v53, v3  }
0x215: {  	v7 =	vsel vm12, $0x1, v1;
	vm13 =	vgt.f32 v54, v3  }
0x216: {  	v57 =	vld [tilespmem:s21+$0xD000];
	v7 =	vsel vm1, $0x2, v7;
	v3 =	vsel vm13, v54, v3  }
0x217: {  	v7 =	vsel vm2, $0x3, v7;
	vm14 =	vgt.f32 v55, v3  }
0x218: {  	v58 =	vld [tilespmem:s21+$0xE000];
	v7 =	vsel vm3, $0x4, v7;
	v3 =	vsel vm14, v55, v3  }
0x219: {  	v7 =	vsel vm4, $0x5, v7;
	vm15 =	vgt.f32 v56, v3  }
0x21a: {  	v59 =	vld [tilespmem:s21+$0xF000];
	v7 =	vsel vm5, $0x6, v7;
	v3 =	vsel vm15, v56, v3  }
0x21b: {  	v7 =	vsel vm6, $0x7, v7;
	vm9 =	vgt.f32 v57, v3  }
0x21c: {  	v60 =	vld [tilespmem:s21+$0x10000];
	v7 =	vsel vm7, $0x8, v7;
	v3 =	vsel vm9, v57, v3  }
0x21d: {  	v7 =	vsel vm8, $0x9, v7;
	vm10 =	vgt.f32 v58, v3  }
0x21e: {  	v61 =	vld [tilespmem:s21+$0x11000];
	v7 =	vsel vm13, $0xA, v7;
	v3 =	vsel vm10, v58, v3  }
0x21f: {  	v8 =	vld [tilespmem:s22+$0x13000];
	v7 =	vsel vm14, $0xB, v7;
	vm11 =	vgt.f32 v59, v3  }
0x220: {  	v62 =	vld [tilespmem:s21+$0x12000];
	v7 =	vsel vm15, $0xC, v7;
	v3 =	vsel vm11, v59, v3  }
0x221: {  	v7 =	vsel vm9, $0xD, v7;
	vm12 =	vgt.f32 v60, v3  }
0x222: {  	v7 =	vsel vm10, $0xE, v7;
	v3 =	vsel vm12, v60, v3  }
0x223: {  	v63 =	vsel vm11, $0xF, v7;
	vm13 =	vgt.f32 v61, v3  }
0x224: {  	vm14 =	vlt.u32 v8, $0x13;
	v4 =	vsel vm12, $0x10, v63;
	v3 =	vsel vm13, v61, v3  }
0x225: {  	v4 =	vsel vm13, $0x11, v4;
	vm15 =	vgt.f32 v62, v3;
	v3 =	vshll.u32 v8, $0x5  }
0x226: {  	v4 =	vsel vm15, $0x12, v4;
	v3 =	vnsel vm14, $0x0, v3  }
0x227: {  	v3 =	vadd.s32 v3, v4;
	_ =	sdelay $0x4  }
0x228: {  	s23 =	rddreg [dreg:$0x17];
	[tilespmem:v3+s5+$0x0] =	vst.idx.add.f32.msk vm14, v2  }
0x229: {  	[hbm4b:s23+s2] =	stream.linear.scatter [tilespmem:s5], [sflag:$0x2], $0x260, $0x38;
	[tilespmem:$0x14280] =	vst v63  }
0x22a: {  	_ =	swait.ge [sflag:s20], $0x260  }
0x22b: {  	s6 =	sadd.s32 $0x1, s6;
	s24 =	rddreg [dreg:$0x18]  }
0x22c: {  	p0 =	sne.s32 s6, s24  }
.Ltmp2:
0x22d: {  	_ = 	snop;
	(pc) =	sbr.rel @p0 .LBB2_1-.Ltmp2, $3  }
0x22e: {  	_ =	sdelay $0x1  }
0x22f: {  	[sflag:s20] =	ssyncset.done $0x0  }
0x230: {  	[sflag:s20] =	ssyncadd.s32 $0xFFFFFDA0  }
0x231: {  	_ =	sfence.sel $0x180000  }
0x232: {  	[bflag:$0x0] =	sbarrier.arrive $0xFFFF  }
0x233: {  	_ =	strace $0x90000047  }
0x234: {  	s0 =	stileid.u32;
	[bflag:$0x2] =	sbarrier.arrive $0xFFFF  }
0x235: {  	p0 =	sne.s32 s0, $0x0;
	s0 =	rddreg [dreg:$0x3]  }
0x236: {  	s0 =	sadd.s32 @!p0 $0x100000, s0  }
0x237: {  	[sflag:s0] =	ssyncadd.tile.s32 @!p0 $0x1;
	_ =	shalt  }
.Lfunc_end2:
_tile_overlayer_lowered:
.L_overlay_start_2:
0x238: {  	(tag) =	ssettag $0x2  }
0x239: {  	s0 =	rddreg [dreg:$0x0];
	s2 =	stileid.u32  }
0x23a: {  	s1 =	rddreg [dreg:$0x1];
	p0 =	sne.s32 s2, $0x0  }
0x23b: {  	s3 =	rddreg [dreg:$0x2];
	[bflag:$0x3] =	sbarrier.arrive $0xFFFF;
	s2 =	simm.s32 @!p0 $0x1C02  }
0x23c: {  	[timem:s3], [sflag:s2] =	dma.local @!p0 [hbm:s0], s1  }
0x23d: {  	s0 =	simm.s32 @!p0 $0x2  }
0x23e: {  	_ =	swait.ge @!p0 [sflag:s0], s1  }
0x23f: {  	s1 =	ssub.s32 @!p0 $0x0, s1;
	[sflag:s0] =	ssyncset.done @!p0 $0x0  }
0x240: {  	[sflag:s0] =	ssyncadd.s32 @!p0 s1  }
0x241: {  	[bflag:$0x3] =	sbarrier.arrive $0xFFFF  }
0x242: {  	_ =	shalt  }

</sc_bundles>
